<compile_context>
chip_gen: v7x
topology: tpu7x:2x2x1
jax: 0.10.2.dev20260603
libtpu: 0.0.44.dev20260713+nightly
codegen_flags: <defaults>
</compile_context>

<pallas_src>
import functools
import math

import jax
import jax.numpy as jnp
from jax import lax
from jax.experimental import pallas as pl
from jax.experimental.pallas import tpu as pltpu
from jax.experimental.pallas import tpu_sc as plsc

N_NODES = 256
D = 128
ROWS = 64
G_SC = 2
NC = 2
NS = 16
NW = NC * NS
RPW = G_SC * N_NODES // NW
DC = D // 16


def _attn_weights_kernel(x_ref, wq_ref, wk_ref, w_ref, m_ref):
    b = pl.program_id(0)

    @pl.when(b == 0)
    def _():
        m = jnp.dot(wq_ref[:].T, wk_ref[:], preferred_element_type=jnp.float32)
        m_ref[:] = m * (1.0 / math.sqrt(D))

    xm = jnp.dot(x_ref[0], m_ref[:], preferred_element_type=jnp.float32)
    logits = jnp.dot(xm, x_ref[0].T, preferred_element_type=jnp.float32)
    e = jnp.exp(logits - jnp.max(logits, axis=-1, keepdims=True))
    w_ref[0] = e / jnp.sum(e, axis=-1, keepdims=True)


def _tc_stream_kernel(x_ref, wq_ref, wk_ref, adj_ref, out_ref, m_ref):
    b = pl.program_id(0)
    ib = pl.program_id(1)

    @pl.when(jnp.logical_and(b == 0, ib == 0))
    def _():
        m = jnp.dot(wq_ref[:].T, wk_ref[:], preferred_element_type=jnp.float32)
        m_ref[:] = m * (1.0 / math.sqrt(D))

    x_rows = x_ref[0, pl.ds(ib * ROWS, ROWS), :]
    xm = jnp.dot(x_rows, m_ref[:], preferred_element_type=jnp.float32)
    logits = jnp.dot(xm, x_ref[0].T, preferred_element_type=jnp.float32)
    e = jnp.exp(logits - jnp.max(logits, axis=-1, keepdims=True))
    acc = jax.lax.dot_general(
        e, adj_ref[0],
        dimension_numbers=(((1,), (1,)), ((0,), (0,))),
        preferred_element_type=jnp.float32,
    )
    out_ref[0] = acc / jnp.sum(e, axis=-1, keepdims=True)


def _sc_reduce_kernel(adj_hbm, w_hbm, out_hbm,
                      buf0, buf1, w_all, out_all, sem0, sem1):
    wid = lax.axis_index("s") * NC + lax.axis_index("c")
    base = wid * RPW

    pltpu.sync_copy(w_hbm.at[pl.ds(base, RPW)], w_all)
    pltpu.async_copy(adj_hbm.at[base], buf0, sem0)
    pltpu.async_copy(adj_hbm.at[base + 1], buf1, sem1)

    def compute_row(r, buf):
        def j_chunk(jc, accs):
            wv = w_all[r, pl.ds(jc * 16, 16)]
            for jj in range(16):
                wj = wv[jj]
                j = jc * 16 + jj
                accs = tuple(
                    accs[dc] + wj * buf[j, pl.ds(dc * 16, 16)]
                    for dc in range(DC)
                )
            return accs

        accs = lax.fori_loop(
            0, N_NODES // 16, j_chunk,
            tuple(jnp.zeros((16,), jnp.float32) for _ in range(DC)),
        )
        for dc in range(DC):
            out_all[r, pl.ds(dc * 16, 16)] = accs[dc]

    def row_pair(r0, carry):
        for k, (buf, sem) in enumerate(((buf0, sem0), (buf1, sem1))):
            r = r0 + k
            pltpu.make_async_copy(adj_hbm.at[base], buf, sem).wait()
            compute_row(r, buf)

            @pl.when(r + 2 < RPW)
            def _():
                pltpu.async_copy(adj_hbm.at[base + r + 2], buf, sem)
        return carry

    lax.fori_loop(0, RPW // 2, lambda t, c: row_pair(t * 2, c), 0)
    pltpu.sync_copy(out_all, out_hbm.at[pl.ds(base, RPW)])


@jax.jit
def kernel(x, adj_matrix, W_q, W_k):
    B = adj_matrix.shape[0]
    xg = x.reshape(B, N_NODES, D)

    w_sc = pl.pallas_call(
        _attn_weights_kernel,
        grid=(G_SC,),
        in_specs=[
            pl.BlockSpec((1, N_NODES, D), lambda b: (b, 0, 0)),
            pl.BlockSpec((D, D), lambda b: (0, 0)),
            pl.BlockSpec((D, D), lambda b: (0, 0)),
        ],
        out_specs=pl.BlockSpec((1, N_NODES, N_NODES), lambda b: (b, 0, 0)),
        out_shape=jax.ShapeDtypeStruct((G_SC, N_NODES, N_NODES), jnp.float32),
        scratch_shapes=[pltpu.VMEM((D, D), jnp.float32)],
    )(xg[:G_SC], W_q, W_k)

    sc_fn = functools.partial(
        pl.kernel,
        mesh=plsc.VectorSubcoreMesh(core_axis_name="c", subcore_axis_name="s"),
        out_type=jax.ShapeDtypeStruct((G_SC * N_NODES, D), jnp.float32),
        scratch_types=[
            pltpu.VMEM((N_NODES, D), jnp.float32),
            pltpu.VMEM((N_NODES, D), jnp.float32),
            pltpu.VMEM((RPW, N_NODES), jnp.float32),
            pltpu.VMEM((RPW, D), jnp.float32),
            pltpu.SemaphoreType.DMA,
            pltpu.SemaphoreType.DMA,
        ],
    )(_sc_reduce_kernel)
    out_sc = sc_fn(
        adj_matrix.reshape(B * N_NODES, N_NODES, D),
        w_sc.reshape(G_SC * N_NODES, N_NODES),
    ).reshape(G_SC, N_NODES, D)

    out_tc = pl.pallas_call(
        _tc_stream_kernel,
        grid=(B - G_SC, N_NODES // ROWS),
        in_specs=[
            pl.BlockSpec((1, N_NODES, D), lambda b, i: (b + G_SC, 0, 0)),
            pl.BlockSpec((D, D), lambda b, i: (0, 0)),
            pl.BlockSpec((D, D), lambda b, i: (0, 0)),
            pl.BlockSpec((1, ROWS, N_NODES, D), lambda b, i: (b + G_SC, i, 0, 0)),
        ],
        out_specs=pl.BlockSpec((1, ROWS, D), lambda b, i: (b, i, 0)),
        out_shape=jax.ShapeDtypeStruct((B - G_SC, N_NODES, D), jnp.float32),
        scratch_shapes=[pltpu.VMEM((D, D), jnp.float32)],
    )(xg, W_q, W_k, adj_matrix)

    return jnp.concatenate([out_sc, out_tc], axis=0)

# --- scband reference (transcript-rebuilt; emitter-appended) ---
"""Pipeline reference for scband-edge-self-attention-46411416601352 (READ-ONLY COPY).

The authoritative reference and input builder live on the scoring server;
editing this copy changes nothing except your own understanding.
"""

import jax, jax.numpy as jnp
import numpy as np
import math

N_NODES = 256
D = 128
B = 8

def setup_inputs(seed: int = 0) -> dict:
    key = jax.random.key(seed)
    k1, k2, k3, k4 = jax.random.split(key, 4)
    x = jax.random.normal(k1, (B * N_NODES, D), dtype=jnp.float32)
    adj_matrix = jax.random.normal(k2, (B, N_NODES, N_NODES, D), dtype=jnp.float32)
    # nn.Linear(D, D, bias=False) weights, torch layout [out_features, in_features]
    bound = 1.0 / math.sqrt(D)
    W_q = jax.random.uniform(k3, (D, D), dtype=jnp.float32, minval=-bound, maxval=bound)
    W_k = jax.random.uniform(k4, (D, D), dtype=jnp.float32, minval=-bound, maxval=bound)
    return {"x": x, "adj_matrix": adj_matrix, "W_q": W_q, "W_k": W_k}

def reference(x, adj_matrix, W_q, W_k):
    # matrix_attention path (graph_input=False, gat=False, gat_edge=False)
    div_term = math.sqrt(D)
    query = (x @ W_q.T).reshape(-1, N_NODES, D)
    key = (x @ W_k.T).reshape(-1, N_NODES, D)
    logits = jnp.matmul(query, jnp.swapaxes(key, -2, -1)) / div_term
    attn = jax.nn.softmax(logits, axis=-1)[..., None]  # [B, n, n, 1]
    out = (adj_matrix * attn).sum(-2).reshape(-1, N_NODES, D)
    return out

if __name__ == "__main__":
    import jax
    _d = setup_inputs()
    print(jax.jit(kernel)(*tuple(_d.values())))

</pallas_src>

<mosaic_0001>
#map = affine_map<(d0, d1) -> (0, 0, 0)>
#map1 = affine_map<(d0, d1) -> (0, 0)>
module attributes {stable_mosaic.version = 14 : i64} {
  func.func @_sc_reduce_kernel(%arg0: i32, %arg1: i32, %arg2: memref<2048x256x128xf32, #tpu.memory_space<hbm>>, %arg3: memref<512x256xf32, #tpu.memory_space<hbm>>, %arg4: memref<512x128xf32, #tpu.memory_space<hbm>>, %arg5: memref<256x128xf32, #tpu.memory_space<vmem>>, %arg6: memref<256x128xf32, #tpu.memory_space<vmem>>, %arg7: memref<16x256xf32, #tpu.memory_space<vmem>>, %arg8: memref<16x128xf32, #tpu.memory_space<vmem>>, %arg9: memref<!tpu.dma_semaphore, #tpu.memory_space<semaphore_mem>>, %arg10: memref<!tpu.dma_semaphore, #tpu.memory_space<semaphore_mem>>) attributes {dimension_semantics = [#tpu.dimension_semantics<core_parallel>, #tpu.dimension_semantics<subcore_parallel>], iteration_bounds = array<i64: 2, 16>, scalar_prefetch = 0 : i64, scratch_operands = 6 : i64, tpu.core_type = #tpu.core_type<sc_vector_subcore>, window_params = [{transform_indices = #map}, {transform_indices = #map1}, {transform_indices = #map1}]} {
    %mul3A = arith.constant 2 : i32
    %mul3A_0 = arith.muli %arg1, %mul3A : i32
    %add3A = arith.addi %mul3A_0, %arg0 : i32
    %mul3A_1 = arith.constant 16 : i32
    %mul3A_2 = arith.muli %add3A, %mul3A_1 : i32
    "tpu.region"() ({
      %run_scoped3A = tpu.sem_alloc : memref<!tpu.dma_semaphore, #tpu.memory_space<semaphore_mem>>
      %dma_start3A_25 = arith.constant 0 : i32
      %dma_start3A_26 = tpu.memref_slice %arg3[%mul3A_2, %dma_start3A_25] : memref<512x256xf32, #tpu.memory_space<hbm>> -> memref<16x256xf32, #tpu.memory_space<hbm>>
      %dma_start3A_27 = arith.constant 0 : i32
      %dma_start3A_28 = tpu.memref_slice %arg3[%mul3A_2, %dma_start3A_27] : memref<512x256xf32, #tpu.memory_space<hbm>> -> memref<16x256xf32, #tpu.memory_space<hbm>>
      tpu.enqueue_dma source(%dma_start3A_28 : memref<16x256xf32, #tpu.memory_space<hbm>>) target(%arg7 : memref<16x256xf32, #tpu.memory_space<vmem>>) target_semaphore(%run_scoped3A : memref<!tpu.dma_semaphore, #tpu.memory_space<semaphore_mem>>)
      %dma_wait3A = arith.constant 0 : i32
      %dma_wait3A_29 = tpu.memref_slice %arg3[%mul3A_2, %dma_wait3A] : memref<512x256xf32, #tpu.memory_space<hbm>> -> memref<16x256xf32, #tpu.memory_space<hbm>>
      %dma_wait3A_30 = arith.constant 0 : i32
      %dma_wait3A_31 = tpu.memref_slice %arg3[%mul3A_2, %dma_wait3A_30] : memref<512x256xf32, #tpu.memory_space<hbm>> -> memref<16x256xf32, #tpu.memory_space<hbm>>
      tpu.wait_dma2 semaphore(%run_scoped3A : memref<!tpu.dma_semaphore, #tpu.memory_space<semaphore_mem>>) src(%dma_wait3A_31 : memref<16x256xf32, #tpu.memory_space<hbm>>) dst(%arg7 : memref<16x256xf32, #tpu.memory_space<vmem>>)
      tpu.yield
    }) : () -> ()
    %dma_start3A = arith.constant 0 : i32
    %dma_start3A_3 = arith.constant 0 : i32
    %dma_start3A_4 = tpu.memref_slice %arg2[%mul3A_2, %dma_start3A, %dma_start3A_3] : memref<2048x256x128xf32, #tpu.memory_space<hbm>> -> memref<1x256x128xf32, #tpu.memory_space<hbm>>
    %dma_start3A_5 = tpu.memref_squeeze %dma_start3A_4 : memref<1x256x128xf32, #tpu.memory_space<hbm>> -> memref<256x128xf32, #tpu.memory_space<hbm>>
    %dma_start3A_6 = arith.constant 0 : i32
    %dma_start3A_7 = arith.constant 0 : i32
    %dma_start3A_8 = tpu.memref_slice %arg2[%mul3A_2, %dma_start3A_6, %dma_start3A_7] : memref<2048x256x128xf32, #tpu.memory_space<hbm>> -> memref<1x256x128xf32, #tpu.memory_space<hbm>>
    %dma_start3A_9 = tpu.memref_squeeze %dma_start3A_8 : memref<1x256x128xf32, #tpu.memory_space<hbm>> -> memref<256x128xf32, #tpu.memory_space<hbm>>
    tpu.enqueue_dma source(%dma_start3A_9 : memref<256x128xf32, #tpu.memory_space<hbm>>) target(%arg5 : memref<256x128xf32, #tpu.memory_space<vmem>>) target_semaphore(%arg9 : memref<!tpu.dma_semaphore, #tpu.memory_space<semaphore_mem>>)
    %add3A_10 = arith.constant 1 : i32
    %add3A_11 = arith.addi %mul3A_2, %add3A_10 : i32
    %dma_start3A_12 = arith.constant 0 : i32
    %dma_start3A_13 = arith.constant 0 : i32
    %dma_start3A_14 = tpu.memref_slice %arg2[%add3A_11, %dma_start3A_12, %dma_start3A_13] : memref<2048x256x128xf32, #tpu.memory_space<hbm>> -> memref<1x256x128xf32, #tpu.memory_space<hbm>>
    %dma_start3A_15 = tpu.memref_squeeze %dma_start3A_14 : memref<1x256x128xf32, #tpu.memory_space<hbm>> -> memref<256x128xf32, #tpu.memory_space<hbm>>
    %dma_start3A_16 = arith.constant 0 : i32
    %dma_start3A_17 = arith.constant 0 : i32
    %dma_start3A_18 = tpu.memref_slice %arg2[%add3A_11, %dma_start3A_16, %dma_start3A_17] : memref<2048x256x128xf32, #tpu.memory_space<hbm>> -> memref<1x256x128xf32, #tpu.memory_space<hbm>>
    %dma_start3A_19 = tpu.memref_squeeze %dma_start3A_18 : memref<1x256x128xf32, #tpu.memory_space<hbm>> -> memref<256x128xf32, #tpu.memory_space<hbm>>
    tpu.enqueue_dma source(%dma_start3A_19 : memref<256x128xf32, #tpu.memory_space<hbm>>) target(%arg6 : memref<256x128xf32, #tpu.memory_space<vmem>>) target_semaphore(%arg10 : memref<!tpu.dma_semaphore, #tpu.memory_space<semaphore_mem>>)
    %scan3A = arith.constant 0 : i32
    %scan3A_20 = arith.constant 0 : i32
    %scan3A_21 = arith.constant 8 : i32
    %scan3A_22 = arith.addi %scan3A_20, %scan3A_21 : i32
    %scan3A_23 = arith.constant 1 : i32
    scf.for %scan3A_25 = %scan3A_20 to %scan3A_22 step %scan3A_23  : i32 {
      %mul3A_26 = arith.constant 2 : i32
      %mul3A_27 = arith.muli %scan3A_25, %mul3A_26 : i32
      %add3A_28 = arith.constant 0 : i32
      %add3A_29 = arith.addi %mul3A_27, %add3A_28 : i32
      %dma_wait3A = arith.constant 0 : i32
      %dma_wait3A_30 = arith.constant 0 : i32
      %dma_wait3A_31 = tpu.memref_slice %arg2[%mul3A_2, %dma_wait3A, %dma_wait3A_30] : memref<2048x256x128xf32, #tpu.memory_space<hbm>> -> memref<1x256x128xf32, #tpu.memory_space<hbm>>
      %dma_wait3A_32 = tpu.memref_squeeze %dma_wait3A_31 : memref<1x256x128xf32, #tpu.memory_space<hbm>> -> memref<256x128xf32, #tpu.memory_space<hbm>>
      %dma_wait3A_33 = arith.constant 0 : i32
      %dma_wait3A_34 = arith.constant 0 : i32
      %dma_wait3A_35 = tpu.memref_slice %arg2[%mul3A_2, %dma_wait3A_33, %dma_wait3A_34] : memref<2048x256x128xf32, #tpu.memory_space<hbm>> -> memref<1x256x128xf32, #tpu.memory_space<hbm>>
      %dma_wait3A_36 = tpu.memref_squeeze %dma_wait3A_35 : memref<1x256x128xf32, #tpu.memory_space<hbm>> -> memref<256x128xf32, #tpu.memory_space<hbm>>
      tpu.wait_dma2 semaphore(%arg9 : memref<!tpu.dma_semaphore, #tpu.memory_space<semaphore_mem>>) src(%dma_wait3A_36 : memref<256x128xf32, #tpu.memory_space<hbm>>) dst(%arg5 : memref<256x128xf32, #tpu.memory_space<vmem>>)
      %broadcast_in_dim3A = arith.constant 0.000000e+00 : f32
      %broadcast_in_dim3A_37 = vector.broadcast %broadcast_in_dim3A : f32 to vector<16xf32>
      %broadcast_in_dim3A_38 = arith.constant 0.000000e+00 : f32
      %broadcast_in_dim3A_39 = vector.broadcast %broadcast_in_dim3A_38 : f32 to vector<16xf32>
      %broadcast_in_dim3A_40 = arith.constant 0.000000e+00 : f32
      %broadcast_in_dim3A_41 = vector.broadcast %broadcast_in_dim3A_40 : f32 to vector<16xf32>
      %broadcast_in_dim3A_42 = arith.constant 0.000000e+00 : f32
      %broadcast_in_dim3A_43 = vector.broadcast %broadcast_in_dim3A_42 : f32 to vector<16xf32>
      %broadcast_in_dim3A_44 = arith.constant 0.000000e+00 : f32
      %broadcast_in_dim3A_45 = vector.broadcast %broadcast_in_dim3A_44 : f32 to vector<16xf32>
      %broadcast_in_dim3A_46 = arith.constant 0.000000e+00 : f32
      %broadcast_in_dim3A_47 = vector.broadcast %broadcast_in_dim3A_46 : f32 to vector<16xf32>
      %broadcast_in_dim3A_48 = arith.constant 0.000000e+00 : f32
      %broadcast_in_dim3A_49 = vector.broadcast %broadcast_in_dim3A_48 : f32 to vector<16xf32>
      %broadcast_in_dim3A_50 = arith.constant 0.000000e+00 : f32
      %broadcast_in_dim3A_51 = vector.broadcast %broadcast_in_dim3A_50 : f32 to vector<16xf32>
      %scan3A_52 = arith.constant 0 : i32
      %scan3A_53 = arith.constant 16 : i32
      %scan3A_54 = arith.addi %scan3A_52, %scan3A_53 : i32
      %scan3A_55 = arith.constant 1 : i32
      %scan3A_56:8 = scf.for %scan3A_180 = %scan3A_52 to %scan3A_54 step %scan3A_55 iter_args(%scan3A_181 = %broadcast_in_dim3A_37, %scan3A_182 = %broadcast_in_dim3A_39, %scan3A_183 = %broadcast_in_dim3A_41, %scan3A_184 = %broadcast_in_dim3A_43, %scan3A_185 = %broadcast_in_dim3A_45, %scan3A_186 = %broadcast_in_dim3A_47, %scan3A_187 = %broadcast_in_dim3A_49, %scan3A_188 = %broadcast_in_dim3A_51) -> (vector<16xf32>, vector<16xf32>, vector<16xf32>, vector<16xf32>, vector<16xf32>, vector<16xf32>, vector<16xf32>, vector<16xf32>)  : i32 {
        %mul3A_189 = arith.constant 16 : i32
        %mul3A_190 = arith.muli %scan3A_180, %mul3A_189 : i32
        %get3A = arith.index_cast %add3A_29 : i32 to index
        %get3A_191 = arith.index_cast %mul3A_190 : i32 to index
        %get3A_192 = tpu.vector_load %arg7[%get3A, %get3A_191] {strides = array<i32>} : memref<16x256xf32, #tpu.memory_space<vmem>>, vector<1x16xf32>,
        %get3A_193 = vector.shape_cast %get3A_192 : vector<1x16xf32> to vector<16xf32>
        %slice3A = vector.extract_strided_slice %get3A_193 {offsets = [0], sizes = [1], strides = [1]} : vector<16xf32> to vector<1xf32>
        %squeeze3A = vector.extract %slice3A[0] : f32 from vector<1xf32>
        %mul3A_194 = arith.constant 16 : i32
        %mul3A_195 = arith.muli %scan3A_180, %mul3A_194 : i32
        %add3A_196 = arith.constant 0 : i32
        %add3A_197 = arith.addi %mul3A_195, %add3A_196 : i32
        %get3A_198 = arith.index_cast %add3A_197 : i32 to index
        %get3A_199 = arith.constant 0 : index
        %get3A_200 = tpu.vector_load %arg5[%get3A_198, %get3A_199] {strides = array<i32>} : memref<256x128xf32, #tpu.memory_space<vmem>>, vector<1x16xf32>,
        %get3A_201 = vector.shape_cast %get3A_200 : vector<1x16xf32> to vector<16xf32>
        %mul3A_202 = vector.broadcast %squeeze3A : f32 to vector<16xf32>
        %mul3A_203 = arith.mulf %mul3A_202, %get3A_201 : vector<16xf32>
        %add3A_204 = arith.addf %scan3A_181, %mul3A_203 : vector<16xf32>
        %get3A_205 = arith.index_cast %add3A_197 : i32 to index
        %get3A_206 = arith.constant 16 : index
        %get3A_207 = tpu.vector_load %arg5[%get3A_205, %get3A_206] {strides = array<i32>} : memref<256x128xf32, #tpu.memory_space<vmem>>, vector<1x16xf32>,
        %get3A_208 = vector.shape_cast %get3A_207 : vector<1x16xf32> to vector<16xf32>
        %mul3A_209 = vector.broadcast %squeeze3A : f32 to vector<16xf32>
        %mul3A_210 = arith.mulf %mul3A_209, %get3A_208 : vector<16xf32>
        %add3A_211 = arith.addf %scan3A_182, %mul3A_210 : vector<16xf32>
        %get3A_212 = arith.index_cast %add3A_197 : i32 to index
        %get3A_213 = arith.constant 32 : index
        %get3A_214 = tpu.vector_load %arg5[%get3A_212, %get3A_213] {strides = array<i32>} : memref<256x128xf32, #tpu.memory_space<vmem>>, vector<1x16xf32>,
        %get3A_215 = vector.shape_cast %get3A_214 : vector<1x16xf32> to vector<16xf32>
        %mul3A_216 = vector.broadcast %squeeze3A : f32 to vector<16xf32>
        %mul3A_217 = arith.mulf %mul3A_216, %get3A_215 : vector<16xf32>
        %add3A_218 = arith.addf %scan3A_183, %mul3A_217 : vector<16xf32>
        %get3A_219 = arith.index_cast %add3A_197 : i32 to index
        %get3A_220 = arith.constant 48 : index
        %get3A_221 = tpu.vector_load %arg5[%get3A_219, %get3A_220] {strides = array<i32>} : memref<256x128xf32, #tpu.memory_space<vmem>>, vector<1x16xf32>,
        %get3A_222 = vector.shape_cast %get3A_221 : vector<1x16xf32> to vector<16xf32>
        %mul3A_223 = vector.broadcast %squeeze3A : f32 to vector<16xf32>
        %mul3A_224 = arith.mulf %mul3A_223, %get3A_222 : vector<16xf32>
        %add3A_225 = arith.addf %scan3A_184, %mul3A_224 : vector<16xf32>
        %get3A_226 = arith.index_cast %add3A_197 : i32 to index
        %get3A_227 = arith.constant 64 : index
        %get3A_228 = tpu.vector_load %arg5[%get3A_226, %get3A_227] {strides = array<i32>} : memref<256x128xf32, #tpu.memory_space<vmem>>, vector<1x16xf32>,
        %get3A_229 = vector.shape_cast %get3A_228 : vector<1x16xf32> to vector<16xf32>
        %mul3A_230 = vector.broadcast %squeeze3A : f32 to vector<16xf32>
        %mul3A_231 = arith.mulf %mul3A_230, %get3A_229 : vector<16xf32>
        %add3A_232 = arith.addf %scan3A_185, %mul3A_231 : vector<16xf32>
        %get3A_233 = arith.index_cast %add3A_197 : i32 to index
        %get3A_234 = arith.constant 80 : index
        %get3A_235 = tpu.vector_load %arg5[%get3A_233, %get3A_234] {strides = array<i32>} : memref<256x128xf32, #tpu.memory_space<vmem>>, vector<1x16xf32>,
        %get3A_236 = vector.shape_cast %get3A_235 : vector<1x16xf32> to vector<16xf32>
        %mul3A_237 = vector.broadcast %squeeze3A : f32 to vector<16xf32>
        %mul3A_238 = arith.mulf %mul3A_237, %get3A_236 : vector<16xf32>
        %add3A_239 = arith.addf %scan3A_186, %mul3A_238 : vector<16xf32>
        %get3A_240 = arith.index_cast %add3A_197 : i32 to index
        %get3A_241 = arith.constant 96 : index
        %get3A_242 = tpu.vector_load %arg5[%get3A_240, %get3A_241] {strides = array<i32>} : memref<256x128xf32, #tpu.memory_space<vmem>>, vector<1x16xf32>,
        %get3A_243 = vector.shape_cast %get3A_242 : vector<1x16xf32> to vector<16xf32>
        %mul3A_244 = vector.broadcast %squeeze3A : f32 to vector<16xf32>
        %mul3A_245 = arith.mulf %mul3A_244, %get3A_243 : vector<16xf32>
        %add3A_246 = arith.addf %scan3A_187, %mul3A_245 : vector<16xf32>
        %get3A_247 = arith.index_cast %add3A_197 : i32 to index
        %get3A_248 = arith.constant 112 : index
        %get3A_249 = tpu.vector_load %arg5[%get3A_247, %get3A_248] {strides = array<i32>} : memref<256x128xf32, #tpu.memory_space<vmem>>, vector<1x16xf32>,
        %get3A_250 = vector.shape_cast %get3A_249 : vector<1x16xf32> to vector<16xf32>
        %mul3A_251 = vector.broadcast %squeeze3A : f32 to vector<16xf32>
        %mul3A_252 = arith.mulf %mul3A_251, %get3A_250 : vector<16xf32>
        %add3A_253 = arith.addf %scan3A_188, %mul3A_252 : vector<16xf32>
        %slice3A_254 = vector.extract_strided_slice %get3A_193 {offsets = [1], sizes = [1], strides = [1]} : vector<16xf32> to vector<1xf32>
        %squeeze3A_255 = vector.extract %slice3A_254[0] : f32 from vector<1xf32>
        %mul3A_256 = arith.constant 16 : i32
        %mul3A_257 = arith.muli %scan3A_180, %mul3A_256 : i32
        %add3A_258 = arith.constant 1 : i32
        %add3A_259 = arith.addi %mul3A_257, %add3A_258 : i32
        %get3A_260 = arith.index_cast %add3A_259 : i32 to index
        %get3A_261 = arith.constant 0 : index
        %get3A_262 = tpu.vector_load %arg5[%get3A_260, %get3A_261] {strides = array<i32>} : memref<256x128xf32, #tpu.memory_space<vmem>>, vector<1x16xf32>,
        %get3A_263 = vector.shape_cast %get3A_262 : vector<1x16xf32> to vector<16xf32>
        %mul3A_264 = vector.broadcast %squeeze3A_255 : f32 to vector<16xf32>
        %mul3A_265 = arith.mulf %mul3A_264, %get3A_263 : vector<16xf32>
        %add3A_266 = arith.addf %add3A_204, %mul3A_265 : vector<16xf32>
        %get3A_267 = arith.index_cast %add3A_259 : i32 to index
        %get3A_268 = arith.constant 16 : index
        %get3A_269 = tpu.vector_load %arg5[%get3A_267, %get3A_268] {strides = array<i32>} : memref<256x128xf32, #tpu.memory_space<vmem>>, vector<1x16xf32>,
        %get3A_270 = vector.shape_cast %get3A_269 : vector<1x16xf32> to vector<16xf32>
        %mul3A_271 = vector.broadcast %squeeze3A_255 : f32 to vector<16xf32>
        %mul3A_272 = arith.mulf %mul3A_271, %get3A_270 : vector<16xf32>
        %add3A_273 = arith.addf %add3A_211, %mul3A_272 : vector<16xf32>
        %get3A_274 = arith.index_cast %add3A_259 : i32 to index
        %get3A_275 = arith.constant 32 : index
        %get3A_276 = tpu.vector_load %arg5[%get3A_274, %get3A_275] {strides = array<i32>} : memref<256x128xf32, #tpu.memory_space<vmem>>, vector<1x16xf32>,
        %get3A_277 = vector.shape_cast %get3A_276 : vector<1x16xf32> to vector<16xf32>
        %mul3A_278 = vector.broadcast %squeeze3A_255 : f32 to vector<16xf32>
        %mul3A_279 = arith.mulf %mul3A_278, %get3A_277 : vector<16xf32>
        %add3A_280 = arith.addf %add3A_218, %mul3A_279 : vector<16xf32>
        %get3A_281 = arith.index_cast %add3A_259 : i32 to index
        %get3A_282 = arith.constant 48 : index
        %get3A_283 = tpu.vector_load %arg5[%get3A_281, %get3A_282] {strides = array<i32>} : memref<256x128xf32, #tpu.memory_space<vmem>>, vector<1x16xf32>,
        %get3A_284 = vector.shape_cast %get3A_283 : vector<1x16xf32> to vector<16xf32>
        %mul3A_285 = vector.broadcast %squeeze3A_255 : f32 to vector<16xf32>
        %mul3A_286 = arith.mulf %mul3A_285, %get3A_284 : vector<16xf32>
        %add3A_287 = arith.addf %add3A_225, %mul3A_286 : vector<16xf32>
        %get3A_288 = arith.index_cast %add3A_259 : i32 to index
        %get3A_289 = arith.constant 64 : index
        %get3A_290 = tpu.vector_load %arg5[%get3A_288, %get3A_289] {strides = array<i32>} : memref<256x128xf32, #tpu.memory_space<vmem>>, vector<1x16xf32>,
        %get3A_291 = vector.shape_cast %get3A_290 : vector<1x16xf32> to vector<16xf32>
        %mul3A_292 = vector.broadcast %squeeze3A_255 : f32 to vector<16xf32>
        %mul3A_293 = arith.mulf %mul3A_292, %get3A_291 : vector<16xf32>
        %add3A_294 = arith.addf %add3A_232, %mul3A_293 : vector<16xf32>
        %get3A_295 = arith.index_cast %add3A_259 : i32 to index
        %get3A_296 = arith.constant 80 : index
        %get3A_297 = tpu.vector_load %arg5[%get3A_295, %get3A_296] {strides = array<i32>} : memref<256x128xf32, #tpu.memory_space<vmem>>, vector<1x16xf32>,
        %get3A_298 = vector.shape_cast %get3A_297 : vector<1x16xf32> to vector<16xf32>
        %mul3A_299 = vector.broadcast %squeeze3A_255 : f32 to vector<16xf32>
        %mul3A_300 = arith.mulf %mul3A_299, %get3A_298 : vector<16xf32>
        %add3A_301 = arith.addf %add3A_239, %mul3A_300 : vector<16xf32>
        %get3A_302 = arith.index_cast %add3A_259 : i32 to index
        %get3A_303 = arith.constant 96 : index
        %get3A_304 = tpu.vector_load %arg5[%get3A_302, %get3A_303] {strides = array<i32>} : memref<256x128xf32, #tpu.memory_space<vmem>>, vector<1x16xf32>,
        %get3A_305 = vector.shape_cast %get3A_304 : vector<1x16xf32> to vector<16xf32>
        %mul3A_306 = vector.broadcast %squeeze3A_255 : f32 to vector<16xf32>
        %mul3A_307 = arith.mulf %mul3A_306, %get3A_305 : vector<16xf32>
        %add3A_308 = arith.addf %add3A_246, %mul3A_307 : vector<16xf32>
        %get3A_309 = arith.index_cast %add3A_259 : i32 to index
        %get3A_310 = arith.constant 112 : index
        %get3A_311 = tpu.vector_load %arg5[%get3A_309, %get3A_310] {strides = array<i32>} : memref<256x128xf32, #tpu.memory_space<vmem>>, vector<1x16xf32>,
        %get3A_312 = vector.shape_cast %get3A_311 : vector<1x16xf32> to vector<16xf32>
        %mul3A_313 = vector.broadcast %squeeze3A_255 : f32 to vector<16xf32>
        %mul3A_314 = arith.mulf %mul3A_313, %get3A_312 : vector<16xf32>
        %add3A_315 = arith.addf %add3A_253, %mul3A_314 : vector<16xf32>
        %slice3A_316 = vector.extract_strided_slice %get3A_193 {offsets = [2], sizes = [1], strides = [1]} : vector<16xf32> to vector<1xf32>
        %squeeze3A_317 = vector.extract %slice3A_316[0] : f32 from vector<1xf32>
        %mul3A_318 = arith.constant 16 : i32
        %mul3A_319 = arith.muli %scan3A_180, %mul3A_318 : i32
        %add3A_320 = arith.constant 2 : i32
        %add3A_321 = arith.addi %mul3A_319, %add3A_320 : i32
        %get3A_322 = arith.index_cast %add3A_321 : i32 to index
        %get3A_323 = arith.constant 0 : index
        %get3A_324 = tpu.vector_load %arg5[%get3A_322, %get3A_323] {strides = array<i32>} : memref<256x128xf32, #tpu.memory_space<vmem>>, vector<1x16xf32>,
        %get3A_325 = vector.shape_cast %get3A_324 : vector<1x16xf32> to vector<16xf32>
        %mul3A_326 = vector.broadcast %squeeze3A_317 : f32 to vector<16xf32>
        %mul3A_327 = arith.mulf %mul3A_326, %get3A_325 : vector<16xf32>
        %add3A_328 = arith.addf %add3A_266, %mul3A_327 : vector<16xf32>
        %get3A_329 = arith.index_cast %add3A_321 : i32 to index
        %get3A_330 = arith.constant 16 : index
        %get3A_331 = tpu.vector_load %arg5[%get3A_329, %get3A_330] {strides = array<i32>} : memref<256x128xf32, #tpu.memory_space<vmem>>, vector<1x16xf32>,
        %get3A_332 = vector.shape_cast %get3A_331 : vector<1x16xf32> to vector<16xf32>
        %mul3A_333 = vector.broadcast %squeeze3A_317 : f32 to vector<16xf32>
        %mul3A_334 = arith.mulf %mul3A_333, %get3A_332 : vector<16xf32>
        %add3A_335 = arith.addf %add3A_273, %mul3A_334 : vector<16xf32>
        %get3A_336 = arith.index_cast %add3A_321 : i32 to index
        %get3A_337 = arith.constant 32 : index
        %get3A_338 = tpu.vector_load %arg5[%get3A_336, %get3A_337] {strides = array<i32>} : memref<256x128xf32, #tpu.memory_space<vmem>>, vector<1x16xf32>,
        %get3A_339 = vector.shape_cast %get3A_338 : vector<1x16xf32> to vector<16xf32>
        %mul3A_340 = vector.broadcast %squeeze3A_317 : f32 to vector<16xf32>
        %mul3A_341 = arith.mulf %mul3A_340, %get3A_339 : vector<16xf32>
        %add3A_342 = arith.addf %add3A_280, %mul3A_341 : vector<16xf32>
        %get3A_343 = arith.index_cast %add3A_321 : i32 to index
        %get3A_344 = arith.constant 48 : index
        %get3A_345 = tpu.vector_load %arg5[%get3A_343, %get3A_344] {strides = array<i32>} : memref<256x128xf32, #tpu.memory_space<vmem>>, vector<1x16xf32>,
        %get3A_346 = vector.shape_cast %get3A_345 : vector<1x16xf32> to vector<16xf32>
        %mul3A_347 = vector.broadcast %squeeze3A_317 : f32 to vector<16xf32>
        %mul3A_348 = arith.mulf %mul3A_347, %get3A_346 : vector<16xf32>
        %add3A_349 = arith.addf %add3A_287, %mul3A_348 : vector<16xf32>
        %get3A_350 = arith.index_cast %add3A_321 : i32 to index
        %get3A_351 = arith.constant 64 : index
        %get3A_352 = tpu.vector_load %arg5[%get3A_350, %get3A_351] {strides = array<i32>} : memref<256x128xf32, #tpu.memory_space<vmem>>, vector<1x16xf32>,
        %get3A_353 = vector.shape_cast %get3A_352 : vector<1x16xf32> to vector<16xf32>
        %mul3A_354 = vector.broadcast %squeeze3A_317 : f32 to vector<16xf32>
        %mul3A_355 = arith.mulf %mul3A_354, %get3A_353 : vector<16xf32>
        %add3A_356 = arith.addf %add3A_294, %mul3A_355 : vector<16xf32>
        %get3A_357 = arith.index_cast %add3A_321 : i32 to index
        %get3A_358 = arith.constant 80 : index
        %get3A_359 = tpu.vector_load %arg5[%get3A_357, %get3A_358] {strides = array<i32>} : memref<256x128xf32, #tpu.memory_space<vmem>>, vector<1x16xf32>,
        %get3A_360 = vector.shape_cast %get3A_359 : vector<1x16xf32> to vector<16xf32>
        %mul3A_361 = vector.broadcast %squeeze3A_317 : f32 to vector<16xf32>
        %mul3A_362 = arith.mulf %mul3A_361, %get3A_360 : vector<16xf32>
        %add3A_363 = arith.addf %add3A_301, %mul3A_362 : vector<16xf32>
        %get3A_364 = arith.index_cast %add3A_321 : i32 to index
        %get3A_365 = arith.constant 96 : index
        %get3A_366 = tpu.vector_load %arg5[%get3A_364, %get3A_365] {strides = array<i32>} : memref<256x128xf32, #tpu.memory_space<vmem>>, vector<1x16xf32>,
        %get3A_367 = vector.shape_cast %get3A_366 : vector<1x16xf32> to vector<16xf32>
        %mul3A_368 = vector.broadcast %squeeze3A_317 : f32 to vector<16xf32>
        %mul3A_369 = arith.mulf %mul3A_368, %get3A_367 : vector<16xf32>
        %add3A_370 = arith.addf %add3A_308, %mul3A_369 : vector<16xf32>
        %get3A_371 = arith.index_cast %add3A_321 : i32 to index
        %get3A_372 = arith.constant 112 : index
        %get3A_373 = tpu.vector_load %arg5[%get3A_371, %get3A_372] {strides = array<i32>} : memref<256x128xf32, #tpu.memory_space<vmem>>, vector<1x16xf32>,
        %get3A_374 = vector.shape_cast %get3A_373 : vector<1x16xf32> to vector<16xf32>
        %mul3A_375 = vector.broadcast %squeeze3A_317 : f32 to vector<16xf32>
        %mul3A_376 = arith.mulf %mul3A_375, %get3A_374 : vector<16xf32>
        %add3A_377 = arith.addf %add3A_315, %mul3A_376 : vector<16xf32>
        %slice3A_378 = vector.extract_strided_slice %get3A_193 {offsets = [3], sizes = [1], strides = [1]} : vector<16xf32> to vector<1xf32>
        %squeeze3A_379 = vector.extract %slice3A_378[0] : f32 from vector<1xf32>
        %mul3A_380 = arith.constant 16 : i32
        %mul3A_381 = arith.muli %scan3A_180, %mul3A_380 : i32
        %add3A_382 = arith.constant 3 : i32
        %add3A_383 = arith.addi %mul3A_381, %add3A_382 : i32
        %get3A_384 = arith.index_cast %add3A_383 : i32 to index
        %get3A_385 = arith.constant 0 : index
        %get3A_386 = tpu.vector_load %arg5[%get3A_384, %get3A_385] {strides = array<i32>} : memref<256x128xf32, #tpu.memory_space<vmem>>, vector<1x16xf32>,
        %get3A_387 = vector.shape_cast %get3A_386 : vector<1x16xf32> to vector<16xf32>
        %mul3A_388 = vector.broadcast %squeeze3A_379 : f32 to vector<16xf32>
        %mul3A_389 = arith.mulf %mul3A_388, %get3A_387 : vector<16xf32>
        %add3A_390 = arith.addf %add3A_328, %mul3A_389 : vector<16xf32>
        %get3A_391 = arith.index_cast %add3A_383 : i32 to index
        %get3A_392 = arith.constant 16 : index
        %get3A_393 = tpu.vector_load %arg5[%get3A_391, %get3A_392] {strides = array<i32>} : memref<256x128xf32, #tpu.memory_space<vmem>>, vector<1x16xf32>,
        %get3A_394 = vector.shape_cast %get3A_393 : vector<1x16xf32> to vector<16xf32>
        %mul3A_395 = vector.broadcast %squeeze3A_379 : f32 to vector<16xf32>
        %mul3A_396 = arith.mulf %mul3A_395, %get3A_394 : vector<16xf32>
        %add3A_397 = arith.addf %add3A_335, %mul3A_396 : vector<16xf32>
        %get3A_398 = arith.index_cast %add3A_383 : i32 to index
        %get3A_399 = arith.constant 32 : index
        %get3A_400 = tpu.vector_load %arg5[%get3A_398, %get3A_399] {strides = array<i32>} : memref<256x128xf32, #tpu.memory_space<vmem>>, vector<1x16xf32>,
        %get3A_401 = vector.shape_cast %get3A_400 : vector<1x16xf32> to vector<16xf32>
        %mul3A_402 = vector.broadcast %squeeze3A_379 : f32 to vector<16xf32>
        %mul3A_403 = arith.mulf %mul3A_402, %get3A_401 : vector<16xf32>
        %add3A_404 = arith.addf %add3A_342, %mul3A_403 : vector<16xf32>
        %get3A_405 = arith.index_cast %add3A_383 : i32 to index
        %get3A_406 = arith.constant 48 : index
        %get3A_407 = tpu.vector_load %arg5[%get3A_405, %get3A_406] {strides = array<i32>} : memref<256x128xf32, #tpu.memory_space<vmem>>, vector<1x16xf32>,
        %get3A_408 = vector.shape_cast %get3A_407 : vector<1x16xf32> to vector<16xf32>
        %mul3A_409 = vector.broadcast %squeeze3A_379 : f32 to vector<16xf32>
        %mul3A_410 = arith.mulf %mul3A_409, %get3A_408 : vector<16xf32>
        %add3A_411 = arith.addf %add3A_349, %mul3A_410 : vector<16xf32>
        %get3A_412 = arith.index_cast %add3A_383 : i32 to index
        %get3A_413 = arith.constant 64 : index
        %get3A_414 = tpu.vector_load %arg5[%get3A_412, %get3A_413] {strides = array<i32>} : memref<256x128xf32, #tpu.memory_space<vmem>>, vector<1x16xf32>,
        %get3A_415 = vector.shape_cast %get3A_414 : vector<1x16xf32> to vector<16xf32>
        %mul3A_416 = vector.broadcast %squeeze3A_379 : f32 to vector<16xf32>
        %mul3A_417 = arith.mulf %mul3A_416, %get3A_415 : vector<16xf32>
        %add3A_418 = arith.addf %add3A_356, %mul3A_417 : vector<16xf32>
        %get3A_419 = arith.index_cast %add3A_383 : i32 to index
        %get3A_420 = arith.constant 80 : index
        %get3A_421 = tpu.vector_load %arg5[%get3A_419, %get3A_420] {strides = array<i32>} : memref<256x128xf32, #tpu.memory_space<vmem>>, vector<1x16xf32>,
        %get3A_422 = vector.shape_cast %get3A_421 : vector<1x16xf32> to vector<16xf32>
        %mul3A_423 = vector.broadcast %squeeze3A_379 : f32 to vector<16xf32>
        %mul3A_424 = arith.mulf %mul3A_423, %get3A_422 : vector<16xf32>
        %add3A_425 = arith.addf %add3A_363, %mul3A_424 : vector<16xf32>
        %get3A_426 = arith.index_cast %add3A_383 : i32 to index
        %get3A_427 = arith.constant 96 : index
        %get3A_428 = tpu.vector_load %arg5[%get3A_426, %get3A_427] {strides = array<i32>} : memref<256x128xf32, #tpu.memory_space<vmem>>, vector<1x16xf32>,
        %get3A_429 = vector.shape_cast %get3A_428 : vector<1x16xf32> to vector<16xf32>
        %mul3A_430 = vector.broadcast %squeeze3A_379 : f32 to vector<16xf32>
        %mul3A_431 = arith.mulf %mul3A_430, %get3A_429 : vector<16xf32>
        %add3A_432 = arith.addf %add3A_370, %mul3A_431 : vector<16xf32>
        %get3A_433 = arith.index_cast %add3A_383 : i32 to index
        %get3A_434 = arith.constant 112 : index
        %get3A_435 = tpu.vector_load %arg5[%get3A_433, %get3A_434] {strides = array<i32>} : memref<256x128xf32, #tpu.memory_space<vmem>>, vector<1x16xf32>,
        %get3A_436 = vector.shape_cast %get3A_435 : vector<1x16xf32> to vector<16xf32>
        %mul3A_437 = vector.broadcast %squeeze3A_379 : f32 to vector<16xf32>
        %mul3A_438 = arith.mulf %mul3A_437, %get3A_436 : vector<16xf32>
        %add3A_439 = arith.addf %add3A_377, %mul3A_438 : vector<16xf32>
        %slice3A_440 = vector.extract_strided_slice %get3A_193 {offsets = [4], sizes = [1], strides = [1]} : vector<16xf32> to vector<1xf32>
        %squeeze3A_441 = vector.extract %slice3A_440[0] : f32 from vector<1xf32>
        %mul3A_442 = arith.constant 16 : i32
        %mul3A_443 = arith.muli %scan3A_180, %mul3A_442 : i32
        %add3A_444 = arith.constant 4 : i32
        %add3A_445 = arith.addi %mul3A_443, %add3A_444 : i32
        %get3A_446 = arith.index_cast %add3A_445 : i32 to index
        %get3A_447 = arith.constant 0 : index
        %get3A_448 = tpu.vector_load %arg5[%get3A_446, %get3A_447] {strides = array<i32>} : memref<256x128xf32, #tpu.memory_space<vmem>>, vector<1x16xf32>,
        %get3A_449 = vector.shape_cast %get3A_448 : vector<1x16xf32> to vector<16xf32>
        %mul3A_450 = vector.broadcast %squeeze3A_441 : f32 to vector<16xf32>
        %mul3A_451 = arith.mulf %mul3A_450, %get3A_449 : vector<16xf32>
        %add3A_452 = arith.addf %add3A_390, %mul3A_451 : vector<16xf32>
        %get3A_453 = arith.index_cast %add3A_445 : i32 to index
        %get3A_454 = arith.constant 16 : index
        %get3A_455 = tpu.vector_load %arg5[%get3A_453, %get3A_454] {strides = array<i32>} : memref<256x128xf32, #tpu.memory_space<vmem>>, vector<1x16xf32>,
        %get3A_456 = vector.shape_cast %get3A_455 : vector<1x16xf32> to vector<16xf32>
        %mul3A_457 = vector.broadcast %squeeze3A_441 : f32 to vector<16xf32>
        %mul3A_458 = arith.mulf %mul3A_457, %get3A_456 : vector<16xf32>
        %add3A_459 = arith.addf %add3A_397, %mul3A_458 : vector<16xf32>
        %get3A_460 = arith.index_cast %add3A_445 : i32 to index
        %get3A_461 = arith.constant 32 : index
        %get3A_462 = tpu.vector_load %arg5[%get3A_460, %get3A_461] {strides = array<i32>} : memref<256x128xf32, #tpu.memory_space<vmem>>, vector<1x16xf32>,
        %get3A_463 = vector.shape_cast %get3A_462 : vector<1x16xf32> to vector<16xf32>
        %mul3A_464 = vector.broadcast %squeeze3A_441 : f32 to vector<16xf32>
        %mul3A_465 = arith.mulf %mul3A_464, %get3A_463 : vector<16xf32>
        %add3A_466 = arith.addf %add3A_404, %mul3A_465 : vector<16xf32>
        %get3A_467 = arith.index_cast %add3A_445 : i32 to index
        %get3A_468 = arith.constant 48 : index
        %get3A_469 = tpu.vector_load %arg5[%get3A_467, %get3A_468] {strides = array<i32>} : memref<256x128xf32, #tpu.memory_space<vmem>>, vector<1x16xf32>,
        %get3A_470 = vector.shape_cast %get3A_469 : vector<1x16xf32> to vector<16xf32>
        %mul3A_471 = vector.broadcast %squeeze3A_441 : f32 to vector<16xf32>
        %mul3A_472 = arith.mulf %mul3A_471, %get3A_470 : vector<16xf32>
        %add3A_473 = arith.addf %add3A_411, %mul3A_472 : vector<16xf32>
        %get3A_474 = arith.index_cast %add3A_445 : i32 to index
        %get3A_475 = arith.constant 64 : index
        %get3A_476 = tpu.vector_load %arg5[%get3A_474, %get3A_475] {strides = array<i32>} : memref<256x128xf32, #tpu.memory_space<vmem>>, vector<1x16xf32>,
        %get3A_477 = vector.shape_cast %get3A_476 : vector<1x16xf32> to vector<16xf32>
        %mul3A_478 = vector.broadcast %squeeze3A_441 : f32 to vector<16xf32>
        %mul3A_479 = arith.mulf %mul3A_478, %get3A_477 : vector<16xf32>
        %add3A_480 = arith.addf %add3A_418, %mul3A_479 : vector<16xf32>
        %get3A_481 = arith.index_cast %add3A_445 : i32 to index
        %get3A_482 = arith.constant 80 : index
        %get3A_483 = tpu.vector_load %arg5[%get3A_481, %get3A_482] {strides = array<i32>} : memref<256x128xf32, #tpu.memory_space<vmem>>, vector<1x16xf32>,
        %get3A_484 = vector.shape_cast %get3A_483 : vector<1x16xf32> to vector<16xf32>
        %mul3A_485 = vector.broadcast %squeeze3A_441 : f32 to vector<16xf32>
        %mul3A_486 = arith.mulf %mul3A_485, %get3A_484 : vector<16xf32>
        %add3A_487 = arith.addf %add3A_425, %mul3A_486 : vector<16xf32>
        %get3A_488 = arith.index_cast %add3A_445 : i32 to index
        %get3A_489 = arith.constant 96 : index
        %get3A_490 = tpu.vector_load %arg5[%get3A_488, %get3A_489] {strides = array<i32>} : memref<256x128xf32, #tpu.memory_space<vmem>>, vector<1x16xf32>,
        %get3A_491 = vector.shape_cast %get3A_490 : vector<1x16xf32> to vector<16xf32>
        %mul3A_492 = vector.broadcast %squeeze3A_441 : f32 to vector<16xf32>
        %mul3A_493 = arith.mulf %mul3A_492, %get3A_491 : vector<16xf32>
        %add3A_494 = arith.addf %add3A_432, %mul3A_493 : vector<16xf32>
        %get3A_495 = arith.index_cast %add3A_445 : i32 to index
        %get3A_496 = arith.constant 112 : index
        %get3A_497 = tpu.vector_load %arg5[%get3A_495, %get3A_496] {strides = array<i32>} : memref<256x128xf32, #tpu.memory_space<vmem>>, vector<1x16xf32>,
        %get3A_498 = vector.shape_cast %get3A_497 : vector<1x16xf32> to vector<16xf32>
        %mul3A_499 = vector.broadcast %squeeze3A_441 : f32 to vector<16xf32>
        %mul3A_500 = arith.mulf %mul3A_499, %get3A_498 : vector<16xf32>
        %add3A_501 = arith.addf %add3A_439, %mul3A_500 : vector<16xf32>
        %slice3A_502 = vector.extract_strided_slice %get3A_193 {offsets = [5], sizes = [1], strides = [1]} : vector<16xf32> to vector<1xf32>
        %squeeze3A_503 = vector.extract %slice3A_502[0] : f32 from vector<1xf32>
        %mul3A_504 = arith.constant 16 : i32
        %mul3A_505 = arith.muli %scan3A_180, %mul3A_504 : i32
        %add3A_506 = arith.constant 5 : i32
        %add3A_507 = arith.addi %mul3A_505, %add3A_506 : i32
        %get3A_508 = arith.index_cast %add3A_507 : i32 to index
        %get3A_509 = arith.constant 0 : index
        %get3A_510 = tpu.vector_load %arg5[%get3A_508, %get3A_509] {strides = array<i32>} : memref<256x128xf32, #tpu.memory_space<vmem>>, vector<1x16xf32>,
        %get3A_511 = vector.shape_cast %get3A_510 : vector<1x16xf32> to vector<16xf32>
        %mul3A_512 = vector.broadcast %squeeze3A_503 : f32 to vector<16xf32>
        %mul3A_513 = arith.mulf %mul3A_512, %get3A_511 : vector<16xf32>
        %add3A_514 = arith.addf %add3A_452, %mul3A_513 : vector<16xf32>
        %get3A_515 = arith.index_cast %add3A_507 : i32 to index
        %get3A_516 = arith.constant 16 : index
        %get3A_517 = tpu.vector_load %arg5[%get3A_515, %get3A_516] {strides = array<i32>} : memref<256x128xf32, #tpu.memory_space<vmem>>, vector<1x16xf32>,
        %get3A_518 = vector.shape_cast %get3A_517 : vector<1x16xf32> to vector<16xf32>
        %mul3A_519 = vector.broadcast %squeeze3A_503 : f32 to vector<16xf32>
        %mul3A_520 = arith.mulf %mul3A_519, %get3A_518 : vector<16xf32>
        %add3A_521 = arith.addf %add3A_459, %mul3A_520 : vector<16xf32>
        %get3A_522 = arith.index_cast %add3A_507 : i32 to index
        %get3A_523 = arith.constant 32 : index
        %get3A_524 = tpu.vector_load %arg5[%get3A_522, %get3A_523] {strides = array<i32>} : memref<256x128xf32, #tpu.memory_space<vmem>>, vector<1x16xf32>,
        %get3A_525 = vector.shape_cast %get3A_524 : vector<1x16xf32> to vector<16xf32>
        %mul3A_526 = vector.broadcast %squeeze3A_503 : f32 to vector<16xf32>
        %mul3A_527 = arith.mulf %mul3A_526, %get3A_525 : vector<16xf32>
        %add3A_528 = arith.addf %add3A_466, %mul3A_527 : vector<16xf32>
        %get3A_529 = arith.index_cast %add3A_507 : i32 to index
        %get3A_530 = arith.constant 48 : index
        %get3A_531 = tpu.vector_load %arg5[%get3A_529, %get3A_530] {strides = array<i32>} : memref<256x128xf32, #tpu.memory_space<vmem>>, vector<1x16xf32>,
        %get3A_532 = vector.shape_cast %get3A_531 : vector<1x16xf32> to vector<16xf32>
        %mul3A_533 = vector.broadcast %squeeze3A_503 : f32 to vector<16xf32>
        %mul3A_534 = arith.mulf %mul3A_533, %get3A_532 : vector<16xf32>
        %add3A_535 = arith.addf %add3A_473, %mul3A_534 : vector<16xf32>
        %get3A_536 = arith.index_cast %add3A_507 : i32 to index
        %get3A_537 = arith.constant 64 : index
        %get3A_538 = tpu.vector_load %arg5[%get3A_536, %get3A_537] {strides = array<i32>} : memref<256x128xf32, #tpu.memory_space<vmem>>, vector<1x16xf32>,
        %get3A_539 = vector.shape_cast %get3A_538 : vector<1x16xf32> to vector<16xf32>
        %mul3A_540 = vector.broadcast %squeeze3A_503 : f32 to vector<16xf32>
        %mul3A_541 = arith.mulf %mul3A_540, %get3A_539 : vector<16xf32>
        %add3A_542 = arith.addf %add3A_480, %mul3A_541 : vector<16xf32>
        %get3A_543 = arith.index_cast %add3A_507 : i32 to index
        %get3A_544 = arith.constant 80 : index
        %get3A_545 = tpu.vector_load %arg5[%get3A_543, %get3A_544] {strides = array<i32>} : memref<256x128xf32, #tpu.memory_space<vmem>>, vector<1x16xf32>,
        %get3A_546 = vector.shape_cast %get3A_545 : vector<1x16xf32> to vector<16xf32>
        %mul3A_547 = vector.broadcast %squeeze3A_503 : f32 to vector<16xf32>
        %mul3A_548 = arith.mulf %mul3A_547, %get3A_546 : vector<16xf32>
        %add3A_549 = arith.addf %add3A_487, %mul3A_548 : vector<16xf32>
        %get3A_550 = arith.index_cast %add3A_507 : i32 to index
        %get3A_551 = arith.constant 96 : index
        %get3A_552 = tpu.vector_load %arg5[%get3A_550, %get3A_551] {strides = array<i32>} : memref<256x128xf32, #tpu.memory_space<vmem>>, vector<1x16xf32>,
        %get3A_553 = vector.shape_cast %get3A_552 : vector<1x16xf32> to vector<16xf32>
        %mul3A_554 = vector.broadcast %squeeze3A_503 : f32 to vector<16xf32>
        %mul3A_555 = arith.mulf %mul3A_554, %get3A_553 : vector<16xf32>
        %add3A_556 = arith.addf %add3A_494, %mul3A_555 : vector<16xf32>
        %get3A_557 = arith.index_cast %add3A_507 : i32 to index
        %get3A_558 = arith.constant 112 : index
        %get3A_559 = tpu.vector_load %arg5[%get3A_557, %get3A_558] {strides = array<i32>} : memref<256x128xf32, #tpu.memory_space<vmem>>, vector<1x16xf32>,
        %get3A_560 = vector.shape_cast %get3A_559 : vector<1x16xf32> to vector<16xf32>
        %mul3A_561 = vector.broadcast %squeeze3A_503 : f32 to vector<16xf32>
        %mul3A_562 = arith.mulf %mul3A_561, %get3A_560 : vector<16xf32>
        %add3A_563 = arith.addf %add3A_501, %mul3A_562 : vector<16xf32>
        %slice3A_564 = vector.extract_strided_slice %get3A_193 {offsets = [6], sizes = [1], strides = [1]} : vector<16xf32> to vector<1xf32>
        %squeeze3A_565 = vector.extract %slice3A_564[0] : f32 from vector<1xf32>
        %mul3A_566 = arith.constant 16 : i32
        %mul3A_567 = arith.muli %scan3A_180, %mul3A_566 : i32
        %add3A_568 = arith.constant 6 : i32
        %add3A_569 = arith.addi %mul3A_567, %add3A_568 : i32
        %get3A_570 = arith.index_cast %add3A_569 : i32 to index
        %get3A_571 = arith.constant 0 : index
        %get3A_572 = tpu.vector_load %arg5[%get3A_570, %get3A_571] {strides = array<i32>} : memref<256x128xf32, #tpu.memory_space<vmem>>, vector<1x16xf32>,
        %get3A_573 = vector.shape_cast %get3A_572 : vector<1x16xf32> to vector<16xf32>
        %mul3A_574 = vector.broadcast %squeeze3A_565 : f32 to vector<16xf32>
        %mul3A_575 = arith.mulf %mul3A_574, %get3A_573 : vector<16xf32>
        %add3A_576 = arith.addf %add3A_514, %mul3A_575 : vector<16xf32>
        %get3A_577 = arith.index_cast %add3A_569 : i32 to index
        %get3A_578 = arith.constant 16 : index
        %get3A_579 = tpu.vector_load %arg5[%get3A_577, %get3A_578] {strides = array<i32>} : memref<256x128xf32, #tpu.memory_space<vmem>>, vector<1x16xf32>,
        %get3A_580 = vector.shape_cast %get3A_579 : vector<1x16xf32> to vector<16xf32>
        %mul3A_581 = vector.broadcast %squeeze3A_565 : f32 to vector<16xf32>
        %mul3A_582 = arith.mulf %mul3A_581, %get3A_580 : vector<16xf32>
        %add3A_583 = arith.addf %add3A_521, %mul3A_582 : vector<16xf32>
        %get3A_584 = arith.index_cast %add3A_569 : i32 to index
        %get3A_585 = arith.constant 32 : index
        %get3A_586 = tpu.vector_load %arg5[%get3A_584, %get3A_585] {strides = array<i32>} : memref<256x128xf32, #tpu.memory_space<vmem>>, vector<1x16xf32>,
        %get3A_587 = vector.shape_cast %get3A_586 : vector<1x16xf32> to vector<16xf32>
        %mul3A_588 = vector.broadcast %squeeze3A_565 : f32 to vector<16xf32>
        %mul3A_589 = arith.mulf %mul3A_588, %get3A_587 : vector<16xf32>
        %add3A_590 = arith.addf %add3A_528, %mul3A_589 : vector<16xf32>
        %get3A_591 = arith.index_cast %add3A_569 : i32 to index
        %get3A_592 = arith.constant 48 : index
        %get3A_593 = tpu.vector_load %arg5[%get3A_591, %get3A_592] {strides = array<i32>} : memref<256x128xf32, #tpu.memory_space<vmem>>, vector<1x16xf32>,
        %get3A_594 = vector.shape_cast %get3A_593 : vector<1x16xf32> to vector<16xf32>
        %mul3A_595 = vector.broadcast %squeeze3A_565 : f32 to vector<16xf32>
        %mul3A_596 = arith.mulf %mul3A_595, %get3A_594 : vector<16xf32>
        %add3A_597 = arith.addf %add3A_535, %mul3A_596 : vector<16xf32>
        %get3A_598 = arith.index_cast %add3A_569 : i32 to index
        %get3A_599 = arith.constant 64 : index
        %get3A_600 = tpu.vector_load %arg5[%get3A_598, %get3A_599] {strides = array<i32>} : memref<256x128xf32, #tpu.memory_space<vmem>>, vector<1x16xf32>,
        %get3A_601 = vector.shape_cast %get3A_600 : vector<1x16xf32> to vector<16xf32>
        %mul3A_602 = vector.broadcast %squeeze3A_565 : f32 to vector<16xf32>
        %mul3A_603 = arith.mulf %mul3A_602, %get3A_601 : vector<16xf32>
        %add3A_604 = arith.addf %add3A_542, %mul3A_603 : vector<16xf32>
        %get3A_605 = arith.index_cast %add3A_569 : i32 to index
        %get3A_606 = arith.constant 80 : index
        %get3A_607 = tpu.vector_load %arg5[%get3A_605, %get3A_606] {strides = array<i32>} : memref<256x128xf32, #tpu.memory_space<vmem>>, vector<1x16xf32>,
        %get3A_608 = vector.shape_cast %get3A_607 : vector<1x16xf32> to vector<16xf32>
        %mul3A_609 = vector.broadcast %squeeze3A_565 : f32 to vector<16xf32>
        %mul3A_610 = arith.mulf %mul3A_609, %get3A_608 : vector<16xf32>
        %add3A_611 = arith.addf %add3A_549, %mul3A_610 : vector<16xf32>
        %get3A_612 = arith.index_cast %add3A_569 : i32 to index
        %get3A_613 = arith.constant 96 : index
        %get3A_614 = tpu.vector_load %arg5[%get3A_612, %get3A_613] {strides = array<i32>} : memref<256x128xf32, #tpu.memory_space<vmem>>, vector<1x16xf32>,
        %get3A_615 = vector.shape_cast %get3A_614 : vector<1x16xf32> to vector<16xf32>
        %mul3A_616 = vector.broadcast %squeeze3A_565 : f32 to vector<16xf32>
        %mul3A_617 = arith.mulf %mul3A_616, %get3A_615 : vector<16xf32>
        %add3A_618 = arith.addf %add3A_556, %mul3A_617 : vector<16xf32>
        %get3A_619 = arith.index_cast %add3A_569 : i32 to index
        %get3A_620 = arith.constant 112 : index
        %get3A_621 = tpu.vector_load %arg5[%get3A_619, %get3A_620] {strides = array<i32>} : memref<256x128xf32, #tpu.memory_space<vmem>>, vector<1x16xf32>,
        %get3A_622 = vector.shape_cast %get3A_621 : vector<1x16xf32> to vector<16xf32>
        %mul3A_623 = vector.broadcast %squeeze3A_565 : f32 to vector<16xf32>
        %mul3A_624 = arith.mulf %mul3A_623, %get3A_622 : vector<16xf32>
        %add3A_625 = arith.addf %add3A_563, %mul3A_624 : vector<16xf32>
        %slice3A_626 = vector.extract_strided_slice %get3A_193 {offsets = [7], sizes = [1], strides = [1]} : vector<16xf32> to vector<1xf32>
        %squeeze3A_627 = vector.extract %slice3A_626[0] : f32 from vector<1xf32>
        %mul3A_628 = arith.constant 16 : i32
        %mul3A_629 = arith.muli %scan3A_180, %mul3A_628 : i32
        %add3A_630 = arith.constant 7 : i32
        %add3A_631 = arith.addi %mul3A_629, %add3A_630 : i32
        %get3A_632 = arith.index_cast %add3A_631 : i32 to index
        %get3A_633 = arith.constant 0 : index
        %get3A_634 = tpu.vector_load %arg5[%get3A_632, %get3A_633] {strides = array<i32>} : memref<256x128xf32, #tpu.memory_space<vmem>>, vector<1x16xf32>,
        %get3A_635 = vector.shape_cast %get3A_634 : vector<1x16xf32> to vector<16xf32>
        %mul3A_636 = vector.broadcast %squeeze3A_627 : f32 to vector<16xf32>
        %mul3A_637 = arith.mulf %mul3A_636, %get3A_635 : vector<16xf32>
        %add3A_638 = arith.addf %add3A_576, %mul3A_637 : vector<16xf32>
        %get3A_639 = arith.index_cast %add3A_631 : i32 to index
        %get3A_640 = arith.constant 16 : index
        %get3A_641 = tpu.vector_load %arg5[%get3A_639, %get3A_640] {strides = array<i32>} : memref<256x128xf32, #tpu.memory_space<vmem>>, vector<1x16xf32>,
        %get3A_642 = vector.shape_cast %get3A_641 : vector<1x16xf32> to vector<16xf32>
        %mul3A_643 = vector.broadcast %squeeze3A_627 : f32 to vector<16xf32>
        %mul3A_644 = arith.mulf %mul3A_643, %get3A_642 : vector<16xf32>
        %add3A_645 = arith.addf %add3A_583, %mul3A_644 : vector<16xf32>
        %get3A_646 = arith.index_cast %add3A_631 : i32 to index
        %get3A_647 = arith.constant 32 : index
        %get3A_648 = tpu.vector_load %arg5[%get3A_646, %get3A_647] {strides = array<i32>} : memref<256x128xf32, #tpu.memory_space<vmem>>, vector<1x16xf32>,
        %get3A_649 = vector.shape_cast %get3A_648 : vector<1x16xf32> to vector<16xf32>
        %mul3A_650 = vector.broadcast %squeeze3A_627 : f32 to vector<16xf32>
        %mul3A_651 = arith.mulf %mul3A_650, %get3A_649 : vector<16xf32>
        %add3A_652 = arith.addf %add3A_590, %mul3A_651 : vector<16xf32>
        %get3A_653 = arith.index_cast %add3A_631 : i32 to index
        %get3A_654 = arith.constant 48 : index
        %get3A_655 = tpu.vector_load %arg5[%get3A_653, %get3A_654] {strides = array<i32>} : memref<256x128xf32, #tpu.memory_space<vmem>>, vector<1x16xf32>,
        %get3A_656 = vector.shape_cast %get3A_655 : vector<1x16xf32> to vector<16xf32>
        %mul3A_657 = vector.broadcast %squeeze3A_627 : f32 to vector<16xf32>
        %mul3A_658 = arith.mulf %mul3A_657, %get3A_656 : vector<16xf32>
        %add3A_659 = arith.addf %add3A_597, %mul3A_658 : vector<16xf32>
        %get3A_660 = arith.index_cast %add3A_631 : i32 to index
        %get3A_661 = arith.constant 64 : index
        %get3A_662 = tpu.vector_load %arg5[%get3A_660, %get3A_661] {strides = array<i32>} : memref<256x128xf32, #tpu.memory_space<vmem>>, vector<1x16xf32>,
        %get3A_663 = vector.shape_cast %get3A_662 : vector<1x16xf32> to vector<16xf32>
        %mul3A_664 = vector.broadcast %squeeze3A_627 : f32 to vector<16xf32>
        %mul3A_665 = arith.mulf %mul3A_664, %get3A_663 : vector<16xf32>
        %add3A_666 = arith.addf %add3A_604, %mul3A_665 : vector<16xf32>
        %get3A_667 = arith.index_cast %add3A_631 : i32 to index
        %get3A_668 = arith.constant 80 : index
        %get3A_669 = tpu.vector_load %arg5[%get3A_667, %get3A_668] {strides = array<i32>} : memref<256x128xf32, #tpu.memory_space<vmem>>, vector<1x16xf32>,
        %get3A_670 = vector.shape_cast %get3A_669 : vector<1x16xf32> to vector<16xf32>
        %mul3A_671 = vector.broadcast %squeeze3A_627 : f32 to vector<16xf32>
        %mul3A_672 = arith.mulf %mul3A_671, %get3A_670 : vector<16xf32>
        %add3A_673 = arith.addf %add3A_611, %mul3A_672 : vector<16xf32>
        %get3A_674 = arith.index_cast %add3A_631 : i32 to index
        %get3A_675 = arith.constant 96 : index
        %get3A_676 = tpu.vector_load %arg5[%get3A_674, %get3A_675] {strides = array<i32>} : memref<256x128xf32, #tpu.memory_space<vmem>>, vector<1x16xf32>,
        %get3A_677 = vector.shape_cast %get3A_676 : vector<1x16xf32> to vector<16xf32>
        %mul3A_678 = vector.broadcast %squeeze3A_627 : f32 to vector<16xf32>
        %mul3A_679 = arith.mulf %mul3A_678, %get3A_677 : vector<16xf32>
        %add3A_680 = arith.addf %add3A_618, %mul3A_679 : vector<16xf32>
        %get3A_681 = arith.index_cast %add3A_631 : i32 to index
        %get3A_682 = arith.constant 112 : index
        %get3A_683 = tpu.vector_load %arg5[%get3A_681, %get3A_682] {strides = array<i32>} : memref<256x128xf32, #tpu.memory_space<vmem>>, vector<1x16xf32>,
        %get3A_684 = vector.shape_cast %get3A_683 : vector<1x16xf32> to vector<16xf32>
        %mul3A_685 = vector.broadcast %squeeze3A_627 : f32 to vector<16xf32>
        %mul3A_686 = arith.mulf %mul3A_685, %get3A_684 : vector<16xf32>
        %add3A_687 = arith.addf %add3A_625, %mul3A_686 : vector<16xf32>
        %slice3A_688 = vector.extract_strided_slice %get3A_193 {offsets = [8], sizes = [1], strides = [1]} : vector<16xf32> to vector<1xf32>
        %squeeze3A_689 = vector.extract %slice3A_688[0] : f32 from vector<1xf32>
        %mul3A_690 = arith.constant 16 : i32
        %mul3A_691 = arith.muli %scan3A_180, %mul3A_690 : i32
        %add3A_692 = arith.constant 8 : i32
        %add3A_693 = arith.addi %mul3A_691, %add3A_692 : i32
        %get3A_694 = arith.index_cast %add3A_693 : i32 to index
        %get3A_695 = arith.constant 0 : index
        %get3A_696 = tpu.vector_load %arg5[%get3A_694, %get3A_695] {strides = array<i32>} : memref<256x128xf32, #tpu.memory_space<vmem>>, vector<1x16xf32>,
        %get3A_697 = vector.shape_cast %get3A_696 : vector<1x16xf32> to vector<16xf32>
        %mul3A_698 = vector.broadcast %squeeze3A_689 : f32 to vector<16xf32>
        %mul3A_699 = arith.mulf %mul3A_698, %get3A_697 : vector<16xf32>
        %add3A_700 = arith.addf %add3A_638, %mul3A_699 : vector<16xf32>
        %get3A_701 = arith.index_cast %add3A_693 : i32 to index
        %get3A_702 = arith.constant 16 : index
        %get3A_703 = tpu.vector_load %arg5[%get3A_701, %get3A_702] {strides = array<i32>} : memref<256x128xf32, #tpu.memory_space<vmem>>, vector<1x16xf32>,
        %get3A_704 = vector.shape_cast %get3A_703 : vector<1x16xf32> to vector<16xf32>
        %mul3A_705 = vector.broadcast %squeeze3A_689 : f32 to vector<16xf32>
        %mul3A_706 = arith.mulf %mul3A_705, %get3A_704 : vector<16xf32>
        %add3A_707 = arith.addf %add3A_645, %mul3A_706 : vector<16xf32>
        %get3A_708 = arith.index_cast %add3A_693 : i32 to index
        %get3A_709 = arith.constant 32 : index
        %get3A_710 = tpu.vector_load %arg5[%get3A_708, %get3A_709] {strides = array<i32>} : memref<256x128xf32, #tpu.memory_space<vmem>>, vector<1x16xf32>,
        %get3A_711 = vector.shape_cast %get3A_710 : vector<1x16xf32> to vector<16xf32>
        %mul3A_712 = vector.broadcast %squeeze3A_689 : f32 to vector<16xf32>
        %mul3A_713 = arith.mulf %mul3A_712, %get3A_711 : vector<16xf32>
        %add3A_714 = arith.addf %add3A_652, %mul3A_713 : vector<16xf32>
        %get3A_715 = arith.index_cast %add3A_693 : i32 to index
        %get3A_716 = arith.constant 48 : index
        %get3A_717 = tpu.vector_load %arg5[%get3A_715, %get3A_716] {strides = array<i32>} : memref<256x128xf32, #tpu.memory_space<vmem>>, vector<1x16xf32>,
        %get3A_718 = vector.shape_cast %get3A_717 : vector<1x16xf32> to vector<16xf32>
        %mul3A_719 = vector.broadcast %squeeze3A_689 : f32 to vector<16xf32>
        %mul3A_720 = arith.mulf %mul3A_719, %get3A_718 : vector<16xf32>
        %add3A_721 = arith.addf %add3A_659, %mul3A_720 : vector<16xf32>
        %get3A_722 = arith.index_cast %add3A_693 : i32 to index
        %get3A_723 = arith.constant 64 : index
        %get3A_724 = tpu.vector_load %arg5[%get3A_722, %get3A_723] {strides = array<i32>} : memref<256x128xf32, #tpu.memory_space<vmem>>, vector<1x16xf32>,
        %get3A_725 = vector.shape_cast %get3A_724 : vector<1x16xf32> to vector<16xf32>
        %mul3A_726 = vector.broadcast %squeeze3A_689 : f32 to vector<16xf32>
        %mul3A_727 = arith.mulf %mul3A_726, %get3A_725 : vector<16xf32>
        %add3A_728 = arith.addf %add3A_666, %mul3A_727 : vector<16xf32>
        %get3A_729 = arith.index_cast %add3A_693 : i32 to index
        %get3A_730 = arith.constant 80 : index
        %get3A_731 = tpu.vector_load %arg5[%get3A_729, %get3A_730] {strides = array<i32>} : memref<256x128xf32, #tpu.memory_space<vmem>>, vector<1x16xf32>,
        %get3A_732 = vector.shape_cast %get3A_731 : vector<1x16xf32> to vector<16xf32>
        %mul3A_733 = vector.broadcast %squeeze3A_689 : f32 to vector<16xf32>
        %mul3A_734 = arith.mulf %mul3A_733, %get3A_732 : vector<16xf32>
        %add3A_735 = arith.addf %add3A_673, %mul3A_734 : vector<16xf32>
        %get3A_736 = arith.index_cast %add3A_693 : i32 to index
        %get3A_737 = arith.constant 96 : index
        %get3A_738 = tpu.vector_load %arg5[%get3A_736, %get3A_737] {strides = array<i32>} : memref<256x128xf32, #tpu.memory_space<vmem>>, vector<1x16xf32>,
        %get3A_739 = vector.shape_cast %get3A_738 : vector<1x16xf32> to vector<16xf32>
        %mul3A_740 = vector.broadcast %squeeze3A_689 : f32 to vector<16xf32>
        %mul3A_741 = arith.mulf %mul3A_740, %get3A_739 : vector<16xf32>
        %add3A_742 = arith.addf %add3A_680, %mul3A_741 : vector<16xf32>
        %get3A_743 = arith.index_cast %add3A_693 : i32 to index
        %get3A_744 = arith.constant 112 : index
        %get3A_745 = tpu.vector_load %arg5[%get3A_743, %get3A_744] {strides = array<i32>} : memref<256x128xf32, #tpu.memory_space<vmem>>, vector<1x16xf32>,
        %get3A_746 = vector.shape_cast %get3A_745 : vector<1x16xf32> to vector<16xf32>
        %mul3A_747 = vector.broadcast %squeeze3A_689 : f32 to vector<16xf32>
        %mul3A_748 = arith.mulf %mul3A_747, %get3A_746 : vector<16xf32>
        %add3A_749 = arith.addf %add3A_687, %mul3A_748 : vector<16xf32>
        %slice3A_750 = vector.extract_strided_slice %get3A_193 {offsets = [9], sizes = [1], strides = [1]} : vector<16xf32> to vector<1xf32>
        %squeeze3A_751 = vector.extract %slice3A_750[0] : f32 from vector<1xf32>
        %mul3A_752 = arith.constant 16 : i32
        %mul3A_753 = arith.muli %scan3A_180, %mul3A_752 : i32
        %add3A_754 = arith.constant 9 : i32
        %add3A_755 = arith.addi %mul3A_753, %add3A_754 : i32
        %get3A_756 = arith.index_cast %add3A_755 : i32 to index
        %get3A_757 = arith.constant 0 : index
        %get3A_758 = tpu.vector_load %arg5[%get3A_756, %get3A_757] {strides = array<i32>} : memref<256x128xf32, #tpu.memory_space<vmem>>, vector<1x16xf32>,
        %get3A_759 = vector.shape_cast %get3A_758 : vector<1x16xf32> to vector<16xf32>
        %mul3A_760 = vector.broadcast %squeeze3A_751 : f32 to vector<16xf32>
        %mul3A_761 = arith.mulf %mul3A_760, %get3A_759 : vector<16xf32>
        %add3A_762 = arith.addf %add3A_700, %mul3A_761 : vector<16xf32>
        %get3A_763 = arith.index_cast %add3A_755 : i32 to index
        %get3A_764 = arith.constant 16 : index
        %get3A_765 = tpu.vector_load %arg5[%get3A_763, %get3A_764] {strides = array<i32>} : memref<256x128xf32, #tpu.memory_space<vmem>>, vector<1x16xf32>,
        %get3A_766 = vector.shape_cast %get3A_765 : vector<1x16xf32> to vector<16xf32>
        %mul3A_767 = vector.broadcast %squeeze3A_751 : f32 to vector<16xf32>
        %mul3A_768 = arith.mulf %mul3A_767, %get3A_766 : vector<16xf32>
        %add3A_769 = arith.addf %add3A_707, %mul3A_768 : vector<16xf32>
        %get3A_770 = arith.index_cast %add3A_755 : i32 to index
        %get3A_771 = arith.constant 32 : index
        %get3A_772 = tpu.vector_load %arg5[%get3A_770, %get3A_771] {strides = array<i32>} : memref<256x128xf32, #tpu.memory_space<vmem>>, vector<1x16xf32>,
        %get3A_773 = vector.shape_cast %get3A_772 : vector<1x16xf32> to vector<16xf32>
        %mul3A_774 = vector.broadcast %squeeze3A_751 : f32 to vector<16xf32>
        %mul3A_775 = arith.mulf %mul3A_774, %get3A_773 : vector<16xf32>
        %add3A_776 = arith.addf %add3A_714, %mul3A_775 : vector<16xf32>
        %get3A_777 = arith.index_cast %add3A_755 : i32 to index
        %get3A_778 = arith.constant 48 : index
        %get3A_779 = tpu.vector_load %arg5[%get3A_777, %get3A_778] {strides = array<i32>} : memref<256x128xf32, #tpu.memory_space<vmem>>, vector<1x16xf32>,
        %get3A_780 = vector.shape_cast %get3A_779 : vector<1x16xf32> to vector<16xf32>
        %mul3A_781 = vector.broadcast %squeeze3A_751 : f32 to vector<16xf32>
        %mul3A_782 = arith.mulf %mul3A_781, %get3A_780 : vector<16xf32>
        %add3A_783 = arith.addf %add3A_721, %mul3A_782 : vector<16xf32>
        %get3A_784 = arith.index_cast %add3A_755 : i32 to index
        %get3A_785 = arith.constant 64 : index
        %get3A_786 = tpu.vector_load %arg5[%get3A_784, %get3A_785] {strides = array<i32>} : memref<256x128xf32, #tpu.memory_space<vmem>>, vector<1x16xf32>,
        %get3A_787 = vector.shape_cast %get3A_786 : vector<1x16xf32> to vector<16xf32>
        %mul3A_788 = vector.broadcast %squeeze3A_751 : f32 to vector<16xf32>
        %mul3A_789 = arith.mulf %mul3A_788, %get3A_787 : vector<16xf32>
        %add3A_790 = arith.addf %add3A_728, %mul3A_789 : vector<16xf32>
        %get3A_791 = arith.index_cast %add3A_755 : i32 to index
        %get3A_792 = arith.constant 80 : index
        %get3A_793 = tpu.vector_load %arg5[%get3A_791, %get3A_792] {strides = array<i32>} : memref<256x128xf32, #tpu.memory_space<vmem>>, vector<1x16xf32>,
        %get3A_794 = vector.shape_cast %get3A_793 : vector<1x16xf32> to vector<16xf32>
        %mul3A_795 = vector.broadcast %squeeze3A_751 : f32 to vector<16xf32>
        %mul3A_796 = arith.mulf %mul3A_795, %get3A_794 : vector<16xf32>
        %add3A_797 = arith.addf %add3A_735, %mul3A_796 : vector<16xf32>
        %get3A_798 = arith.index_cast %add3A_755 : i32 to index
        %get3A_799 = arith.constant 96 : index
        %get3A_800 = tpu.vector_load %arg5[%get3A_798, %get3A_799] {strides = array<i32>} : memref<256x128xf32, #tpu.memory_space<vmem>>, vector<1x16xf32>,
        %get3A_801 = vector.shape_cast %get3A_800 : vector<1x16xf32> to vector<16xf32>
        %mul3A_802 = vector.broadcast %squeeze3A_751 : f32 to vector<16xf32>
        %mul3A_803 = arith.mulf %mul3A_802, %get3A_801 : vector<16xf32>
        %add3A_804 = arith.addf %add3A_742, %mul3A_803 : vector<16xf32>
        %get3A_805 = arith.index_cast %add3A_755 : i32 to index
        %get3A_806 = arith.constant 112 : index
        %get3A_807 = tpu.vector_load %arg5[%get3A_805, %get3A_806] {strides = array<i32>} : memref<256x128xf32, #tpu.memory_space<vmem>>, vector<1x16xf32>,
        %get3A_808 = vector.shape_cast %get3A_807 : vector<1x16xf32> to vector<16xf32>
        %mul3A_809 = vector.broadcast %squeeze3A_751 : f32 to vector<16xf32>
        %mul3A_810 = arith.mulf %mul3A_809, %get3A_808 : vector<16xf32>
        %add3A_811 = arith.addf %add3A_749, %mul3A_810 : vector<16xf32>
        %slice3A_812 = vector.extract_strided_slice %get3A_193 {offsets = [10], sizes = [1], strides = [1]} : vector<16xf32> to vector<1xf32>
        %squeeze3A_813 = vector.extract %slice3A_812[0] : f32 from vector<1xf32>
        %mul3A_814 = arith.constant 16 : i32
        %mul3A_815 = arith.muli %scan3A_180, %mul3A_814 : i32
        %add3A_816 = arith.constant 10 : i32
        %add3A_817 = arith.addi %mul3A_815, %add3A_816 : i32
        %get3A_818 = arith.index_cast %add3A_817 : i32 to index
        %get3A_819 = arith.constant 0 : index
        %get3A_820 = tpu.vector_load %arg5[%get3A_818, %get3A_819] {strides = array<i32>} : memref<256x128xf32, #tpu.memory_space<vmem>>, vector<1x16xf32>,
        %get3A_821 = vector.shape_cast %get3A_820 : vector<1x16xf32> to vector<16xf32>
        %mul3A_822 = vector.broadcast %squeeze3A_813 : f32 to vector<16xf32>
        %mul3A_823 = arith.mulf %mul3A_822, %get3A_821 : vector<16xf32>
        %add3A_824 = arith.addf %add3A_762, %mul3A_823 : vector<16xf32>
        %get3A_825 = arith.index_cast %add3A_817 : i32 to index
        %get3A_826 = arith.constant 16 : index
        %get3A_827 = tpu.vector_load %arg5[%get3A_825, %get3A_826] {strides = array<i32>} : memref<256x128xf32, #tpu.memory_space<vmem>>, vector<1x16xf32>,
        %get3A_828 = vector.shape_cast %get3A_827 : vector<1x16xf32> to vector<16xf32>
        %mul3A_829 = vector.broadcast %squeeze3A_813 : f32 to vector<16xf32>
        %mul3A_830 = arith.mulf %mul3A_829, %get3A_828 : vector<16xf32>
        %add3A_831 = arith.addf %add3A_769, %mul3A_830 : vector<16xf32>
        %get3A_832 = arith.index_cast %add3A_817 : i32 to index
        %get3A_833 = arith.constant 32 : index
        %get3A_834 = tpu.vector_load %arg5[%get3A_832, %get3A_833] {strides = array<i32>} : memref<256x128xf32, #tpu.memory_space<vmem>>, vector<1x16xf32>,
        %get3A_835 = vector.shape_cast %get3A_834 : vector<1x16xf32> to vector<16xf32>
        %mul3A_836 = vector.broadcast %squeeze3A_813 : f32 to vector<16xf32>
        %mul3A_837 = arith.mulf %mul3A_836, %get3A_835 : vector<16xf32>
        %add3A_838 = arith.addf %add3A_776, %mul3A_837 : vector<16xf32>
        %get3A_839 = arith.index_cast %add3A_817 : i32 to index
        %get3A_840 = arith.constant 48 : index
        %get3A_841 = tpu.vector_load %arg5[%get3A_839, %get3A_840] {strides = array<i32>} : memref<256x128xf32, #tpu.memory_space<vmem>>, vector<1x16xf32>,
        %get3A_842 = vector.shape_cast %get3A_841 : vector<1x16xf32> to vector<16xf32>
        %mul3A_843 = vector.broadcast %squeeze3A_813 : f32 to vector<16xf32>
        %mul3A_844 = arith.mulf %mul3A_843, %get3A_842 : vector<16xf32>
        %add3A_845 = arith.addf %add3A_783, %mul3A_844 : vector<16xf32>
        %get3A_846 = arith.index_cast %add3A_817 : i32 to index
        %get3A_847 = arith.constant 64 : index
        %get3A_848 = tpu.vector_load %arg5[%get3A_846, %get3A_847] {strides = array<i32>} : memref<256x128xf32, #tpu.memory_space<vmem>>, vector<1x16xf32>,
        %get3A_849 = vector.shape_cast %get3A_848 : vector<1x16xf32> to vector<16xf32>
        %mul3A_850 = vector.broadcast %squeeze3A_813 : f32 to vector<16xf32>
        %mul3A_851 = arith.mulf %mul3A_850, %get3A_849 : vector<16xf32>
        %add3A_852 = arith.addf %add3A_790, %mul3A_851 : vector<16xf32>
        %get3A_853 = arith.index_cast %add3A_817 : i32 to index
        %get3A_854 = arith.constant 80 : index
        %get3A_855 = tpu.vector_load %arg5[%get3A_853, %get3A_854] {strides = array<i32>} : memref<256x128xf32, #tpu.memory_space<vmem>>, vector<1x16xf32>,
        %get3A_856 = vector.shape_cast %get3A_855 : vector<1x16xf32> to vector<16xf32>
        %mul3A_857 = vector.broadcast %squeeze3A_813 : f32 to vector<16xf32>
        %mul3A_858 = arith.mulf %mul3A_857, %get3A_856 : vector<16xf32>
        %add3A_859 = arith.addf %add3A_797, %mul3A_858 : vector<16xf32>
        %get3A_860 = arith.index_cast %add3A_817 : i32 to index
        %get3A_861 = arith.constant 96 : index
        %get3A_862 = tpu.vector_load %arg5[%get3A_860, %get3A_861] {strides = array<i32>} : memref<256x128xf32, #tpu.memory_space<vmem>>, vector<1x16xf32>,
        %get3A_863 = vector.shape_cast %get3A_862 : vector<1x16xf32> to vector<16xf32>
        %mul3A_864 = vector.broadcast %squeeze3A_813 : f32 to vector<16xf32>
        %mul3A_865 = arith.mulf %mul3A_864, %get3A_863 : vector<16xf32>
        %add3A_866 = arith.addf %add3A_804, %mul3A_865 : vector<16xf32>
        %get3A_867 = arith.index_cast %add3A_817 : i32 to index
        %get3A_868 = arith.constant 112 : index
        %get3A_869 = tpu.vector_load %arg5[%get3A_867, %get3A_868] {strides = array<i32>} : memref<256x128xf32, #tpu.memory_space<vmem>>, vector<1x16xf32>,
        %get3A_870 = vector.shape_cast %get3A_869 : vector<1x16xf32> to vector<16xf32>
        %mul3A_871 = vector.broadcast %squeeze3A_813 : f32 to vector<16xf32>
        %mul3A_872 = arith.mulf %mul3A_871, %get3A_870 : vector<16xf32>
        %add3A_873 = arith.addf %add3A_811, %mul3A_872 : vector<16xf32>
        %slice3A_874 = vector.extract_strided_slice %get3A_193 {offsets = [11], sizes = [1], strides = [1]} : vector<16xf32> to vector<1xf32>
        %squeeze3A_875 = vector.extract %slice3A_874[0] : f32 from vector<1xf32>
        %mul3A_876 = arith.constant 16 : i32
        %mul3A_877 = arith.muli %scan3A_180, %mul3A_876 : i32
        %add3A_878 = arith.constant 11 : i32
        %add3A_879 = arith.addi %mul3A_877, %add3A_878 : i32
        %get3A_880 = arith.index_cast %add3A_879 : i32 to index
        %get3A_881 = arith.constant 0 : index
        %get3A_882 = tpu.vector_load %arg5[%get3A_880, %get3A_881] {strides = array<i32>} : memref<256x128xf32, #tpu.memory_space<vmem>>, vector<1x16xf32>,
        %get3A_883 = vector.shape_cast %get3A_882 : vector<1x16xf32> to vector<16xf32>
        %mul3A_884 = vector.broadcast %squeeze3A_875 : f32 to vector<16xf32>
        %mul3A_885 = arith.mulf %mul3A_884, %get3A_883 : vector<16xf32>
        %add3A_886 = arith.addf %add3A_824, %mul3A_885 : vector<16xf32>
        %get3A_887 = arith.index_cast %add3A_879 : i32 to index
        %get3A_888 = arith.constant 16 : index
        %get3A_889 = tpu.vector_load %arg5[%get3A_887, %get3A_888] {strides = array<i32>} : memref<256x128xf32, #tpu.memory_space<vmem>>, vector<1x16xf32>,
        %get3A_890 = vector.shape_cast %get3A_889 : vector<1x16xf32> to vector<16xf32>
        %mul3A_891 = vector.broadcast %squeeze3A_875 : f32 to vector<16xf32>
        %mul3A_892 = arith.mulf %mul3A_891, %get3A_890 : vector<16xf32>
        %add3A_893 = arith.addf %add3A_831, %mul3A_892 : vector<16xf32>
        %get3A_894 = arith.index_cast %add3A_879 : i32 to index
        %get3A_895 = arith.constant 32 : index
        %get3A_896 = tpu.vector_load %arg5[%get3A_894, %get3A_895] {strides = array<i32>} : memref<256x128xf32, #tpu.memory_space<vmem>>, vector<1x16xf32>,
        %get3A_897 = vector.shape_cast %get3A_896 : vector<1x16xf32> to vector<16xf32>
        %mul3A_898 = vector.broadcast %squeeze3A_875 : f32 to vector<16xf32>
        %mul3A_899 = arith.mulf %mul3A_898, %get3A_897 : vector<16xf32>
        %add3A_900 = arith.addf %add3A_838, %mul3A_899 : vector<16xf32>
        %get3A_901 = arith.index_cast %add3A_879 : i32 to index
        %get3A_902 = arith.constant 48 : index
        %get3A_903 = tpu.vector_load %arg5[%get3A_901, %get3A_902] {strides = array<i32>} : memref<256x128xf32, #tpu.memory_space<vmem>>, vector<1x16xf32>,
        %get3A_904 = vector.shape_cast %get3A_903 : vector<1x16xf32> to vector<16xf32>
        %mul3A_905 = vector.broadcast %squeeze3A_875 : f32 to vector<16xf32>
        %mul3A_906 = arith.mulf %mul3A_905, %get3A_904 : vector<16xf32>
        %add3A_907 = arith.addf %add3A_845, %mul3A_906 : vector<16xf32>
        %get3A_908 = arith.index_cast %add3A_879 : i32 to index
        %get3A_909 = arith.constant 64 : index
        %get3A_910 = tpu.vector_load %arg5[%get3A_908, %get3A_909] {strides = array<i32>} : memref<256x128xf32, #tpu.memory_space<vmem>>, vector<1x16xf32>,
        %get3A_911 = vector.shape_cast %get3A_910 : vector<1x16xf32> to vector<16xf32>
        %mul3A_912 = vector.broadcast %squeeze3A_875 : f32 to vector<16xf32>
        %mul3A_913 = arith.mulf %mul3A_912, %get3A_911 : vector<16xf32>
        %add3A_914 = arith.addf %add3A_852, %mul3A_913 : vector<16xf32>
        %get3A_915 = arith.index_cast %add3A_879 : i32 to index
        %get3A_916 = arith.constant 80 : index
        %get3A_917 = tpu.vector_load %arg5[%get3A_915, %get3A_916] {strides = array<i32>} : memref<256x128xf32, #tpu.memory_space<vmem>>, vector<1x16xf32>,
        %get3A_918 = vector.shape_cast %get3A_917 : vector<1x16xf32> to vector<16xf32>
        %mul3A_919 = vector.broadcast %squeeze3A_875 : f32 to vector<16xf32>
        %mul3A_920 = arith.mulf %mul3A_919, %get3A_918 : vector<16xf32>
        %add3A_921 = arith.addf %add3A_859, %mul3A_920 : vector<16xf32>
        %get3A_922 = arith.index_cast %add3A_879 : i32 to index
        %get3A_923 = arith.constant 96 : index
        %get3A_924 = tpu.vector_load %arg5[%get3A_922, %get3A_923] {strides = array<i32>} : memref<256x128xf32, #tpu.memory_space<vmem>>, vector<1x16xf32>,
        %get3A_925 = vector.shape_cast %get3A_924 : vector<1x16xf32> to vector<16xf32>
        %mul3A_926 = vector.broadcast %squeeze3A_875 : f32 to vector<16xf32>
        %mul3A_927 = arith.mulf %mul3A_926, %get3A_925 : vector<16xf32>
        %add3A_928 = arith.addf %add3A_866, %mul3A_927 : vector<16xf32>
        %get3A_929 = arith.index_cast %add3A_879 : i32 to index
        %get3A_930 = arith.constant 112 : index
        %get3A_931 = tpu.vector_load %arg5[%get3A_929, %get3A_930] {strides = array<i32>} : memref<256x128xf32, #tpu.memory_space<vmem>>, vector<1x16xf32>,
        %get3A_932 = vector.shape_cast %get3A_931 : vector<1x16xf32> to vector<16xf32>
        %mul3A_933 = vector.broadcast %squeeze3A_875 : f32 to vector<16xf32>
        %mul3A_934 = arith.mulf %mul3A_933, %get3A_932 : vector<16xf32>
        %add3A_935 = arith.addf %add3A_873, %mul3A_934 : vector<16xf32>
        %slice3A_936 = vector.extract_strided_slice %get3A_193 {offsets = [12], sizes = [1], strides = [1]} : vector<16xf32> to vector<1xf32>
        %squeeze3A_937 = vector.extract %slice3A_936[0] : f32 from vector<1xf32>
        %mul3A_938 = arith.constant 16 : i32
        %mul3A_939 = arith.muli %scan3A_180, %mul3A_938 : i32
        %add3A_940 = arith.constant 12 : i32
        %add3A_941 = arith.addi %mul3A_939, %add3A_940 : i32
        %get3A_942 = arith.index_cast %add3A_941 : i32 to index
        %get3A_943 = arith.constant 0 : index
        %get3A_944 = tpu.vector_load %arg5[%get3A_942, %get3A_943] {strides = array<i32>} : memref<256x128xf32, #tpu.memory_space<vmem>>, vector<1x16xf32>,
        %get3A_945 = vector.shape_cast %get3A_944 : vector<1x16xf32> to vector<16xf32>
        %mul3A_946 = vector.broadcast %squeeze3A_937 : f32 to vector<16xf32>
        %mul3A_947 = arith.mulf %mul3A_946, %get3A_945 : vector<16xf32>
        %add3A_948 = arith.addf %add3A_886, %mul3A_947 : vector<16xf32>
        %get3A_949 = arith.index_cast %add3A_941 : i32 to index
        %get3A_950 = arith.constant 16 : index
        %get3A_951 = tpu.vector_load %arg5[%get3A_949, %get3A_950] {strides = array<i32>} : memref<256x128xf32, #tpu.memory_space<vmem>>, vector<1x16xf32>,
        %get3A_952 = vector.shape_cast %get3A_951 : vector<1x16xf32> to vector<16xf32>
        %mul3A_953 = vector.broadcast %squeeze3A_937 : f32 to vector<16xf32>
        %mul3A_954 = arith.mulf %mul3A_953, %get3A_952 : vector<16xf32>
        %add3A_955 = arith.addf %add3A_893, %mul3A_954 : vector<16xf32>
        %get3A_956 = arith.index_cast %add3A_941 : i32 to index
        %get3A_957 = arith.constant 32 : index
        %get3A_958 = tpu.vector_load %arg5[%get3A_956, %get3A_957] {strides = array<i32>} : memref<256x128xf32, #tpu.memory_space<vmem>>, vector<1x16xf32>,
        %get3A_959 = vector.shape_cast %get3A_958 : vector<1x16xf32> to vector<16xf32>
        %mul3A_960 = vector.broadcast %squeeze3A_937 : f32 to vector<16xf32>
        %mul3A_961 = arith.mulf %mul3A_960, %get3A_959 : vector<16xf32>
        %add3A_962 = arith.addf %add3A_900, %mul3A_961 : vector<16xf32>
        %get3A_963 = arith.index_cast %add3A_941 : i32 to index
        %get3A_964 = arith.constant 48 : index
        %get3A_965 = tpu.vector_load %arg5[%get3A_963, %get3A_964] {strides = array<i32>} : memref<256x128xf32, #tpu.memory_space<vmem>>, vector<1x16xf32>,
        %get3A_966 = vector.shape_cast %get3A_965 : vector<1x16xf32> to vector<16xf32>
        %mul3A_967 = vector.broadcast %squeeze3A_937 : f32 to vector<16xf32>
        %mul3A_968 = arith.mulf %mul3A_967, %get3A_966 : vector<16xf32>
        %add3A_969 = arith.addf %add3A_907, %mul3A_968 : vector<16xf32>
        %get3A_970 = arith.index_cast %add3A_941 : i32 to index
        %get3A_971 = arith.constant 64 : index
        %get3A_972 = tpu.vector_load %arg5[%get3A_970, %get3A_971] {strides = array<i32>} : memref<256x128xf32, #tpu.memory_space<vmem>>, vector<1x16xf32>,
        %get3A_973 = vector.shape_cast %get3A_972 : vector<1x16xf32> to vector<16xf32>
        %mul3A_974 = vector.broadcast %squeeze3A_937 : f32 to vector<16xf32>
        %mul3A_975 = arith.mulf %mul3A_974, %get3A_973 : vector<16xf32>
        %add3A_976 = arith.addf %add3A_914, %mul3A_975 : vector<16xf32>
        %get3A_977 = arith.index_cast %add3A_941 : i32 to index
        %get3A_978 = arith.constant 80 : index
        %get3A_979 = tpu.vector_load %arg5[%get3A_977, %get3A_978] {strides = array<i32>} : memref<256x128xf32, #tpu.memory_space<vmem>>, vector<1x16xf32>,
        %get3A_980 = vector.shape_cast %get3A_979 : vector<1x16xf32> to vector<16xf32>
        %mul3A_981 = vector.broadcast %squeeze3A_937 : f32 to vector<16xf32>
        %mul3A_982 = arith.mulf %mul3A_981, %get3A_980 : vector<16xf32>
        %add3A_983 = arith.addf %add3A_921, %mul3A_982 : vector<16xf32>
        %get3A_984 = arith.index_cast %add3A_941 : i32 to index
        %get3A_985 = arith.constant 96 : index
        %get3A_986 = tpu.vector_load %arg5[%get3A_984, %get3A_985] {strides = array<i32>} : memref<256x128xf32, #tpu.memory_space<vmem>>, vector<1x16xf32>,
        %get3A_987 = vector.shape_cast %get3A_986 : vector<1x16xf32> to vector<16xf32>
        %mul3A_988 = vector.broadcast %squeeze3A_937 : f32 to vector<16xf32>
        %mul3A_989 = arith.mulf %mul3A_988, %get3A_987 : vector<16xf32>
        %add3A_990 = arith.addf %add3A_928, %mul3A_989 : vector<16xf32>
        %get3A_991 = arith.index_cast %add3A_941 : i32 to index
        %get3A_992 = arith.constant 112 : index
        %get3A_993 = tpu.vector_load %arg5[%get3A_991, %get3A_992] {strides = array<i32>} : memref<256x128xf32, #tpu.memory_space<vmem>>, vector<1x16xf32>,
        %get3A_994 = vector.shape_cast %get3A_993 : vector<1x16xf32> to vector<16xf32>
        %mul3A_995 = vector.broadcast %squeeze3A_937 : f32 to vector<16xf32>
        %mul3A_996 = arith.mulf %mul3A_995, %get3A_994 : vector<16xf32>
        %add3A_997 = arith.addf %add3A_935, %mul3A_996 : vector<16xf32>
        %slice3A_998 = vector.extract_strided_slice %get3A_193 {offsets = [13], sizes = [1], strides = [1]} : vector<16xf32> to vector<1xf32>
        %squeeze3A_999 = vector.extract %slice3A_998[0] : f32 from vector<1xf32>
        %mul3A_1000 = arith.constant 16 : i32
        %mul3A_1001 = arith.muli %scan3A_180, %mul3A_1000 : i32
        %add3A_1002 = arith.constant 13 : i32
        %add3A_1003 = arith.addi %mul3A_1001, %add3A_1002 : i32
        %get3A_1004 = arith.index_cast %add3A_1003 : i32 to index
        %get3A_1005 = arith.constant 0 : index
        %get3A_1006 = tpu.vector_load %arg5[%get3A_1004, %get3A_1005] {strides = array<i32>} : memref<256x128xf32, #tpu.memory_space<vmem>>, vector<1x16xf32>,
        %get3A_1007 = vector.shape_cast %get3A_1006 : vector<1x16xf32> to vector<16xf32>
        %mul3A_1008 = vector.broadcast %squeeze3A_999 : f32 to vector<16xf32>
        %mul3A_1009 = arith.mulf %mul3A_1008, %get3A_1007 : vector<16xf32>
        %add3A_1010 = arith.addf %add3A_948, %mul3A_1009 : vector<16xf32>
        %get3A_1011 = arith.index_cast %add3A_1003 : i32 to index
        %get3A_1012 = arith.constant 16 : index
        %get3A_1013 = tpu.vector_load %arg5[%get3A_1011, %get3A_1012] {strides = array<i32>} : memref<256x128xf32, #tpu.memory_space<vmem>>, vector<1x16xf32>,
        %get3A_1014 = vector.shape_cast %get3A_1013 : vector<1x16xf32> to vector<16xf32>
        %mul3A_1015 = vector.broadcast %squeeze3A_999 : f32 to vector<16xf32>
        %mul3A_1016 = arith.mulf %mul3A_1015, %get3A_1014 : vector<16xf32>
        %add3A_1017 = arith.addf %add3A_955, %mul3A_1016 : vector<16xf32>
        %get3A_1018 = arith.index_cast %add3A_1003 : i32 to index
        %get3A_1019 = arith.constant 32 : index
        %get3A_1020 = tpu.vector_load %arg5[%get3A_1018, %get3A_1019] {strides = array<i32>} : memref<256x128xf32, #tpu.memory_space<vmem>>, vector<1x16xf32>,
        %get3A_1021 = vector.shape_cast %get3A_1020 : vector<1x16xf32> to vector<16xf32>
        %mul3A_1022 = vector.broadcast %squeeze3A_999 : f32 to vector<16xf32>
        %mul3A_1023 = arith.mulf %mul3A_1022, %get3A_1021 : vector<16xf32>
        %add3A_1024 = arith.addf %add3A_962, %mul3A_1023 : vector<16xf32>
        %get3A_1025 = arith.index_cast %add3A_1003 : i32 to index
        %get3A_1026 = arith.constant 48 : index
        %get3A_1027 = tpu.vector_load %arg5[%get3A_1025, %get3A_1026] {strides = array<i32>} : memref<256x128xf32, #tpu.memory_space<vmem>>, vector<1x16xf32>,
        %get3A_1028 = vector.shape_cast %get3A_1027 : vector<1x16xf32> to vector<16xf32>
        %mul3A_1029 = vector.broadcast %squeeze3A_999 : f32 to vector<16xf32>
        %mul3A_1030 = arith.mulf %mul3A_1029, %get3A_1028 : vector<16xf32>
        %add3A_1031 = arith.addf %add3A_969, %mul3A_1030 : vector<16xf32>
        %get3A_1032 = arith.index_cast %add3A_1003 : i32 to index
        %get3A_1033 = arith.constant 64 : index
        %get3A_1034 = tpu.vector_load %arg5[%get3A_1032, %get3A_1033] {strides = array<i32>} : memref<256x128xf32, #tpu.memory_space<vmem>>, vector<1x16xf32>,
        %get3A_1035 = vector.shape_cast %get3A_1034 : vector<1x16xf32> to vector<16xf32>
        %mul3A_1036 = vector.broadcast %squeeze3A_999 : f32 to vector<16xf32>
        %mul3A_1037 = arith.mulf %mul3A_1036, %get3A_1035 : vector<16xf32>
        %add3A_1038 = arith.addf %add3A_976, %mul3A_1037 : vector<16xf32>
        %get3A_1039 = arith.index_cast %add3A_1003 : i32 to index
        %get3A_1040 = arith.constant 80 : index
        %get3A_1041 = tpu.vector_load %arg5[%get3A_1039, %get3A_1040] {strides = array<i32>} : memref<256x128xf32, #tpu.memory_space<vmem>>, vector<1x16xf32>,
        %get3A_1042 = vector.shape_cast %get3A_1041 : vector<1x16xf32> to vector<16xf32>
        %mul3A_1043 = vector.broadcast %squeeze3A_999 : f32 to vector<16xf32>
        %mul3A_1044 = arith.mulf %mul3A_1043, %get3A_1042 : vector<16xf32>
        %add3A_1045 = arith.addf %add3A_983, %mul3A_1044 : vector<16xf32>
        %get3A_1046 = arith.index_cast %add3A_1003 : i32 to index
        %get3A_1047 = arith.constant 96 : index
        %get3A_1048 = tpu.vector_load %arg5[%get3A_1046, %get3A_1047] {strides = array<i32>} : memref<256x128xf32, #tpu.memory_space<vmem>>, vector<1x16xf32>,
        %get3A_1049 = vector.shape_cast %get3A_1048 : vector<1x16xf32> to vector<16xf32>
        %mul3A_1050 = vector.broadcast %squeeze3A_999 : f32 to vector<16xf32>
        %mul3A_1051 = arith.mulf %mul3A_1050, %get3A_1049 : vector<16xf32>
        %add3A_1052 = arith.addf %add3A_990, %mul3A_1051 : vector<16xf32>
        %get3A_1053 = arith.index_cast %add3A_1003 : i32 to index
        %get3A_1054 = arith.constant 112 : index
        %get3A_1055 = tpu.vector_load %arg5[%get3A_1053, %get3A_1054] {strides = array<i32>} : memref<256x128xf32, #tpu.memory_space<vmem>>, vector<1x16xf32>,
        %get3A_1056 = vector.shape_cast %get3A_1055 : vector<1x16xf32> to vector<16xf32>
        %mul3A_1057 = vector.broadcast %squeeze3A_999 : f32 to vector<16xf32>
        %mul3A_1058 = arith.mulf %mul3A_1057, %get3A_1056 : vector<16xf32>
        %add3A_1059 = arith.addf %add3A_997, %mul3A_1058 : vector<16xf32>
        %slice3A_1060 = vector.extract_strided_slice %get3A_193 {offsets = [14], sizes = [1], strides = [1]} : vector<16xf32> to vector<1xf32>
        %squeeze3A_1061 = vector.extract %slice3A_1060[0] : f32 from vector<1xf32>
        %mul3A_1062 = arith.constant 16 : i32
        %mul3A_1063 = arith.muli %scan3A_180, %mul3A_1062 : i32
        %add3A_1064 = arith.constant 14 : i32
        %add3A_1065 = arith.addi %mul3A_1063, %add3A_1064 : i32
        %get3A_1066 = arith.index_cast %add3A_1065 : i32 to index
        %get3A_1067 = arith.constant 0 : index
        %get3A_1068 = tpu.vector_load %arg5[%get3A_1066, %get3A_1067] {strides = array<i32>} : memref<256x128xf32, #tpu.memory_space<vmem>>, vector<1x16xf32>,
        %get3A_1069 = vector.shape_cast %get3A_1068 : vector<1x16xf32> to vector<16xf32>
        %mul3A_1070 = vector.broadcast %squeeze3A_1061 : f32 to vector<16xf32>
        %mul3A_1071 = arith.mulf %mul3A_1070, %get3A_1069 : vector<16xf32>
        %add3A_1072 = arith.addf %add3A_1010, %mul3A_1071 : vector<16xf32>
        %get3A_1073 = arith.index_cast %add3A_1065 : i32 to index
        %get3A_1074 = arith.constant 16 : index
        %get3A_1075 = tpu.vector_load %arg5[%get3A_1073, %get3A_1074] {strides = array<i32>} : memref<256x128xf32, #tpu.memory_space<vmem>>, vector<1x16xf32>,
        %get3A_1076 = vector.shape_cast %get3A_1075 : vector<1x16xf32> to vector<16xf32>
        %mul3A_1077 = vector.broadcast %squeeze3A_1061 : f32 to vector<16xf32>
        %mul3A_1078 = arith.mulf %mul3A_1077, %get3A_1076 : vector<16xf32>
        %add3A_1079 = arith.addf %add3A_1017, %mul3A_1078 : vector<16xf32>
        %get3A_1080 = arith.index_cast %add3A_1065 : i32 to index
        %get3A_1081 = arith.constant 32 : index
        %get3A_1082 = tpu.vector_load %arg5[%get3A_1080, %get3A_1081] {strides = array<i32>} : memref<256x128xf32, #tpu.memory_space<vmem>>, vector<1x16xf32>,
        %get3A_1083 = vector.shape_cast %get3A_1082 : vector<1x16xf32> to vector<16xf32>
        %mul3A_1084 = vector.broadcast %squeeze3A_1061 : f32 to vector<16xf32>
        %mul3A_1085 = arith.mulf %mul3A_1084, %get3A_1083 : vector<16xf32>
        %add3A_1086 = arith.addf %add3A_1024, %mul3A_1085 : vector<16xf32>
        %get3A_1087 = arith.index_cast %add3A_1065 : i32 to index
        %get3A_1088 = arith.constant 48 : index
        %get3A_1089 = tpu.vector_load %arg5[%get3A_1087, %get3A_1088] {strides = array<i32>} : memref<256x128xf32, #tpu.memory_space<vmem>>, vector<1x16xf32>,
        %get3A_1090 = vector.shape_cast %get3A_1089 : vector<1x16xf32> to vector<16xf32>
        %mul3A_1091 = vector.broadcast %squeeze3A_1061 : f32 to vector<16xf32>
        %mul3A_1092 = arith.mulf %mul3A_1091, %get3A_1090 : vector<16xf32>
        %add3A_1093 = arith.addf %add3A_1031, %mul3A_1092 : vector<16xf32>
        %get3A_1094 = arith.index_cast %add3A_1065 : i32 to index
        %get3A_1095 = arith.constant 64 : index
        %get3A_1096 = tpu.vector_load %arg5[%get3A_1094, %get3A_1095] {strides = array<i32>} : memref<256x128xf32, #tpu.memory_space<vmem>>, vector<1x16xf32>,
        %get3A_1097 = vector.shape_cast %get3A_1096 : vector<1x16xf32> to vector<16xf32>
        %mul3A_1098 = vector.broadcast %squeeze3A_1061 : f32 to vector<16xf32>
        %mul3A_1099 = arith.mulf %mul3A_1098, %get3A_1097 : vector<16xf32>
        %add3A_1100 = arith.addf %add3A_1038, %mul3A_1099 : vector<16xf32>
        %get3A_1101 = arith.index_cast %add3A_1065 : i32 to index
        %get3A_1102 = arith.constant 80 : index
        %get3A_1103 = tpu.vector_load %arg5[%get3A_1101, %get3A_1102] {strides = array<i32>} : memref<256x128xf32, #tpu.memory_space<vmem>>, vector<1x16xf32>,
        %get3A_1104 = vector.shape_cast %get3A_1103 : vector<1x16xf32> to vector<16xf32>
        %mul3A_1105 = vector.broadcast %squeeze3A_1061 : f32 to vector<16xf32>
        %mul3A_1106 = arith.mulf %mul3A_1105, %get3A_1104 : vector<16xf32>
        %add3A_1107 = arith.addf %add3A_1045, %mul3A_1106 : vector<16xf32>
        %get3A_1108 = arith.index_cast %add3A_1065 : i32 to index
        %get3A_1109 = arith.constant 96 : index
        %get3A_1110 = tpu.vector_load %arg5[%get3A_1108, %get3A_1109] {strides = array<i32>} : memref<256x128xf32, #tpu.memory_space<vmem>>, vector<1x16xf32>,
        %get3A_1111 = vector.shape_cast %get3A_1110 : vector<1x16xf32> to vector<16xf32>
        %mul3A_1112 = vector.broadcast %squeeze3A_1061 : f32 to vector<16xf32>
        %mul3A_1113 = arith.mulf %mul3A_1112, %get3A_1111 : vector<16xf32>
        %add3A_1114 = arith.addf %add3A_1052, %mul3A_1113 : vector<16xf32>
        %get3A_1115 = arith.index_cast %add3A_1065 : i32 to index
        %get3A_1116 = arith.constant 112 : index
        %get3A_1117 = tpu.vector_load %arg5[%get3A_1115, %get3A_1116] {strides = array<i32>} : memref<256x128xf32, #tpu.memory_space<vmem>>, vector<1x16xf32>,
        %get3A_1118 = vector.shape_cast %get3A_1117 : vector<1x16xf32> to vector<16xf32>
        %mul3A_1119 = vector.broadcast %squeeze3A_1061 : f32 to vector<16xf32>
        %mul3A_1120 = arith.mulf %mul3A_1119, %get3A_1118 : vector<16xf32>
        %add3A_1121 = arith.addf %add3A_1059, %mul3A_1120 : vector<16xf32>
        %slice3A_1122 = vector.extract_strided_slice %get3A_193 {offsets = [15], sizes = [1], strides = [1]} : vector<16xf32> to vector<1xf32>
        %squeeze3A_1123 = vector.extract %slice3A_1122[0] : f32 from vector<1xf32>
        %mul3A_1124 = arith.constant 16 : i32
        %mul3A_1125 = arith.muli %scan3A_180, %mul3A_1124 : i32
        %add3A_1126 = arith.constant 15 : i32
        %add3A_1127 = arith.addi %mul3A_1125, %add3A_1126 : i32
        %get3A_1128 = arith.index_cast %add3A_1127 : i32 to index
        %get3A_1129 = arith.constant 0 : index
        %get3A_1130 = tpu.vector_load %arg5[%get3A_1128, %get3A_1129] {strides = array<i32>} : memref<256x128xf32, #tpu.memory_space<vmem>>, vector<1x16xf32>,
        %get3A_1131 = vector.shape_cast %get3A_1130 : vector<1x16xf32> to vector<16xf32>
        %mul3A_1132 = vector.broadcast %squeeze3A_1123 : f32 to vector<16xf32>
        %mul3A_1133 = arith.mulf %mul3A_1132, %get3A_1131 : vector<16xf32>
        %add3A_1134 = arith.addf %add3A_1072, %mul3A_1133 : vector<16xf32>
        %get3A_1135 = arith.index_cast %add3A_1127 : i32 to index
        %get3A_1136 = arith.constant 16 : index
        %get3A_1137 = tpu.vector_load %arg5[%get3A_1135, %get3A_1136] {strides = array<i32>} : memref<256x128xf32, #tpu.memory_space<vmem>>, vector<1x16xf32>,
        %get3A_1138 = vector.shape_cast %get3A_1137 : vector<1x16xf32> to vector<16xf32>
        %mul3A_1139 = vector.broadcast %squeeze3A_1123 : f32 to vector<16xf32>
        %mul3A_1140 = arith.mulf %mul3A_1139, %get3A_1138 : vector<16xf32>
        %add3A_1141 = arith.addf %add3A_1079, %mul3A_1140 : vector<16xf32>
        %get3A_1142 = arith.index_cast %add3A_1127 : i32 to index
        %get3A_1143 = arith.constant 32 : index
        %get3A_1144 = tpu.vector_load %arg5[%get3A_1142, %get3A_1143] {strides = array<i32>} : memref<256x128xf32, #tpu.memory_space<vmem>>, vector<1x16xf32>,
        %get3A_1145 = vector.shape_cast %get3A_1144 : vector<1x16xf32> to vector<16xf32>
        %mul3A_1146 = vector.broadcast %squeeze3A_1123 : f32 to vector<16xf32>
        %mul3A_1147 = arith.mulf %mul3A_1146, %get3A_1145 : vector<16xf32>
        %add3A_1148 = arith.addf %add3A_1086, %mul3A_1147 : vector<16xf32>
        %get3A_1149 = arith.index_cast %add3A_1127 : i32 to index
        %get3A_1150 = arith.constant 48 : index
        %get3A_1151 = tpu.vector_load %arg5[%get3A_1149, %get3A_1150] {strides = array<i32>} : memref<256x128xf32, #tpu.memory_space<vmem>>, vector<1x16xf32>,
        %get3A_1152 = vector.shape_cast %get3A_1151 : vector<1x16xf32> to vector<16xf32>
        %mul3A_1153 = vector.broadcast %squeeze3A_1123 : f32 to vector<16xf32>
        %mul3A_1154 = arith.mulf %mul3A_1153, %get3A_1152 : vector<16xf32>
        %add3A_1155 = arith.addf %add3A_1093, %mul3A_1154 : vector<16xf32>
        %get3A_1156 = arith.index_cast %add3A_1127 : i32 to index
        %get3A_1157 = arith.constant 64 : index
        %get3A_1158 = tpu.vector_load %arg5[%get3A_1156, %get3A_1157] {strides = array<i32>} : memref<256x128xf32, #tpu.memory_space<vmem>>, vector<1x16xf32>,
        %get3A_1159 = vector.shape_cast %get3A_1158 : vector<1x16xf32> to vector<16xf32>
        %mul3A_1160 = vector.broadcast %squeeze3A_1123 : f32 to vector<16xf32>
        %mul3A_1161 = arith.mulf %mul3A_1160, %get3A_1159 : vector<16xf32>
        %add3A_1162 = arith.addf %add3A_1100, %mul3A_1161 : vector<16xf32>
        %get3A_1163 = arith.index_cast %add3A_1127 : i32 to index
        %get3A_1164 = arith.constant 80 : index
        %get3A_1165 = tpu.vector_load %arg5[%get3A_1163, %get3A_1164] {strides = array<i32>} : memref<256x128xf32, #tpu.memory_space<vmem>>, vector<1x16xf32>,
        %get3A_1166 = vector.shape_cast %get3A_1165 : vector<1x16xf32> to vector<16xf32>
        %mul3A_1167 = vector.broadcast %squeeze3A_1123 : f32 to vector<16xf32>
        %mul3A_1168 = arith.mulf %mul3A_1167, %get3A_1166 : vector<16xf32>
        %add3A_1169 = arith.addf %add3A_1107, %mul3A_1168 : vector<16xf32>
        %get3A_1170 = arith.index_cast %add3A_1127 : i32 to index
        %get3A_1171 = arith.constant 96 : index
        %get3A_1172 = tpu.vector_load %arg5[%get3A_1170, %get3A_1171] {strides = array<i32>} : memref<256x128xf32, #tpu.memory_space<vmem>>, vector<1x16xf32>,
        %get3A_1173 = vector.shape_cast %get3A_1172 : vector<1x16xf32> to vector<16xf32>
        %mul3A_1174 = vector.broadcast %squeeze3A_1123 : f32 to vector<16xf32>
        %mul3A_1175 = arith.mulf %mul3A_1174, %get3A_1173 : vector<16xf32>
        %add3A_1176 = arith.addf %add3A_1114, %mul3A_1175 : vector<16xf32>
        %get3A_1177 = arith.index_cast %add3A_1127 : i32 to index
        %get3A_1178 = arith.constant 112 : index
        %get3A_1179 = tpu.vector_load %arg5[%get3A_1177, %get3A_1178] {strides = array<i32>} : memref<256x128xf32, #tpu.memory_space<vmem>>, vector<1x16xf32>,
        %get3A_1180 = vector.shape_cast %get3A_1179 : vector<1x16xf32> to vector<16xf32>
        %mul3A_1181 = vector.broadcast %squeeze3A_1123 : f32 to vector<16xf32>
        %mul3A_1182 = arith.mulf %mul3A_1181, %get3A_1180 : vector<16xf32>
        %add3A_1183 = arith.addf %add3A_1121, %mul3A_1182 : vector<16xf32>
        scf.yield %add3A_1134, %add3A_1141, %add3A_1148, %add3A_1155, %add3A_1162, %add3A_1169, %add3A_1176, %add3A_1183 : vector<16xf32>, vector<16xf32>, vector<16xf32>, vector<16xf32>, vector<16xf32>, vector<16xf32>, vector<16xf32>, vector<16xf32>
      }
      %scan3A_57 = arith.constant 16 : i32
      %swap3A = arith.index_cast %add3A_29 : i32 to index
      %swap3A_58 = arith.constant 0 : index
      %swap3A_59 = tpu.vector_load %arg8[%swap3A, %swap3A_58] {strides = array<i32>} : memref<16x128xf32, #tpu.memory_space<vmem>>, vector<1x16xf32>,
      %swap3A_60 = vector.shape_cast %swap3A_59 : vector<1x16xf32> to vector<16xf32>
      %swap3A_61 = vector.shape_cast %scan3A_56#0 : vector<16xf32> to vector<1x16xf32>
      tpu.vector_store %arg8[%swap3A, %swap3A_58], %swap3A_61 {strides = array<i32>} : memref<16x128xf32, #tpu.memory_space<vmem>>, vector<1x16xf32>,
      %swap3A_62 = arith.index_cast %add3A_29 : i32 to index
      %swap3A_63 = arith.constant 16 : index
      %swap3A_64 = tpu.vector_load %arg8[%swap3A_62, %swap3A_63] {strides = array<i32>} : memref<16x128xf32, #tpu.memory_space<vmem>>, vector<1x16xf32>,
      %swap3A_65 = vector.shape_cast %swap3A_64 : vector<1x16xf32> to vector<16xf32>
      %swap3A_66 = vector.shape_cast %scan3A_56#1 : vector<16xf32> to vector<1x16xf32>
      tpu.vector_store %arg8[%swap3A_62, %swap3A_63], %swap3A_66 {strides = array<i32>} : memref<16x128xf32, #tpu.memory_space<vmem>>, vector<1x16xf32>,
      %swap3A_67 = arith.index_cast %add3A_29 : i32 to index
      %swap3A_68 = arith.constant 32 : index
      %swap3A_69 = tpu.vector_load %arg8[%swap3A_67, %swap3A_68] {strides = array<i32>} : memref<16x128xf32, #tpu.memory_space<vmem>>, vector<1x16xf32>,
      %swap3A_70 = vector.shape_cast %swap3A_69 : vector<1x16xf32> to vector<16xf32>
      %swap3A_71 = vector.shape_cast %scan3A_56#2 : vector<16xf32> to vector<1x16xf32>
      tpu.vector_store %arg8[%swap3A_67, %swap3A_68], %swap3A_71 {strides = array<i32>} : memref<16x128xf32, #tpu.memory_space<vmem>>, vector<1x16xf32>,
      %swap3A_72 = arith.index_cast %add3A_29 : i32 to index
      %swap3A_73 = arith.constant 48 : index
      %swap3A_74 = tpu.vector_load %arg8[%swap3A_72, %swap3A_73] {strides = array<i32>} : memref<16x128xf32, #tpu.memory_space<vmem>>, vector<1x16xf32>,
      %swap3A_75 = vector.shape_cast %swap3A_74 : vector<1x16xf32> to vector<16xf32>
      %swap3A_76 = vector.shape_cast %scan3A_56#3 : vector<16xf32> to vector<1x16xf32>
      tpu.vector_store %arg8[%swap3A_72, %swap3A_73], %swap3A_76 {strides = array<i32>} : memref<16x128xf32, #tpu.memory_space<vmem>>, vector<1x16xf32>,
      %swap3A_77 = arith.index_cast %add3A_29 : i32 to index
      %swap3A_78 = arith.constant 64 : index
      %swap3A_79 = tpu.vector_load %arg8[%swap3A_77, %swap3A_78] {strides = array<i32>} : memref<16x128xf32, #tpu.memory_space<vmem>>, vector<1x16xf32>,
      %swap3A_80 = vector.shape_cast %swap3A_79 : vector<1x16xf32> to vector<16xf32>
      %swap3A_81 = vector.shape_cast %scan3A_56#4 : vector<16xf32> to vector<1x16xf32>
      tpu.vector_store %arg8[%swap3A_77, %swap3A_78], %swap3A_81 {strides = array<i32>} : memref<16x128xf32, #tpu.memory_space<vmem>>, vector<1x16xf32>,
      %swap3A_82 = arith.index_cast %add3A_29 : i32 to index
      %swap3A_83 = arith.constant 80 : index
      %swap3A_84 = tpu.vector_load %arg8[%swap3A_82, %swap3A_83] {strides = array<i32>} : memref<16x128xf32, #tpu.memory_space<vmem>>, vector<1x16xf32>,
      %swap3A_85 = vector.shape_cast %swap3A_84 : vector<1x16xf32> to vector<16xf32>
      %swap3A_86 = vector.shape_cast %scan3A_56#5 : vector<16xf32> to vector<1x16xf32>
      tpu.vector_store %arg8[%swap3A_82, %swap3A_83], %swap3A_86 {strides = array<i32>} : memref<16x128xf32, #tpu.memory_space<vmem>>, vector<1x16xf32>,
      %swap3A_87 = arith.index_cast %add3A_29 : i32 to index
      %swap3A_88 = arith.constant 96 : index
      %swap3A_89 = tpu.vector_load %arg8[%swap3A_87, %swap3A_88] {strides = array<i32>} : memref<16x128xf32, #tpu.memory_space<vmem>>, vector<1x16xf32>,
      %swap3A_90 = vector.shape_cast %swap3A_89 : vector<1x16xf32> to vector<16xf32>
      %swap3A_91 = vector.shape_cast %scan3A_56#6 : vector<16xf32> to vector<1x16xf32>
      tpu.vector_store %arg8[%swap3A_87, %swap3A_88], %swap3A_91 {strides = array<i32>} : memref<16x128xf32, #tpu.memory_space<vmem>>, vector<1x16xf32>,
      %swap3A_92 = arith.index_cast %add3A_29 : i32 to index
      %swap3A_93 = arith.constant 112 : index
      %swap3A_94 = tpu.vector_load %arg8[%swap3A_92, %swap3A_93] {strides = array<i32>} : memref<16x128xf32, #tpu.memory_space<vmem>>, vector<1x16xf32>,
      %swap3A_95 = vector.shape_cast %swap3A_94 : vector<1x16xf32> to vector<16xf32>
      %swap3A_96 = vector.shape_cast %scan3A_56#7 : vector<16xf32> to vector<1x16xf32>
      tpu.vector_store %arg8[%swap3A_92, %swap3A_93], %swap3A_96 {strides = array<i32>} : memref<16x128xf32, #tpu.memory_space<vmem>>, vector<1x16xf32>,
      %add3A_97 = arith.constant 2 : i32
      %add3A_98 = arith.addi %add3A_29, %add3A_97 : i32
      %lt3A = arith.constant 16 : i32
      %lt3A_99 = arith.cmpi slt, %add3A_98, %lt3A : i32
      %convert_element_type3A = arith.extui %lt3A_99 : i1 to i32
      %cond3A = arith.constant 0 : i32
      %cond3A_100 = arith.cmpi ne, %convert_element_type3A, %cond3A : i32
      scf.if %cond3A_100 {
        %add3A_180 = arith.addi %mul3A_2, %add3A_29 : i32
        %add3A_181 = arith.constant 2 : i32
        %add3A_182 = arith.addi %add3A_180, %add3A_181 : i32
        %dma_start3A_183 = arith.constant 0 : i32
        %dma_start3A_184 = arith.constant 0 : i32
        %dma_start3A_185 = tpu.memref_slice %arg2[%add3A_182, %dma_start3A_183, %dma_start3A_184] : memref<2048x256x128xf32, #tpu.memory_space<hbm>> -> memref<1x256x128xf32, #tpu.memory_space<hbm>>
        %dma_start3A_186 = tpu.memref_squeeze %dma_start3A_185 : memref<1x256x128xf32, #tpu.memory_space<hbm>> -> memref<256x128xf32, #tpu.memory_space<hbm>>
        %dma_start3A_187 = arith.constant 0 : i32
        %dma_start3A_188 = arith.constant 0 : i32
        %dma_start3A_189 = tpu.memref_slice %arg2[%add3A_182, %dma_start3A_187, %dma_start3A_188] : memref<2048x256x128xf32, #tpu.memory_space<hbm>> -> memref<1x256x128xf32, #tpu.memory_space<hbm>>
        %dma_start3A_190 = tpu.memref_squeeze %dma_start3A_189 : memref<1x256x128xf32, #tpu.memory_space<hbm>> -> memref<256x128xf32, #tpu.memory_space<hbm>>
        tpu.enqueue_dma source(%dma_start3A_190 : memref<256x128xf32, #tpu.memory_space<hbm>>) target(%arg5 : memref<256x128xf32, #tpu.memory_space<vmem>>) target_semaphore(%arg9 : memref<!tpu.dma_semaphore, #tpu.memory_space<semaphore_mem>>)
      } else {
      }
      %add3A_101 = arith.constant 1 : i32
      %add3A_102 = arith.addi %mul3A_27, %add3A_101 : i32
      %dma_wait3A_103 = arith.constant 0 : i32
      %dma_wait3A_104 = arith.constant 0 : i32
      %dma_wait3A_105 = tpu.memref_slice %arg2[%mul3A_2, %dma_wait3A_103, %dma_wait3A_104] : memref<2048x256x128xf32, #tpu.memory_space<hbm>> -> memref<1x256x128xf32, #tpu.memory_space<hbm>>
      %dma_wait3A_106 = tpu.memref_squeeze %dma_wait3A_105 : memref<1x256x128xf32, #tpu.memory_space<hbm>> -> memref<256x128xf32, #tpu.memory_space<hbm>>
      %dma_wait3A_107 = arith.constant 0 : i32
      %dma_wait3A_108 = arith.constant 0 : i32
      %dma_wait3A_109 = tpu.memref_slice %arg2[%mul3A_2, %dma_wait3A_107, %dma_wait3A_108] : memref<2048x256x128xf32, #tpu.memory_space<hbm>> -> memref<1x256x128xf32, #tpu.memory_space<hbm>>
      %dma_wait3A_110 = tpu.memref_squeeze %dma_wait3A_109 : memref<1x256x128xf32, #tpu.memory_space<hbm>> -> memref<256x128xf32, #tpu.memory_space<hbm>>
      tpu.wait_dma2 semaphore(%arg10 : memref<!tpu.dma_semaphore, #tpu.memory_space<semaphore_mem>>) src(%dma_wait3A_110 : memref<256x128xf32, #tpu.memory_space<hbm>>) dst(%arg6 : memref<256x128xf32, #tpu.memory_space<vmem>>)
      %broadcast_in_dim3A_111 = arith.constant 0.000000e+00 : f32
      %broadcast_in_dim3A_112 = vector.broadcast %broadcast_in_dim3A_111 : f32 to vector<16xf32>
      %broadcast_in_dim3A_113 = arith.constant 0.000000e+00 : f32
      %broadcast_in_dim3A_114 = vector.broadcast %broadcast_in_dim3A_113 : f32 to vector<16xf32>
      %broadcast_in_dim3A_115 = arith.constant 0.000000e+00 : f32
      %broadcast_in_dim3A_116 = vector.broadcast %broadcast_in_dim3A_115 : f32 to vector<16xf32>
      %broadcast_in_dim3A_117 = arith.constant 0.000000e+00 : f32
      %broadcast_in_dim3A_118 = vector.broadcast %broadcast_in_dim3A_117 : f32 to vector<16xf32>
      %broadcast_in_dim3A_119 = arith.constant 0.000000e+00 : f32
      %broadcast_in_dim3A_120 = vector.broadcast %broadcast_in_dim3A_119 : f32 to vector<16xf32>
      %broadcast_in_dim3A_121 = arith.constant 0.000000e+00 : f32
      %broadcast_in_dim3A_122 = vector.broadcast %broadcast_in_dim3A_121 : f32 to vector<16xf32>
      %broadcast_in_dim3A_123 = arith.constant 0.000000e+00 : f32
      %broadcast_in_dim3A_124 = vector.broadcast %broadcast_in_dim3A_123 : f32 to vector<16xf32>
      %broadcast_in_dim3A_125 = arith.constant 0.000000e+00 : f32
      %broadcast_in_dim3A_126 = vector.broadcast %broadcast_in_dim3A_125 : f32 to vector<16xf32>
      %scan3A_127 = arith.constant 0 : i32
      %scan3A_128 = arith.constant 16 : i32
      %scan3A_129 = arith.addi %scan3A_127, %scan3A_128 : i32
      %scan3A_130 = arith.constant 1 : i32
      %scan3A_131:8 = scf.for %scan3A_180 = %scan3A_127 to %scan3A_129 step %scan3A_130 iter_args(%scan3A_181 = %broadcast_in_dim3A_112, %scan3A_182 = %broadcast_in_dim3A_114, %scan3A_183 = %broadcast_in_dim3A_116, %scan3A_184 = %broadcast_in_dim3A_118, %scan3A_185 = %broadcast_in_dim3A_120, %scan3A_186 = %broadcast_in_dim3A_122, %scan3A_187 = %broadcast_in_dim3A_124, %scan3A_188 = %broadcast_in_dim3A_126) -> (vector<16xf32>, vector<16xf32>, vector<16xf32>, vector<16xf32>, vector<16xf32>, vector<16xf32>, vector<16xf32>, vector<16xf32>)  : i32 {
        %mul3A_189 = arith.constant 16 : i32
        %mul3A_190 = arith.muli %scan3A_180, %mul3A_189 : i32
        %get3A = arith.index_cast %add3A_102 : i32 to index
        %get3A_191 = arith.index_cast %mul3A_190 : i32 to index
        %get3A_192 = tpu.vector_load %arg7[%get3A, %get3A_191] {strides = array<i32>} : memref<16x256xf32, #tpu.memory_space<vmem>>, vector<1x16xf32>,
        %get3A_193 = vector.shape_cast %get3A_192 : vector<1x16xf32> to vector<16xf32>
        %slice3A = vector.extract_strided_slice %get3A_193 {offsets = [0], sizes = [1], strides = [1]} : vector<16xf32> to vector<1xf32>
        %squeeze3A = vector.extract %slice3A[0] : f32 from vector<1xf32>
        %mul3A_194 = arith.constant 16 : i32
        %mul3A_195 = arith.muli %scan3A_180, %mul3A_194 : i32
        %add3A_196 = arith.constant 0 : i32
        %add3A_197 = arith.addi %mul3A_195, %add3A_196 : i32
        %get3A_198 = arith.index_cast %add3A_197 : i32 to index
        %get3A_199 = arith.constant 0 : index
        %get3A_200 = tpu.vector_load %arg6[%get3A_198, %get3A_199] {strides = array<i32>} : memref<256x128xf32, #tpu.memory_space<vmem>>, vector<1x16xf32>,
        %get3A_201 = vector.shape_cast %get3A_200 : vector<1x16xf32> to vector<16xf32>
        %mul3A_202 = vector.broadcast %squeeze3A : f32 to vector<16xf32>
        %mul3A_203 = arith.mulf %mul3A_202, %get3A_201 : vector<16xf32>
        %add3A_204 = arith.addf %scan3A_181, %mul3A_203 : vector<16xf32>
        %get3A_205 = arith.index_cast %add3A_197 : i32 to index
        %get3A_206 = arith.constant 16 : index
        %get3A_207 = tpu.vector_load %arg6[%get3A_205, %get3A_206] {strides = array<i32>} : memref<256x128xf32, #tpu.memory_space<vmem>>, vector<1x16xf32>,
        %get3A_208 = vector.shape_cast %get3A_207 : vector<1x16xf32> to vector<16xf32>
        %mul3A_209 = vector.broadcast %squeeze3A : f32 to vector<16xf32>
        %mul3A_210 = arith.mulf %mul3A_209, %get3A_208 : vector<16xf32>
        %add3A_211 = arith.addf %scan3A_182, %mul3A_210 : vector<16xf32>
        %get3A_212 = arith.index_cast %add3A_197 : i32 to index
        %get3A_213 = arith.constant 32 : index
        %get3A_214 = tpu.vector_load %arg6[%get3A_212, %get3A_213] {strides = array<i32>} : memref<256x128xf32, #tpu.memory_space<vmem>>, vector<1x16xf32>,
        %get3A_215 = vector.shape_cast %get3A_214 : vector<1x16xf32> to vector<16xf32>
        %mul3A_216 = vector.broadcast %squeeze3A : f32 to vector<16xf32>
        %mul3A_217 = arith.mulf %mul3A_216, %get3A_215 : vector<16xf32>
        %add3A_218 = arith.addf %scan3A_183, %mul3A_217 : vector<16xf32>
        %get3A_219 = arith.index_cast %add3A_197 : i32 to index
        %get3A_220 = arith.constant 48 : index
        %get3A_221 = tpu.vector_load %arg6[%get3A_219, %get3A_220] {strides = array<i32>} : memref<256x128xf32, #tpu.memory_space<vmem>>, vector<1x16xf32>,
        %get3A_222 = vector.shape_cast %get3A_221 : vector<1x16xf32> to vector<16xf32>
        %mul3A_223 = vector.broadcast %squeeze3A : f32 to vector<16xf32>
        %mul3A_224 = arith.mulf %mul3A_223, %get3A_222 : vector<16xf32>
        %add3A_225 = arith.addf %scan3A_184, %mul3A_224 : vector<16xf32>
        %get3A_226 = arith.index_cast %add3A_197 : i32 to index
        %get3A_227 = arith.constant 64 : index
        %get3A_228 = tpu.vector_load %arg6[%get3A_226, %get3A_227] {strides = array<i32>} : memref<256x128xf32, #tpu.memory_space<vmem>>, vector<1x16xf32>,
        %get3A_229 = vector.shape_cast %get3A_228 : vector<1x16xf32> to vector<16xf32>
        %mul3A_230 = vector.broadcast %squeeze3A : f32 to vector<16xf32>
        %mul3A_231 = arith.mulf %mul3A_230, %get3A_229 : vector<16xf32>
        %add3A_232 = arith.addf %scan3A_185, %mul3A_231 : vector<16xf32>
        %get3A_233 = arith.index_cast %add3A_197 : i32 to index
        %get3A_234 = arith.constant 80 : index
        %get3A_235 = tpu.vector_load %arg6[%get3A_233, %get3A_234] {strides = array<i32>} : memref<256x128xf32, #tpu.memory_space<vmem>>, vector<1x16xf32>,
        %get3A_236 = vector.shape_cast %get3A_235 : vector<1x16xf32> to vector<16xf32>
        %mul3A_237 = vector.broadcast %squeeze3A : f32 to vector<16xf32>
        %mul3A_238 = arith.mulf %mul3A_237, %get3A_236 : vector<16xf32>
        %add3A_239 = arith.addf %scan3A_186, %mul3A_238 : vector<16xf32>
        %get3A_240 = arith.index_cast %add3A_197 : i32 to index
        %get3A_241 = arith.constant 96 : index
        %get3A_242 = tpu.vector_load %arg6[%get3A_240, %get3A_241] {strides = array<i32>} : memref<256x128xf32, #tpu.memory_space<vmem>>, vector<1x16xf32>,
        %get3A_243 = vector.shape_cast %get3A_242 : vector<1x16xf32> to vector<16xf32>
        %mul3A_244 = vector.broadcast %squeeze3A : f32 to vector<16xf32>
        %mul3A_245 = arith.mulf %mul3A_244, %get3A_243 : vector<16xf32>
        %add3A_246 = arith.addf %scan3A_187, %mul3A_245 : vector<16xf32>
        %get3A_247 = arith.index_cast %add3A_197 : i32 to index
        %get3A_248 = arith.constant 112 : index
        %get3A_249 = tpu.vector_load %arg6[%get3A_247, %get3A_248] {strides = array<i32>} : memref<256x128xf32, #tpu.memory_space<vmem>>, vector<1x16xf32>,
        %get3A_250 = vector.shape_cast %get3A_249 : vector<1x16xf32> to vector<16xf32>
        %mul3A_251 = vector.broadcast %squeeze3A : f32 to vector<16xf32>
        %mul3A_252 = arith.mulf %mul3A_251, %get3A_250 : vector<16xf32>
        %add3A_253 = arith.addf %scan3A_188, %mul3A_252 : vector<16xf32>
        %slice3A_254 = vector.extract_strided_slice %get3A_193 {offsets = [1], sizes = [1], strides = [1]} : vector<16xf32> to vector<1xf32>
        %squeeze3A_255 = vector.extract %slice3A_254[0] : f32 from vector<1xf32>
        %mul3A_256 = arith.constant 16 : i32
        %mul3A_257 = arith.muli %scan3A_180, %mul3A_256 : i32
        %add3A_258 = arith.constant 1 : i32
        %add3A_259 = arith.addi %mul3A_257, %add3A_258 : i32
        %get3A_260 = arith.index_cast %add3A_259 : i32 to index
        %get3A_261 = arith.constant 0 : index
        %get3A_262 = tpu.vector_load %arg6[%get3A_260, %get3A_261] {strides = array<i32>} : memref<256x128xf32, #tpu.memory_space<vmem>>, vector<1x16xf32>,
        %get3A_263 = vector.shape_cast %get3A_262 : vector<1x16xf32> to vector<16xf32>
        %mul3A_264 = vector.broadcast %squeeze3A_255 : f32 to vector<16xf32>
        %mul3A_265 = arith.mulf %mul3A_264, %get3A_263 : vector<16xf32>
        %add3A_266 = arith.addf %add3A_204, %mul3A_265 : vector<16xf32>
        %get3A_267 = arith.index_cast %add3A_259 : i32 to index
        %get3A_268 = arith.constant 16 : index
        %get3A_269 = tpu.vector_load %arg6[%get3A_267, %get3A_268] {strides = array<i32>} : memref<256x128xf32, #tpu.memory_space<vmem>>, vector<1x16xf32>,
        %get3A_270 = vector.shape_cast %get3A_269 : vector<1x16xf32> to vector<16xf32>
        %mul3A_271 = vector.broadcast %squeeze3A_255 : f32 to vector<16xf32>
        %mul3A_272 = arith.mulf %mul3A_271, %get3A_270 : vector<16xf32>
        %add3A_273 = arith.addf %add3A_211, %mul3A_272 : vector<16xf32>
        %get3A_274 = arith.index_cast %add3A_259 : i32 to index
        %get3A_275 = arith.constant 32 : index
        %get3A_276 = tpu.vector_load %arg6[%get3A_274, %get3A_275] {strides = array<i32>} : memref<256x128xf32, #tpu.memory_space<vmem>>, vector<1x16xf32>,
        %get3A_277 = vector.shape_cast %get3A_276 : vector<1x16xf32> to vector<16xf32>
        %mul3A_278 = vector.broadcast %squeeze3A_255 : f32 to vector<16xf32>
        %mul3A_279 = arith.mulf %mul3A_278, %get3A_277 : vector<16xf32>
        %add3A_280 = arith.addf %add3A_218, %mul3A_279 : vector<16xf32>
        %get3A_281 = arith.index_cast %add3A_259 : i32 to index
        %get3A_282 = arith.constant 48 : index
        %get3A_283 = tpu.vector_load %arg6[%get3A_281, %get3A_282] {strides = array<i32>} : memref<256x128xf32, #tpu.memory_space<vmem>>, vector<1x16xf32>,
        %get3A_284 = vector.shape_cast %get3A_283 : vector<1x16xf32> to vector<16xf32>
        %mul3A_285 = vector.broadcast %squeeze3A_255 : f32 to vector<16xf32>
        %mul3A_286 = arith.mulf %mul3A_285, %get3A_284 : vector<16xf32>
        %add3A_287 = arith.addf %add3A_225, %mul3A_286 : vector<16xf32>
        %get3A_288 = arith.index_cast %add3A_259 : i32 to index
        %get3A_289 = arith.constant 64 : index
        %get3A_290 = tpu.vector_load %arg6[%get3A_288, %get3A_289] {strides = array<i32>} : memref<256x128xf32, #tpu.memory_space<vmem>>, vector<1x16xf32>,
        %get3A_291 = vector.shape_cast %get3A_290 : vector<1x16xf32> to vector<16xf32>
        %mul3A_292 = vector.broadcast %squeeze3A_255 : f32 to vector<16xf32>
        %mul3A_293 = arith.mulf %mul3A_292, %get3A_291 : vector<16xf32>
        %add3A_294 = arith.addf %add3A_232, %mul3A_293 : vector<16xf32>
        %get3A_295 = arith.index_cast %add3A_259 : i32 to index
        %get3A_296 = arith.constant 80 : index
        %get3A_297 = tpu.vector_load %arg6[%get3A_295, %get3A_296] {strides = array<i32>} : memref<256x128xf32, #tpu.memory_space<vmem>>, vector<1x16xf32>,
        %get3A_298 = vector.shape_cast %get3A_297 : vector<1x16xf32> to vector<16xf32>
        %mul3A_299 = vector.broadcast %squeeze3A_255 : f32 to vector<16xf32>
        %mul3A_300 = arith.mulf %mul3A_299, %get3A_298 : vector<16xf32>
        %add3A_301 = arith.addf %add3A_239, %mul3A_300 : vector<16xf32>
        %get3A_302 = arith.index_cast %add3A_259 : i32 to index
        %get3A_303 = arith.constant 96 : index
        %get3A_304 = tpu.vector_load %arg6[%get3A_302, %get3A_303] {strides = array<i32>} : memref<256x128xf32, #tpu.memory_space<vmem>>, vector<1x16xf32>,
        %get3A_305 = vector.shape_cast %get3A_304 : vector<1x16xf32> to vector<16xf32>
        %mul3A_306 = vector.broadcast %squeeze3A_255 : f32 to vector<16xf32>
        %mul3A_307 = arith.mulf %mul3A_306, %get3A_305 : vector<16xf32>
        %add3A_308 = arith.addf %add3A_246, %mul3A_307 : vector<16xf32>
        %get3A_309 = arith.index_cast %add3A_259 : i32 to index
        %get3A_310 = arith.constant 112 : index
        %get3A_311 = tpu.vector_load %arg6[%get3A_309, %get3A_310] {strides = array<i32>} : memref<256x128xf32, #tpu.memory_space<vmem>>, vector<1x16xf32>,
        %get3A_312 = vector.shape_cast %get3A_311 : vector<1x16xf32> to vector<16xf32>
        %mul3A_313 = vector.broadcast %squeeze3A_255 : f32 to vector<16xf32>
        %mul3A_314 = arith.mulf %mul3A_313, %get3A_312 : vector<16xf32>
        %add3A_315 = arith.addf %add3A_253, %mul3A_314 : vector<16xf32>
        %slice3A_316 = vector.extract_strided_slice %get3A_193 {offsets = [2], sizes = [1], strides = [1]} : vector<16xf32> to vector<1xf32>
        %squeeze3A_317 = vector.extract %slice3A_316[0] : f32 from vector<1xf32>
        %mul3A_318 = arith.constant 16 : i32
        %mul3A_319 = arith.muli %scan3A_180, %mul3A_318 : i32
        %add3A_320 = arith.constant 2 : i32
        %add3A_321 = arith.addi %mul3A_319, %add3A_320 : i32
        %get3A_322 = arith.index_cast %add3A_321 : i32 to index
        %get3A_323 = arith.constant 0 : index
        %get3A_324 = tpu.vector_load %arg6[%get3A_322, %get3A_323] {strides = array<i32>} : memref<256x128xf32, #tpu.memory_space<vmem>>, vector<1x16xf32>,
        %get3A_325 = vector.shape_cast %get3A_324 : vector<1x16xf32> to vector<16xf32>
        %mul3A_326 = vector.broadcast %squeeze3A_317 : f32 to vector<16xf32>
        %mul3A_327 = arith.mulf %mul3A_326, %get3A_325 : vector<16xf32>
        %add3A_328 = arith.addf %add3A_266, %mul3A_327 : vector<16xf32>
        %get3A_329 = arith.index_cast %add3A_321 : i32 to index
        %get3A_330 = arith.constant 16 : index
        %get3A_331 = tpu.vector_load %arg6[%get3A_329, %get3A_330] {strides = array<i32>} : memref<256x128xf32, #tpu.memory_space<vmem>>, vector<1x16xf32>,
        %get3A_332 = vector.shape_cast %get3A_331 : vector<1x16xf32> to vector<16xf32>
        %mul3A_333 = vector.broadcast %squeeze3A_317 : f32 to vector<16xf32>
        %mul3A_334 = arith.mulf %mul3A_333, %get3A_332 : vector<16xf32>
        %add3A_335 = arith.addf %add3A_273, %mul3A_334 : vector<16xf32>
        %get3A_336 = arith.index_cast %add3A_321 : i32 to index
        %get3A_337 = arith.constant 32 : index
        %get3A_338 = tpu.vector_load %arg6[%get3A_336, %get3A_337] {strides = array<i32>} : memref<256x128xf32, #tpu.memory_space<vmem>>, vector<1x16xf32>,
        %get3A_339 = vector.shape_cast %get3A_338 : vector<1x16xf32> to vector<16xf32>
        %mul3A_340 = vector.broadcast %squeeze3A_317 : f32 to vector<16xf32>
        %mul3A_341 = arith.mulf %mul3A_340, %get3A_339 : vector<16xf32>
        %add3A_342 = arith.addf %add3A_280, %mul3A_341 : vector<16xf32>
        %get3A_343 = arith.index_cast %add3A_321 : i32 to index
        %get3A_344 = arith.constant 48 : index
        %get3A_345 = tpu.vector_load %arg6[%get3A_343, %get3A_344] {strides = array<i32>} : memref<256x128xf32, #tpu.memory_space<vmem>>, vector<1x16xf32>,
        %get3A_346 = vector.shape_cast %get3A_345 : vector<1x16xf32> to vector<16xf32>
        %mul3A_347 = vector.broadcast %squeeze3A_317 : f32 to vector<16xf32>
        %mul3A_348 = arith.mulf %mul3A_347, %get3A_346 : vector<16xf32>
        %add3A_349 = arith.addf %add3A_287, %mul3A_348 : vector<16xf32>
        %get3A_350 = arith.index_cast %add3A_321 : i32 to index
        %get3A_351 = arith.constant 64 : index
        %get3A_352 = tpu.vector_load %arg6[%get3A_350, %get3A_351] {strides = array<i32>} : memref<256x128xf32, #tpu.memory_space<vmem>>, vector<1x16xf32>,
        %get3A_353 = vector.shape_cast %get3A_352 : vector<1x16xf32> to vector<16xf32>
        %mul3A_354 = vector.broadcast %squeeze3A_317 : f32 to vector<16xf32>
        %mul3A_355 = arith.mulf %mul3A_354, %get3A_353 : vector<16xf32>
        %add3A_356 = arith.addf %add3A_294, %mul3A_355 : vector<16xf32>
        %get3A_357 = arith.index_cast %add3A_321 : i32 to index
        %get3A_358 = arith.constant 80 : index
        %get3A_359 = tpu.vector_load %arg6[%get3A_357, %get3A_358] {strides = array<i32>} : memref<256x128xf32, #tpu.memory_space<vmem>>, vector<1x16xf32>,
        %get3A_360 = vector.shape_cast %get3A_359 : vector<1x16xf32> to vector<16xf32>
        %mul3A_361 = vector.broadcast %squeeze3A_317 : f32 to vector<16xf32>
        %mul3A_362 = arith.mulf %mul3A_361, %get3A_360 : vector<16xf32>
        %add3A_363 = arith.addf %add3A_301, %mul3A_362 : vector<16xf32>
        %get3A_364 = arith.index_cast %add3A_321 : i32 to index
        %get3A_365 = arith.constant 96 : index
        %get3A_366 = tpu.vector_load %arg6[%get3A_364, %get3A_365] {strides = array<i32>} : memref<256x128xf32, #tpu.memory_space<vmem>>, vector<1x16xf32>,
        %get3A_367 = vector.shape_cast %get3A_366 : vector<1x16xf32> to vector<16xf32>
        %mul3A_368 = vector.broadcast %squeeze3A_317 : f32 to vector<16xf32>
        %mul3A_369 = arith.mulf %mul3A_368, %get3A_367 : vector<16xf32>
        %add3A_370 = arith.addf %add3A_308, %mul3A_369 : vector<16xf32>
        %get3A_371 = arith.index_cast %add3A_321 : i32 to index
        %get3A_372 = arith.constant 112 : index
        %get3A_373 = tpu.vector_load %arg6[%get3A_371, %get3A_372] {strides = array<i32>} : memref<256x128xf32, #tpu.memory_space<vmem>>, vector<1x16xf32>,
        %get3A_374 = vector.shape_cast %get3A_373 : vector<1x16xf32> to vector<16xf32>
        %mul3A_375 = vector.broadcast %squeeze3A_317 : f32 to vector<16xf32>
        %mul3A_376 = arith.mulf %mul3A_375, %get3A_374 : vector<16xf32>
        %add3A_377 = arith.addf %add3A_315, %mul3A_376 : vector<16xf32>
        %slice3A_378 = vector.extract_strided_slice %get3A_193 {offsets = [3], sizes = [1], strides = [1]} : vector<16xf32> to vector<1xf32>
        %squeeze3A_379 = vector.extract %slice3A_378[0] : f32 from vector<1xf32>
        %mul3A_380 = arith.constant 16 : i32
        %mul3A_381 = arith.muli %scan3A_180, %mul3A_380 : i32
        %add3A_382 = arith.constant 3 : i32
        %add3A_383 = arith.addi %mul3A_381, %add3A_382 : i32
        %get3A_384 = arith.index_cast %add3A_383 : i32 to index
        %get3A_385 = arith.constant 0 : index
        %get3A_386 = tpu.vector_load %arg6[%get3A_384, %get3A_385] {strides = array<i32>} : memref<256x128xf32, #tpu.memory_space<vmem>>, vector<1x16xf32>,
        %get3A_387 = vector.shape_cast %get3A_386 : vector<1x16xf32> to vector<16xf32>
        %mul3A_388 = vector.broadcast %squeeze3A_379 : f32 to vector<16xf32>
        %mul3A_389 = arith.mulf %mul3A_388, %get3A_387 : vector<16xf32>
        %add3A_390 = arith.addf %add3A_328, %mul3A_389 : vector<16xf32>
        %get3A_391 = arith.index_cast %add3A_383 : i32 to index
        %get3A_392 = arith.constant 16 : index
        %get3A_393 = tpu.vector_load %arg6[%get3A_391, %get3A_392] {strides = array<i32>} : memref<256x128xf32, #tpu.memory_space<vmem>>, vector<1x16xf32>,
        %get3A_394 = vector.shape_cast %get3A_393 : vector<1x16xf32> to vector<16xf32>
        %mul3A_395 = vector.broadcast %squeeze3A_379 : f32 to vector<16xf32>
        %mul3A_396 = arith.mulf %mul3A_395, %get3A_394 : vector<16xf32>
        %add3A_397 = arith.addf %add3A_335, %mul3A_396 : vector<16xf32>
        %get3A_398 = arith.index_cast %add3A_383 : i32 to index
        %get3A_399 = arith.constant 32 : index
        %get3A_400 = tpu.vector_load %arg6[%get3A_398, %get3A_399] {strides = array<i32>} : memref<256x128xf32, #tpu.memory_space<vmem>>, vector<1x16xf32>,
        %get3A_401 = vector.shape_cast %get3A_400 : vector<1x16xf32> to vector<16xf32>
        %mul3A_402 = vector.broadcast %squeeze3A_379 : f32 to vector<16xf32>
        %mul3A_403 = arith.mulf %mul3A_402, %get3A_401 : vector<16xf32>
        %add3A_404 = arith.addf %add3A_342, %mul3A_403 : vector<16xf32>
        %get3A_405 = arith.index_cast %add3A_383 : i32 to index
        %get3A_406 = arith.constant 48 : index
        %get3A_407 = tpu.vector_load %arg6[%get3A_405, %get3A_406] {strides = array<i32>} : memref<256x128xf32, #tpu.memory_space<vmem>>, vector<1x16xf32>,
        %get3A_408 = vector.shape_cast %get3A_407 : vector<1x16xf32> to vector<16xf32>
        %mul3A_409 = vector.broadcast %squeeze3A_379 : f32 to vector<16xf32>
        %mul3A_410 = arith.mulf %mul3A_409, %get3A_408 : vector<16xf32>
        %add3A_411 = arith.addf %add3A_349, %mul3A_410 : vector<16xf32>
        %get3A_412 = arith.index_cast %add3A_383 : i32 to index
        %get3A_413 = arith.constant 64 : index
        %get3A_414 = tpu.vector_load %arg6[%get3A_412, %get3A_413] {strides = array<i32>} : memref<256x128xf32, #tpu.memory_space<vmem>>, vector<1x16xf32>,
        %get3A_415 = vector.shape_cast %get3A_414 : vector<1x16xf32> to vector<16xf32>
        %mul3A_416 = vector.broadcast %squeeze3A_379 : f32 to vector<16xf32>
        %mul3A_417 = arith.mulf %mul3A_416, %get3A_415 : vector<16xf32>
        %add3A_418 = arith.addf %add3A_356, %mul3A_417 : vector<16xf32>
        %get3A_419 = arith.index_cast %add3A_383 : i32 to index
        %get3A_420 = arith.constant 80 : index
        %get3A_421 = tpu.vector_load %arg6[%get3A_419, %get3A_420] {strides = array<i32>} : memref<256x128xf32, #tpu.memory_space<vmem>>, vector<1x16xf32>,
        %get3A_422 = vector.shape_cast %get3A_421 : vector<1x16xf32> to vector<16xf32>
        %mul3A_423 = vector.broadcast %squeeze3A_379 : f32 to vector<16xf32>
        %mul3A_424 = arith.mulf %mul3A_423, %get3A_422 : vector<16xf32>
        %add3A_425 = arith.addf %add3A_363, %mul3A_424 : vector<16xf32>
        %get3A_426 = arith.index_cast %add3A_383 : i32 to index
        %get3A_427 = arith.constant 96 : index
        %get3A_428 = tpu.vector_load %arg6[%get3A_426, %get3A_427] {strides = array<i32>} : memref<256x128xf32, #tpu.memory_space<vmem>>, vector<1x16xf32>,
        %get3A_429 = vector.shape_cast %get3A_428 : vector<1x16xf32> to vector<16xf32>
        %mul3A_430 = vector.broadcast %squeeze3A_379 : f32 to vector<16xf32>
        %mul3A_431 = arith.mulf %mul3A_430, %get3A_429 : vector<16xf32>
        %add3A_432 = arith.addf %add3A_370, %mul3A_431 : vector<16xf32>
        %get3A_433 = arith.index_cast %add3A_383 : i32 to index
        %get3A_434 = arith.constant 112 : index
        %get3A_435 = tpu.vector_load %arg6[%get3A_433, %get3A_434] {strides = array<i32>} : memref<256x128xf32, #tpu.memory_space<vmem>>, vector<1x16xf32>,
        %get3A_436 = vector.shape_cast %get3A_435 : vector<1x16xf32> to vector<16xf32>
        %mul3A_437 = vector.broadcast %squeeze3A_379 : f32 to vector<16xf32>
        %mul3A_438 = arith.mulf %mul3A_437, %get3A_436 : vector<16xf32>
        %add3A_439 = arith.addf %add3A_377, %mul3A_438 : vector<16xf32>
        %slice3A_440 = vector.extract_strided_slice %get3A_193 {offsets = [4], sizes = [1], strides = [1]} : vector<16xf32> to vector<1xf32>
        %squeeze3A_441 = vector.extract %slice3A_440[0] : f32 from vector<1xf32>
        %mul3A_442 = arith.constant 16 : i32
        %mul3A_443 = arith.muli %scan3A_180, %mul3A_442 : i32
        %add3A_444 = arith.constant 4 : i32
        %add3A_445 = arith.addi %mul3A_443, %add3A_444 : i32
        %get3A_446 = arith.index_cast %add3A_445 : i32 to index
        %get3A_447 = arith.constant 0 : index
        %get3A_448 = tpu.vector_load %arg6[%get3A_446, %get3A_447] {strides = array<i32>} : memref<256x128xf32, #tpu.memory_space<vmem>>, vector<1x16xf32>,
        %get3A_449 = vector.shape_cast %get3A_448 : vector<1x16xf32> to vector<16xf32>
        %mul3A_450 = vector.broadcast %squeeze3A_441 : f32 to vector<16xf32>
        %mul3A_451 = arith.mulf %mul3A_450, %get3A_449 : vector<16xf32>
        %add3A_452 = arith.addf %add3A_390, %mul3A_451 : vector<16xf32>
        %get3A_453 = arith.index_cast %add3A_445 : i32 to index
        %get3A_454 = arith.constant 16 : index
        %get3A_455 = tpu.vector_load %arg6[%get3A_453, %get3A_454] {strides = array<i32>} : memref<256x128xf32, #tpu.memory_space<vmem>>, vector<1x16xf32>,
        %get3A_456 = vector.shape_cast %get3A_455 : vector<1x16xf32> to vector<16xf32>
        %mul3A_457 = vector.broadcast %squeeze3A_441 : f32 to vector<16xf32>
        %mul3A_458 = arith.mulf %mul3A_457, %get3A_456 : vector<16xf32>
        %add3A_459 = arith.addf %add3A_397, %mul3A_458 : vector<16xf32>
        %get3A_460 = arith.index_cast %add3A_445 : i32 to index
        %get3A_461 = arith.constant 32 : index
        %get3A_462 = tpu.vector_load %arg6[%get3A_460, %get3A_461] {strides = array<i32>} : memref<256x128xf32, #tpu.memory_space<vmem>>, vector<1x16xf32>,
        %get3A_463 = vector.shape_cast %get3A_462 : vector<1x16xf32> to vector<16xf32>
        %mul3A_464 = vector.broadcast %squeeze3A_441 : f32 to vector<16xf32>
        %mul3A_465 = arith.mulf %mul3A_464, %get3A_463 : vector<16xf32>
        %add3A_466 = arith.addf %add3A_404, %mul3A_465 : vector<16xf32>
        %get3A_467 = arith.index_cast %add3A_445 : i32 to index
        %get3A_468 = arith.constant 48 : index
        %get3A_469 = tpu.vector_load %arg6[%get3A_467, %get3A_468] {strides = array<i32>} : memref<256x128xf32, #tpu.memory_space<vmem>>, vector<1x16xf32>,
        %get3A_470 = vector.shape_cast %get3A_469 : vector<1x16xf32> to vector<16xf32>
        %mul3A_471 = vector.broadcast %squeeze3A_441 : f32 to vector<16xf32>
        %mul3A_472 = arith.mulf %mul3A_471, %get3A_470 : vector<16xf32>
        %add3A_473 = arith.addf %add3A_411, %mul3A_472 : vector<16xf32>
        %get3A_474 = arith.index_cast %add3A_445 : i32 to index
        %get3A_475 = arith.constant 64 : index
        %get3A_476 = tpu.vector_load %arg6[%get3A_474, %get3A_475] {strides = array<i32>} : memref<256x128xf32, #tpu.memory_space<vmem>>, vector<1x16xf32>,
        %get3A_477 = vector.shape_cast %get3A_476 : vector<1x16xf32> to vector<16xf32>
        %mul3A_478 = vector.broadcast %squeeze3A_441 : f32 to vector<16xf32>
        %mul3A_479 = arith.mulf %mul3A_478, %get3A_477 : vector<16xf32>
        %add3A_480 = arith.addf %add3A_418, %mul3A_479 : vector<16xf32>
        %get3A_481 = arith.index_cast %add3A_445 : i32 to index
        %get3A_482 = arith.constant 80 : index
        %get3A_483 = tpu.vector_load %arg6[%get3A_481, %get3A_482] {strides = array<i32>} : memref<256x128xf32, #tpu.memory_space<vmem>>, vector<1x16xf32>,
        %get3A_484 = vector.shape_cast %get3A_483 : vector<1x16xf32> to vector<16xf32>
        %mul3A_485 = vector.broadcast %squeeze3A_441 : f32 to vector<16xf32>
        %mul3A_486 = arith.mulf %mul3A_485, %get3A_484 : vector<16xf32>
        %add3A_487 = arith.addf %add3A_425, %mul3A_486 : vector<16xf32>
        %get3A_488 = arith.index_cast %add3A_445 : i32 to index
        %get3A_489 = arith.constant 96 : index
        %get3A_490 = tpu.vector_load %arg6[%get3A_488, %get3A_489] {strides = array<i32>} : memref<256x128xf32, #tpu.memory_space<vmem>>, vector<1x16xf32>,
        %get3A_491 = vector.shape_cast %get3A_490 : vector<1x16xf32> to vector<16xf32>
        %mul3A_492 = vector.broadcast %squeeze3A_441 : f32 to vector<16xf32>
        %mul3A_493 = arith.mulf %mul3A_492, %get3A_491 : vector<16xf32>
        %add3A_494 = arith.addf %add3A_432, %mul3A_493 : vector<16xf32>
        %get3A_495 = arith.index_cast %add3A_445 : i32 to index
        %get3A_496 = arith.constant 112 : index
        %get3A_497 = tpu.vector_load %arg6[%get3A_495, %get3A_496] {strides = array<i32>} : memref<256x128xf32, #tpu.memory_space<vmem>>, vector<1x16xf32>,
        %get3A_498 = vector.shape_cast %get3A_497 : vector<1x16xf32> to vector<16xf32>
        %mul3A_499 = vector.broadcast %squeeze3A_441 : f32 to vector<16xf32>
        %mul3A_500 = arith.mulf %mul3A_499, %get3A_498 : vector<16xf32>
        %add3A_501 = arith.addf %add3A_439, %mul3A_500 : vector<16xf32>
        %slice3A_502 = vector.extract_strided_slice %get3A_193 {offsets = [5], sizes = [1], strides = [1]} : vector<16xf32> to vector<1xf32>
        %squeeze3A_503 = vector.extract %slice3A_502[0] : f32 from vector<1xf32>
        %mul3A_504 = arith.constant 16 : i32
        %mul3A_505 = arith.muli %scan3A_180, %mul3A_504 : i32
        %add3A_506 = arith.constant 5 : i32
        %add3A_507 = arith.addi %mul3A_505, %add3A_506 : i32
        %get3A_508 = arith.index_cast %add3A_507 : i32 to index
        %get3A_509 = arith.constant 0 : index
        %get3A_510 = tpu.vector_load %arg6[%get3A_508, %get3A_509] {strides = array<i32>} : memref<256x128xf32, #tpu.memory_space<vmem>>, vector<1x16xf32>,
        %get3A_511 = vector.shape_cast %get3A_510 : vector<1x16xf32> to vector<16xf32>
        %mul3A_512 = vector.broadcast %squeeze3A_503 : f32 to vector<16xf32>
        %mul3A_513 = arith.mulf %mul3A_512, %get3A_511 : vector<16xf32>
        %add3A_514 = arith.addf %add3A_452, %mul3A_513 : vector<16xf32>
        %get3A_515 = arith.index_cast %add3A_507 : i32 to index
        %get3A_516 = arith.constant 16 : index
        %get3A_517 = tpu.vector_load %arg6[%get3A_515, %get3A_516] {strides = array<i32>} : memref<256x128xf32, #tpu.memory_space<vmem>>, vector<1x16xf32>,
        %get3A_518 = vector.shape_cast %get3A_517 : vector<1x16xf32> to vector<16xf32>
        %mul3A_519 = vector.broadcast %squeeze3A_503 : f32 to vector<16xf32>
        %mul3A_520 = arith.mulf %mul3A_519, %get3A_518 : vector<16xf32>
        %add3A_521 = arith.addf %add3A_459, %mul3A_520 : vector<16xf32>
        %get3A_522 = arith.index_cast %add3A_507 : i32 to index
        %get3A_523 = arith.constant 32 : index
        %get3A_524 = tpu.vector_load %arg6[%get3A_522, %get3A_523] {strides = array<i32>} : memref<256x128xf32, #tpu.memory_space<vmem>>, vector<1x16xf32>,
        %get3A_525 = vector.shape_cast %get3A_524 : vector<1x16xf32> to vector<16xf32>
        %mul3A_526 = vector.broadcast %squeeze3A_503 : f32 to vector<16xf32>
        %mul3A_527 = arith.mulf %mul3A_526, %get3A_525 : vector<16xf32>
        %add3A_528 = arith.addf %add3A_466, %mul3A_527 : vector<16xf32>
        %get3A_529 = arith.index_cast %add3A_507 : i32 to index
        %get3A_530 = arith.constant 48 : index
        %get3A_531 = tpu.vector_load %arg6[%get3A_529, %get3A_530] {strides = array<i32>} : memref<256x128xf32, #tpu.memory_space<vmem>>, vector<1x16xf32>,
        %get3A_532 = vector.shape_cast %get3A_531 : vector<1x16xf32> to vector<16xf32>
        %mul3A_533 = vector.broadcast %squeeze3A_503 : f32 to vector<16xf32>
        %mul3A_534 = arith.mulf %mul3A_533, %get3A_532 : vector<16xf32>
        %add3A_535 = arith.addf %add3A_473, %mul3A_534 : vector<16xf32>
        %get3A_536 = arith.index_cast %add3A_507 : i32 to index
        %get3A_537 = arith.constant 64 : index
        %get3A_538 = tpu.vector_load %arg6[%get3A_536, %get3A_537] {strides = array<i32>} : memref<256x128xf32, #tpu.memory_space<vmem>>, vector<1x16xf32>,
        %get3A_539 = vector.shape_cast %get3A_538 : vector<1x16xf32> to vector<16xf32>
        %mul3A_540 = vector.broadcast %squeeze3A_503 : f32 to vector<16xf32>
        %mul3A_541 = arith.mulf %mul3A_540, %get3A_539 : vector<16xf32>
        %add3A_542 = arith.addf %add3A_480, %mul3A_541 : vector<16xf32>
        %get3A_543 = arith.index_cast %add3A_507 : i32 to index
        %get3A_544 = arith.constant 80 : index
        %get3A_545 = tpu.vector_load %arg6[%get3A_543, %get3A_544] {strides = array<i32>} : memref<256x128xf32, #tpu.memory_space<vmem>>, vector<1x16xf32>,
        %get3A_546 = vector.shape_cast %get3A_545 : vector<1x16xf32> to vector<16xf32>
        %mul3A_547 = vector.broadcast %squeeze3A_503 : f32 to vector<16xf32>
        %mul3A_548 = arith.mulf %mul3A_547, %get3A_546 : vector<16xf32>
        %add3A_549 = arith.addf %add3A_487, %mul3A_548 : vector<16xf32>
        %get3A_550 = arith.index_cast %add3A_507 : i32 to index
        %get3A_551 = arith.constant 96 : index
        %get3A_552 = tpu.vector_load %arg6[%get3A_550, %get3A_551] {strides = array<i32>} : memref<256x128xf32, #tpu.memory_space<vmem>>, vector<1x16xf32>,
        %get3A_553 = vector.shape_cast %get3A_552 : vector<1x16xf32> to vector<16xf32>
        %mul3A_554 = vector.broadcast %squeeze3A_503 : f32 to vector<16xf32>
        %mul3A_555 = arith.mulf %mul3A_554, %get3A_553 : vector<16xf32>
        %add3A_556 = arith.addf %add3A_494, %mul3A_555 : vector<16xf32>
        %get3A_557 = arith.index_cast %add3A_507 : i32 to index
        %get3A_558 = arith.constant 112 : index
        %get3A_559 = tpu.vector_load %arg6[%get3A_557, %get3A_558] {strides = array<i32>} : memref<256x128xf32, #tpu.memory_space<vmem>>, vector<1x16xf32>,
        %get3A_560 = vector.shape_cast %get3A_559 : vector<1x16xf32> to vector<16xf32>
        %mul3A_561 = vector.broadcast %squeeze3A_503 : f32 to vector<16xf32>
        %mul3A_562 = arith.mulf %mul3A_561, %get3A_560 : vector<16xf32>
        %add3A_563 = arith.addf %add3A_501, %mul3A_562 : vector<16xf32>
        %slice3A_564 = vector.extract_strided_slice %get3A_193 {offsets = [6], sizes = [1], strides = [1]} : vector<16xf32> to vector<1xf32>
        %squeeze3A_565 = vector.extract %slice3A_564[0] : f32 from vector<1xf32>
        %mul3A_566 = arith.constant 16 : i32
        %mul3A_567 = arith.muli %scan3A_180, %mul3A_566 : i32
        %add3A_568 = arith.constant 6 : i32
        %add3A_569 = arith.addi %mul3A_567, %add3A_568 : i32
        %get3A_570 = arith.index_cast %add3A_569 : i32 to index
        %get3A_571 = arith.constant 0 : index
        %get3A_572 = tpu.vector_load %arg6[%get3A_570, %get3A_571] {strides = array<i32>} : memref<256x128xf32, #tpu.memory_space<vmem>>, vector<1x16xf32>,
        %get3A_573 = vector.shape_cast %get3A_572 : vector<1x16xf32> to vector<16xf32>
        %mul3A_574 = vector.broadcast %squeeze3A_565 : f32 to vector<16xf32>
        %mul3A_575 = arith.mulf %mul3A_574, %get3A_573 : vector<16xf32>
        %add3A_576 = arith.addf %add3A_514, %mul3A_575 : vector<16xf32>
        %get3A_577 = arith.index_cast %add3A_569 : i32 to index
        %get3A_578 = arith.constant 16 : index
        %get3A_579 = tpu.vector_load %arg6[%get3A_577, %get3A_578] {strides = array<i32>} : memref<256x128xf32, #tpu.memory_space<vmem>>, vector<1x16xf32>,
        %get3A_580 = vector.shape_cast %get3A_579 : vector<1x16xf32> to vector<16xf32>
        %mul3A_581 = vector.broadcast %squeeze3A_565 : f32 to vector<16xf32>
        %mul3A_582 = arith.mulf %mul3A_581, %get3A_580 : vector<16xf32>
        %add3A_583 = arith.addf %add3A_521, %mul3A_582 : vector<16xf32>
        %get3A_584 = arith.index_cast %add3A_569 : i32 to index
        %get3A_585 = arith.constant 32 : index
        %get3A_586 = tpu.vector_load %arg6[%get3A_584, %get3A_585] {strides = array<i32>} : memref<256x128xf32, #tpu.memory_space<vmem>>, vector<1x16xf32>,
        %get3A_587 = vector.shape_cast %get3A_586 : vector<1x16xf32> to vector<16xf32>
        %mul3A_588 = vector.broadcast %squeeze3A_565 : f32 to vector<16xf32>
        %mul3A_589 = arith.mulf %mul3A_588, %get3A_587 : vector<16xf32>
        %add3A_590 = arith.addf %add3A_528, %mul3A_589 : vector<16xf32>
        %get3A_591 = arith.index_cast %add3A_569 : i32 to index
        %get3A_592 = arith.constant 48 : index
        %get3A_593 = tpu.vector_load %arg6[%get3A_591, %get3A_592] {strides = array<i32>} : memref<256x128xf32, #tpu.memory_space<vmem>>, vector<1x16xf32>,
        %get3A_594 = vector.shape_cast %get3A_593 : vector<1x16xf32> to vector<16xf32>
        %mul3A_595 = vector.broadcast %squeeze3A_565 : f32 to vector<16xf32>
        %mul3A_596 = arith.mulf %mul3A_595, %get3A_594 : vector<16xf32>
        %add3A_597 = arith.addf %add3A_535, %mul3A_596 : vector<16xf32>
        %get3A_598 = arith.index_cast %add3A_569 : i32 to index
        %get3A_599 = arith.constant 64 : index
        %get3A_600 = tpu.vector_load %arg6[%get3A_598, %get3A_599] {strides = array<i32>} : memref<256x128xf32, #tpu.memory_space<vmem>>, vector<1x16xf32>,
        %get3A_601 = vector.shape_cast %get3A_600 : vector<1x16xf32> to vector<16xf32>
        %mul3A_602 = vector.broadcast %squeeze3A_565 : f32 to vector<16xf32>
        %mul3A_603 = arith.mulf %mul3A_602, %get3A_601 : vector<16xf32>
        %add3A_604 = arith.addf %add3A_542, %mul3A_603 : vector<16xf32>
        %get3A_605 = arith.index_cast %add3A_569 : i32 to index
        %get3A_606 = arith.constant 80 : index
        %get3A_607 = tpu.vector_load %arg6[%get3A_605, %get3A_606] {strides = array<i32>} : memref<256x128xf32, #tpu.memory_space<vmem>>, vector<1x16xf32>,
        %get3A_608 = vector.shape_cast %get3A_607 : vector<1x16xf32> to vector<16xf32>
        %mul3A_609 = vector.broadcast %squeeze3A_565 : f32 to vector<16xf32>
        %mul3A_610 = arith.mulf %mul3A_609, %get3A_608 : vector<16xf32>
        %add3A_611 = arith.addf %add3A_549, %mul3A_610 : vector<16xf32>
        %get3A_612 = arith.index_cast %add3A_569 : i32 to index
        %get3A_613 = arith.constant 96 : index
        %get3A_614 = tpu.vector_load %arg6[%get3A_612, %get3A_613] {strides = array<i32>} : memref<256x128xf32, #tpu.memory_space<vmem>>, vector<1x16xf32>,
        %get3A_615 = vector.shape_cast %get3A_614 : vector<1x16xf32> to vector<16xf32>
        %mul3A_616 = vector.broadcast %squeeze3A_565 : f32 to vector<16xf32>
        %mul3A_617 = arith.mulf %mul3A_616, %get3A_615 : vector<16xf32>
        %add3A_618 = arith.addf %add3A_556, %mul3A_617 : vector<16xf32>
        %get3A_619 = arith.index_cast %add3A_569 : i32 to index
        %get3A_620 = arith.constant 112 : index
        %get3A_621 = tpu.vector_load %arg6[%get3A_619, %get3A_620] {strides = array<i32>} : memref<256x128xf32, #tpu.memory_space<vmem>>, vector<1x16xf32>,
        %get3A_622 = vector.shape_cast %get3A_621 : vector<1x16xf32> to vector<16xf32>
        %mul3A_623 = vector.broadcast %squeeze3A_565 : f32 to vector<16xf32>
        %mul3A_624 = arith.mulf %mul3A_623, %get3A_622 : vector<16xf32>
        %add3A_625 = arith.addf %add3A_563, %mul3A_624 : vector<16xf32>
        %slice3A_626 = vector.extract_strided_slice %get3A_193 {offsets = [7], sizes = [1], strides = [1]} : vector<16xf32> to vector<1xf32>
        %squeeze3A_627 = vector.extract %slice3A_626[0] : f32 from vector<1xf32>
        %mul3A_628 = arith.constant 16 : i32
        %mul3A_629 = arith.muli %scan3A_180, %mul3A_628 : i32
        %add3A_630 = arith.constant 7 : i32
        %add3A_631 = arith.addi %mul3A_629, %add3A_630 : i32
        %get3A_632 = arith.index_cast %add3A_631 : i32 to index
        %get3A_633 = arith.constant 0 : index
        %get3A_634 = tpu.vector_load %arg6[%get3A_632, %get3A_633] {strides = array<i32>} : memref<256x128xf32, #tpu.memory_space<vmem>>, vector<1x16xf32>,
        %get3A_635 = vector.shape_cast %get3A_634 : vector<1x16xf32> to vector<16xf32>
        %mul3A_636 = vector.broadcast %squeeze3A_627 : f32 to vector<16xf32>
        %mul3A_637 = arith.mulf %mul3A_636, %get3A_635 : vector<16xf32>
        %add3A_638 = arith.addf %add3A_576, %mul3A_637 : vector<16xf32>
        %get3A_639 = arith.index_cast %add3A_631 : i32 to index
        %get3A_640 = arith.constant 16 : index
        %get3A_641 = tpu.vector_load %arg6[%get3A_639, %get3A_640] {strides = array<i32>} : memref<256x128xf32, #tpu.memory_space<vmem>>, vector<1x16xf32>,
        %get3A_642 = vector.shape_cast %get3A_641 : vector<1x16xf32> to vector<16xf32>
        %mul3A_643 = vector.broadcast %squeeze3A_627 : f32 to vector<16xf32>
        %mul3A_644 = arith.mulf %mul3A_643, %get3A_642 : vector<16xf32>
        %add3A_645 = arith.addf %add3A_583, %mul3A_644 : vector<16xf32>
        %get3A_646 = arith.index_cast %add3A_631 : i32 to index
        %get3A_647 = arith.constant 32 : index
        %get3A_648 = tpu.vector_load %arg6[%get3A_646, %get3A_647] {strides = array<i32>} : memref<256x128xf32, #tpu.memory_space<vmem>>, vector<1x16xf32>,
        %get3A_649 = vector.shape_cast %get3A_648 : vector<1x16xf32> to vector<16xf32>
        %mul3A_650 = vector.broadcast %squeeze3A_627 : f32 to vector<16xf32>
        %mul3A_651 = arith.mulf %mul3A_650, %get3A_649 : vector<16xf32>
        %add3A_652 = arith.addf %add3A_590, %mul3A_651 : vector<16xf32>
        %get3A_653 = arith.index_cast %add3A_631 : i32 to index
        %get3A_654 = arith.constant 48 : index
        %get3A_655 = tpu.vector_load %arg6[%get3A_653, %get3A_654] {strides = array<i32>} : memref<256x128xf32, #tpu.memory_space<vmem>>, vector<1x16xf32>,
        %get3A_656 = vector.shape_cast %get3A_655 : vector<1x16xf32> to vector<16xf32>
        %mul3A_657 = vector.broadcast %squeeze3A_627 : f32 to vector<16xf32>
        %mul3A_658 = arith.mulf %mul3A_657, %get3A_656 : vector<16xf32>
        %add3A_659 = arith.addf %add3A_597, %mul3A_658 : vector<16xf32>
        %get3A_660 = arith.index_cast %add3A_631 : i32 to index
        %get3A_661 = arith.constant 64 : index
        %get3A_662 = tpu.vector_load %arg6[%get3A_660, %get3A_661] {strides = array<i32>} : memref<256x128xf32, #tpu.memory_space<vmem>>, vector<1x16xf32>,
        %get3A_663 = vector.shape_cast %get3A_662 : vector<1x16xf32> to vector<16xf32>
        %mul3A_664 = vector.broadcast %squeeze3A_627 : f32 to vector<16xf32>
        %mul3A_665 = arith.mulf %mul3A_664, %get3A_663 : vector<16xf32>
        %add3A_666 = arith.addf %add3A_604, %mul3A_665 : vector<16xf32>
        %get3A_667 = arith.index_cast %add3A_631 : i32 to index
        %get3A_668 = arith.constant 80 : index
        %get3A_669 = tpu.vector_load %arg6[%get3A_667, %get3A_668] {strides = array<i32>} : memref<256x128xf32, #tpu.memory_space<vmem>>, vector<1x16xf32>,
        %get3A_670 = vector.shape_cast %get3A_669 : vector<1x16xf32> to vector<16xf32>
        %mul3A_671 = vector.broadcast %squeeze3A_627 : f32 to vector<16xf32>
        %mul3A_672 = arith.mulf %mul3A_671, %get3A_670 : vector<16xf32>
        %add3A_673 = arith.addf %add3A_611, %mul3A_672 : vector<16xf32>
        %get3A_674 = arith.index_cast %add3A_631 : i32 to index
        %get3A_675 = arith.constant 96 : index
        %get3A_676 = tpu.vector_load %arg6[%get3A_674, %get3A_675] {strides = array<i32>} : memref<256x128xf32, #tpu.memory_space<vmem>>, vector<1x16xf32>,
        %get3A_677 = vector.shape_cast %get3A_676 : vector<1x16xf32> to vector<16xf32>
        %mul3A_678 = vector.broadcast %squeeze3A_627 : f32 to vector<16xf32>
        %mul3A_679 = arith.mulf %mul3A_678, %get3A_677 : vector<16xf32>
        %add3A_680 = arith.addf %add3A_618, %mul3A_679 : vector<16xf32>
        %get3A_681 = arith.index_cast %add3A_631 : i32 to index
        %get3A_682 = arith.constant 112 : index
        %get3A_683 = tpu.vector_load %arg6[%get3A_681, %get3A_682] {strides = array<i32>} : memref<256x128xf32, #tpu.memory_space<vmem>>, vector<1x16xf32>,
        %get3A_684 = vector.shape_cast %get3A_683 : vector<1x16xf32> to vector<16xf32>
        %mul3A_685 = vector.broadcast %squeeze3A_627 : f32 to vector<16xf32>
        %mul3A_686 = arith.mulf %mul3A_685, %get3A_684 : vector<16xf32>
        %add3A_687 = arith.addf %add3A_625, %mul3A_686 : vector<16xf32>
        %slice3A_688 = vector.extract_strided_slice %get3A_193 {offsets = [8], sizes = [1], strides = [1]} : vector<16xf32> to vector<1xf32>
        %squeeze3A_689 = vector.extract %slice3A_688[0] : f32 from vector<1xf32>
        %mul3A_690 = arith.constant 16 : i32
        %mul3A_691 = arith.muli %scan3A_180, %mul3A_690 : i32
        %add3A_692 = arith.constant 8 : i32
        %add3A_693 = arith.addi %mul3A_691, %add3A_692 : i32
        %get3A_694 = arith.index_cast %add3A_693 : i32 to index
        %get3A_695 = arith.constant 0 : index
        %get3A_696 = tpu.vector_load %arg6[%get3A_694, %get3A_695] {strides = array<i32>} : memref<256x128xf32, #tpu.memory_space<vmem>>, vector<1x16xf32>,
        %get3A_697 = vector.shape_cast %get3A_696 : vector<1x16xf32> to vector<16xf32>
        %mul3A_698 = vector.broadcast %squeeze3A_689 : f32 to vector<16xf32>
        %mul3A_699 = arith.mulf %mul3A_698, %get3A_697 : vector<16xf32>
        %add3A_700 = arith.addf %add3A_638, %mul3A_699 : vector<16xf32>
        %get3A_701 = arith.index_cast %add3A_693 : i32 to index
        %get3A_702 = arith.constant 16 : index
        %get3A_703 = tpu.vector_load %arg6[%get3A_701, %get3A_702] {strides = array<i32>} : memref<256x128xf32, #tpu.memory_space<vmem>>, vector<1x16xf32>,
        %get3A_704 = vector.shape_cast %get3A_703 : vector<1x16xf32> to vector<16xf32>
        %mul3A_705 = vector.broadcast %squeeze3A_689 : f32 to vector<16xf32>
        %mul3A_706 = arith.mulf %mul3A_705, %get3A_704 : vector<16xf32>
        %add3A_707 = arith.addf %add3A_645, %mul3A_706 : vector<16xf32>
        %get3A_708 = arith.index_cast %add3A_693 : i32 to index
        %get3A_709 = arith.constant 32 : index
        %get3A_710 = tpu.vector_load %arg6[%get3A_708, %get3A_709] {strides = array<i32>} : memref<256x128xf32, #tpu.memory_space<vmem>>, vector<1x16xf32>,
        %get3A_711 = vector.shape_cast %get3A_710 : vector<1x16xf32> to vector<16xf32>
        %mul3A_712 = vector.broadcast %squeeze3A_689 : f32 to vector<16xf32>
        %mul3A_713 = arith.mulf %mul3A_712, %get3A_711 : vector<16xf32>
        %add3A_714 = arith.addf %add3A_652, %mul3A_713 : vector<16xf32>
        %get3A_715 = arith.index_cast %add3A_693 : i32 to index
        %get3A_716 = arith.constant 48 : index
        %get3A_717 = tpu.vector_load %arg6[%get3A_715, %get3A_716] {strides = array<i32>} : memref<256x128xf32, #tpu.memory_space<vmem>>, vector<1x16xf32>,
        %get3A_718 = vector.shape_cast %get3A_717 : vector<1x16xf32> to vector<16xf32>
        %mul3A_719 = vector.broadcast %squeeze3A_689 : f32 to vector<16xf32>
        %mul3A_720 = arith.mulf %mul3A_719, %get3A_718 : vector<16xf32>
        %add3A_721 = arith.addf %add3A_659, %mul3A_720 : vector<16xf32>
        %get3A_722 = arith.index_cast %add3A_693 : i32 to index
        %get3A_723 = arith.constant 64 : index
        %get3A_724 = tpu.vector_load %arg6[%get3A_722, %get3A_723] {strides = array<i32>} : memref<256x128xf32, #tpu.memory_space<vmem>>, vector<1x16xf32>,
        %get3A_725 = vector.shape_cast %get3A_724 : vector<1x16xf32> to vector<16xf32>
        %mul3A_726 = vector.broadcast %squeeze3A_689 : f32 to vector<16xf32>
        %mul3A_727 = arith.mulf %mul3A_726, %get3A_725 : vector<16xf32>
        %add3A_728 = arith.addf %add3A_666, %mul3A_727 : vector<16xf32>
        %get3A_729 = arith.index_cast %add3A_693 : i32 to index
        %get3A_730 = arith.constant 80 : index
        %get3A_731 = tpu.vector_load %arg6[%get3A_729, %get3A_730] {strides = array<i32>} : memref<256x128xf32, #tpu.memory_space<vmem>>, vector<1x16xf32>,
        %get3A_732 = vector.shape_cast %get3A_731 : vector<1x16xf32> to vector<16xf32>
        %mul3A_733 = vector.broadcast %squeeze3A_689 : f32 to vector<16xf32>
        %mul3A_734 = arith.mulf %mul3A_733, %get3A_732 : vector<16xf32>
        %add3A_735 = arith.addf %add3A_673, %mul3A_734 : vector<16xf32>
        %get3A_736 = arith.index_cast %add3A_693 : i32 to index
        %get3A_737 = arith.constant 96 : index
        %get3A_738 = tpu.vector_load %arg6[%get3A_736, %get3A_737] {strides = array<i32>} : memref<256x128xf32, #tpu.memory_space<vmem>>, vector<1x16xf32>,
        %get3A_739 = vector.shape_cast %get3A_738 : vector<1x16xf32> to vector<16xf32>
        %mul3A_740 = vector.broadcast %squeeze3A_689 : f32 to vector<16xf32>
        %mul3A_741 = arith.mulf %mul3A_740, %get3A_739 : vector<16xf32>
        %add3A_742 = arith.addf %add3A_680, %mul3A_741 : vector<16xf32>
        %get3A_743 = arith.index_cast %add3A_693 : i32 to index
        %get3A_744 = arith.constant 112 : index
        %get3A_745 = tpu.vector_load %arg6[%get3A_743, %get3A_744] {strides = array<i32>} : memref<256x128xf32, #tpu.memory_space<vmem>>, vector<1x16xf32>,
        %get3A_746 = vector.shape_cast %get3A_745 : vector<1x16xf32> to vector<16xf32>
        %mul3A_747 = vector.broadcast %squeeze3A_689 : f32 to vector<16xf32>
        %mul3A_748 = arith.mulf %mul3A_747, %get3A_746 : vector<16xf32>
        %add3A_749 = arith.addf %add3A_687, %mul3A_748 : vector<16xf32>
        %slice3A_750 = vector.extract_strided_slice %get3A_193 {offsets = [9], sizes = [1], strides = [1]} : vector<16xf32> to vector<1xf32>
        %squeeze3A_751 = vector.extract %slice3A_750[0] : f32 from vector<1xf32>
        %mul3A_752 = arith.constant 16 : i32
        %mul3A_753 = arith.muli %scan3A_180, %mul3A_752 : i32
        %add3A_754 = arith.constant 9 : i32
        %add3A_755 = arith.addi %mul3A_753, %add3A_754 : i32
        %get3A_756 = arith.index_cast %add3A_755 : i32 to index
        %get3A_757 = arith.constant 0 : index
        %get3A_758 = tpu.vector_load %arg6[%get3A_756, %get3A_757] {strides = array<i32>} : memref<256x128xf32, #tpu.memory_space<vmem>>, vector<1x16xf32>,
        %get3A_759 = vector.shape_cast %get3A_758 : vector<1x16xf32> to vector<16xf32>
        %mul3A_760 = vector.broadcast %squeeze3A_751 : f32 to vector<16xf32>
        %mul3A_761 = arith.mulf %mul3A_760, %get3A_759 : vector<16xf32>
        %add3A_762 = arith.addf %add3A_700, %mul3A_761 : vector<16xf32>
        %get3A_763 = arith.index_cast %add3A_755 : i32 to index
        %get3A_764 = arith.constant 16 : index
        %get3A_765 = tpu.vector_load %arg6[%get3A_763, %get3A_764] {strides = array<i32>} : memref<256x128xf32, #tpu.memory_space<vmem>>, vector<1x16xf32>,
        %get3A_766 = vector.shape_cast %get3A_765 : vector<1x16xf32> to vector<16xf32>
        %mul3A_767 = vector.broadcast %squeeze3A_751 : f32 to vector<16xf32>
        %mul3A_768 = arith.mulf %mul3A_767, %get3A_766 : vector<16xf32>
        %add3A_769 = arith.addf %add3A_707, %mul3A_768 : vector<16xf32>
        %get3A_770 = arith.index_cast %add3A_755 : i32 to index
        %get3A_771 = arith.constant 32 : index
        %get3A_772 = tpu.vector_load %arg6[%get3A_770, %get3A_771] {strides = array<i32>} : memref<256x128xf32, #tpu.memory_space<vmem>>, vector<1x16xf32>,
        %get3A_773 = vector.shape_cast %get3A_772 : vector<1x16xf32> to vector<16xf32>
        %mul3A_774 = vector.broadcast %squeeze3A_751 : f32 to vector<16xf32>
        %mul3A_775 = arith.mulf %mul3A_774, %get3A_773 : vector<16xf32>
        %add3A_776 = arith.addf %add3A_714, %mul3A_775 : vector<16xf32>
        %get3A_777 = arith.index_cast %add3A_755 : i32 to index
        %get3A_778 = arith.constant 48 : index
        %get3A_779 = tpu.vector_load %arg6[%get3A_777, %get3A_778] {strides = array<i32>} : memref<256x128xf32, #tpu.memory_space<vmem>>, vector<1x16xf32>,
        %get3A_780 = vector.shape_cast %get3A_779 : vector<1x16xf32> to vector<16xf32>
        %mul3A_781 = vector.broadcast %squeeze3A_751 : f32 to vector<16xf32>
        %mul3A_782 = arith.mulf %mul3A_781, %get3A_780 : vector<16xf32>
        %add3A_783 = arith.addf %add3A_721, %mul3A_782 : vector<16xf32>
        %get3A_784 = arith.index_cast %add3A_755 : i32 to index
        %get3A_785 = arith.constant 64 : index
        %get3A_786 = tpu.vector_load %arg6[%get3A_784, %get3A_785] {strides = array<i32>} : memref<256x128xf32, #tpu.memory_space<vmem>>, vector<1x16xf32>,
        %get3A_787 = vector.shape_cast %get3A_786 : vector<1x16xf32> to vector<16xf32>
        %mul3A_788 = vector.broadcast %squeeze3A_751 : f32 to vector<16xf32>
        %mul3A_789 = arith.mulf %mul3A_788, %get3A_787 : vector<16xf32>
        %add3A_790 = arith.addf %add3A_728, %mul3A_789 : vector<16xf32>
        %get3A_791 = arith.index_cast %add3A_755 : i32 to index
        %get3A_792 = arith.constant 80 : index
        %get3A_793 = tpu.vector_load %arg6[%get3A_791, %get3A_792] {strides = array<i32>} : memref<256x128xf32, #tpu.memory_space<vmem>>, vector<1x16xf32>,
        %get3A_794 = vector.shape_cast %get3A_793 : vector<1x16xf32> to vector<16xf32>
        %mul3A_795 = vector.broadcast %squeeze3A_751 : f32 to vector<16xf32>
        %mul3A_796 = arith.mulf %mul3A_795, %get3A_794 : vector<16xf32>
        %add3A_797 = arith.addf %add3A_735, %mul3A_796 : vector<16xf32>
        %get3A_798 = arith.index_cast %add3A_755 : i32 to index
        %get3A_799 = arith.constant 96 : index
        %get3A_800 = tpu.vector_load %arg6[%get3A_798, %get3A_799] {strides = array<i32>} : memref<256x128xf32, #tpu.memory_space<vmem>>, vector<1x16xf32>,
        %get3A_801 = vector.shape_cast %get3A_800 : vector<1x16xf32> to vector<16xf32>
        %mul3A_802 = vector.broadcast %squeeze3A_751 : f32 to vector<16xf32>
        %mul3A_803 = arith.mulf %mul3A_802, %get3A_801 : vector<16xf32>
        %add3A_804 = arith.addf %add3A_742, %mul3A_803 : vector<16xf32>
        %get3A_805 = arith.index_cast %add3A_755 : i32 to index
        %get3A_806 = arith.constant 112 : index
        %get3A_807 = tpu.vector_load %arg6[%get3A_805, %get3A_806] {strides = array<i32>} : memref<256x128xf32, #tpu.memory_space<vmem>>, vector<1x16xf32>,
        %get3A_808 = vector.shape_cast %get3A_807 : vector<1x16xf32> to vector<16xf32>
        %mul3A_809 = vector.broadcast %squeeze3A_751 : f32 to vector<16xf32>
        %mul3A_810 = arith.mulf %mul3A_809, %get3A_808 : vector<16xf32>
        %add3A_811 = arith.addf %add3A_749, %mul3A_810 : vector<16xf32>
        %slice3A_812 = vector.extract_strided_slice %get3A_193 {offsets = [10], sizes = [1], strides = [1]} : vector<16xf32> to vector<1xf32>
        %squeeze3A_813 = vector.extract %slice3A_812[0] : f32 from vector<1xf32>
        %mul3A_814 = arith.constant 16 : i32
        %mul3A_815 = arith.muli %scan3A_180, %mul3A_814 : i32
        %add3A_816 = arith.constant 10 : i32
        %add3A_817 = arith.addi %mul3A_815, %add3A_816 : i32
        %get3A_818 = arith.index_cast %add3A_817 : i32 to index
        %get3A_819 = arith.constant 0 : index
        %get3A_820 = tpu.vector_load %arg6[%get3A_818, %get3A_819] {strides = array<i32>} : memref<256x128xf32, #tpu.memory_space<vmem>>, vector<1x16xf32>,
        %get3A_821 = vector.shape_cast %get3A_820 : vector<1x16xf32> to vector<16xf32>
        %mul3A_822 = vector.broadcast %squeeze3A_813 : f32 to vector<16xf32>
        %mul3A_823 = arith.mulf %mul3A_822, %get3A_821 : vector<16xf32>
        %add3A_824 = arith.addf %add3A_762, %mul3A_823 : vector<16xf32>
        %get3A_825 = arith.index_cast %add3A_817 : i32 to index
        %get3A_826 = arith.constant 16 : index
        %get3A_827 = tpu.vector_load %arg6[%get3A_825, %get3A_826] {strides = array<i32>} : memref<256x128xf32, #tpu.memory_space<vmem>>, vector<1x16xf32>,
        %get3A_828 = vector.shape_cast %get3A_827 : vector<1x16xf32> to vector<16xf32>
        %mul3A_829 = vector.broadcast %squeeze3A_813 : f32 to vector<16xf32>
        %mul3A_830 = arith.mulf %mul3A_829, %get3A_828 : vector<16xf32>
        %add3A_831 = arith.addf %add3A_769, %mul3A_830 : vector<16xf32>
        %get3A_832 = arith.index_cast %add3A_817 : i32 to index
        %get3A_833 = arith.constant 32 : index
        %get3A_834 = tpu.vector_load %arg6[%get3A_832, %get3A_833] {strides = array<i32>} : memref<256x128xf32, #tpu.memory_space<vmem>>, vector<1x16xf32>,
        %get3A_835 = vector.shape_cast %get3A_834 : vector<1x16xf32> to vector<16xf32>
        %mul3A_836 = vector.broadcast %squeeze3A_813 : f32 to vector<16xf32>
        %mul3A_837 = arith.mulf %mul3A_836, %get3A_835 : vector<16xf32>
        %add3A_838 = arith.addf %add3A_776, %mul3A_837 : vector<16xf32>
        %get3A_839 = arith.index_cast %add3A_817 : i32 to index
        %get3A_840 = arith.constant 48 : index
        %get3A_841 = tpu.vector_load %arg6[%get3A_839, %get3A_840] {strides = array<i32>} : memref<256x128xf32, #tpu.memory_space<vmem>>, vector<1x16xf32>,
        %get3A_842 = vector.shape_cast %get3A_841 : vector<1x16xf32> to vector<16xf32>
        %mul3A_843 = vector.broadcast %squeeze3A_813 : f32 to vector<16xf32>
        %mul3A_844 = arith.mulf %mul3A_843, %get3A_842 : vector<16xf32>
        %add3A_845 = arith.addf %add3A_783, %mul3A_844 : vector<16xf32>
        %get3A_846 = arith.index_cast %add3A_817 : i32 to index
        %get3A_847 = arith.constant 64 : index
        %get3A_848 = tpu.vector_load %arg6[%get3A_846, %get3A_847] {strides = array<i32>} : memref<256x128xf32, #tpu.memory_space<vmem>>, vector<1x16xf32>,
        %get3A_849 = vector.shape_cast %get3A_848 : vector<1x16xf32> to vector<16xf32>
        %mul3A_850 = vector.broadcast %squeeze3A_813 : f32 to vector<16xf32>
        %mul3A_851 = arith.mulf %mul3A_850, %get3A_849 : vector<16xf32>
        %add3A_852 = arith.addf %add3A_790, %mul3A_851 : vector<16xf32>
        %get3A_853 = arith.index_cast %add3A_817 : i32 to index
        %get3A_854 = arith.constant 80 : index
        %get3A_855 = tpu.vector_load %arg6[%get3A_853, %get3A_854] {strides = array<i32>} : memref<256x128xf32, #tpu.memory_space<vmem>>, vector<1x16xf32>,
        %get3A_856 = vector.shape_cast %get3A_855 : vector<1x16xf32> to vector<16xf32>
        %mul3A_857 = vector.broadcast %squeeze3A_813 : f32 to vector<16xf32>
        %mul3A_858 = arith.mulf %mul3A_857, %get3A_856 : vector<16xf32>
        %add3A_859 = arith.addf %add3A_797, %mul3A_858 : vector<16xf32>
        %get3A_860 = arith.index_cast %add3A_817 : i32 to index
        %get3A_861 = arith.constant 96 : index
        %get3A_862 = tpu.vector_load %arg6[%get3A_860, %get3A_861] {strides = array<i32>} : memref<256x128xf32, #tpu.memory_space<vmem>>, vector<1x16xf32>,
        %get3A_863 = vector.shape_cast %get3A_862 : vector<1x16xf32> to vector<16xf32>
        %mul3A_864 = vector.broadcast %squeeze3A_813 : f32 to vector<16xf32>
        %mul3A_865 = arith.mulf %mul3A_864, %get3A_863 : vector<16xf32>
        %add3A_866 = arith.addf %add3A_804, %mul3A_865 : vector<16xf32>
        %get3A_867 = arith.index_cast %add3A_817 : i32 to index
        %get3A_868 = arith.constant 112 : index
        %get3A_869 = tpu.vector_load %arg6[%get3A_867, %get3A_868] {strides = array<i32>} : memref<256x128xf32, #tpu.memory_space<vmem>>, vector<1x16xf32>,
        %get3A_870 = vector.shape_cast %get3A_869 : vector<1x16xf32> to vector<16xf32>
        %mul3A_871 = vector.broadcast %squeeze3A_813 : f32 to vector<16xf32>
        %mul3A_872 = arith.mulf %mul3A_871, %get3A_870 : vector<16xf32>
        %add3A_873 = arith.addf %add3A_811, %mul3A_872 : vector<16xf32>
        %slice3A_874 = vector.extract_strided_slice %get3A_193 {offsets = [11], sizes = [1], strides = [1]} : vector<16xf32> to vector<1xf32>
        %squeeze3A_875 = vector.extract %slice3A_874[0] : f32 from vector<1xf32>
        %mul3A_876 = arith.constant 16 : i32
        %mul3A_877 = arith.muli %scan3A_180, %mul3A_876 : i32
        %add3A_878 = arith.constant 11 : i32
        %add3A_879 = arith.addi %mul3A_877, %add3A_878 : i32
        %get3A_880 = arith.index_cast %add3A_879 : i32 to index
        %get3A_881 = arith.constant 0 : index
        %get3A_882 = tpu.vector_load %arg6[%get3A_880, %get3A_881] {strides = array<i32>} : memref<256x128xf32, #tpu.memory_space<vmem>>, vector<1x16xf32>,
        %get3A_883 = vector.shape_cast %get3A_882 : vector<1x16xf32> to vector<16xf32>
        %mul3A_884 = vector.broadcast %squeeze3A_875 : f32 to vector<16xf32>
        %mul3A_885 = arith.mulf %mul3A_884, %get3A_883 : vector<16xf32>
        %add3A_886 = arith.addf %add3A_824, %mul3A_885 : vector<16xf32>
        %get3A_887 = arith.index_cast %add3A_879 : i32 to index
        %get3A_888 = arith.constant 16 : index
        %get3A_889 = tpu.vector_load %arg6[%get3A_887, %get3A_888] {strides = array<i32>} : memref<256x128xf32, #tpu.memory_space<vmem>>, vector<1x16xf32>,
        %get3A_890 = vector.shape_cast %get3A_889 : vector<1x16xf32> to vector<16xf32>
        %mul3A_891 = vector.broadcast %squeeze3A_875 : f32 to vector<16xf32>
        %mul3A_892 = arith.mulf %mul3A_891, %get3A_890 : vector<16xf32>
        %add3A_893 = arith.addf %add3A_831, %mul3A_892 : vector<16xf32>
        %get3A_894 = arith.index_cast %add3A_879 : i32 to index
        %get3A_895 = arith.constant 32 : index
        %get3A_896 = tpu.vector_load %arg6[%get3A_894, %get3A_895] {strides = array<i32>} : memref<256x128xf32, #tpu.memory_space<vmem>>, vector<1x16xf32>,
        %get3A_897 = vector.shape_cast %get3A_896 : vector<1x16xf32> to vector<16xf32>
        %mul3A_898 = vector.broadcast %squeeze3A_875 : f32 to vector<16xf32>
        %mul3A_899 = arith.mulf %mul3A_898, %get3A_897 : vector<16xf32>
        %add3A_900 = arith.addf %add3A_838, %mul3A_899 : vector<16xf32>
        %get3A_901 = arith.index_cast %add3A_879 : i32 to index
        %get3A_902 = arith.constant 48 : index
        %get3A_903 = tpu.vector_load %arg6[%get3A_901, %get3A_902] {strides = array<i32>} : memref<256x128xf32, #tpu.memory_space<vmem>>, vector<1x16xf32>,
        %get3A_904 = vector.shape_cast %get3A_903 : vector<1x16xf32> to vector<16xf32>
        %mul3A_905 = vector.broadcast %squeeze3A_875 : f32 to vector<16xf32>
        %mul3A_906 = arith.mulf %mul3A_905, %get3A_904 : vector<16xf32>
        %add3A_907 = arith.addf %add3A_845, %mul3A_906 : vector<16xf32>
        %get3A_908 = arith.index_cast %add3A_879 : i32 to index
        %get3A_909 = arith.constant 64 : index
        %get3A_910 = tpu.vector_load %arg6[%get3A_908, %get3A_909] {strides = array<i32>} : memref<256x128xf32, #tpu.memory_space<vmem>>, vector<1x16xf32>,
        %get3A_911 = vector.shape_cast %get3A_910 : vector<1x16xf32> to vector<16xf32>
        %mul3A_912 = vector.broadcast %squeeze3A_875 : f32 to vector<16xf32>
        %mul3A_913 = arith.mulf %mul3A_912, %get3A_911 : vector<16xf32>
        %add3A_914 = arith.addf %add3A_852, %mul3A_913 : vector<16xf32>
        %get3A_915 = arith.index_cast %add3A_879 : i32 to index
        %get3A_916 = arith.constant 80 : index
        %get3A_917 = tpu.vector_load %arg6[%get3A_915, %get3A_916] {strides = array<i32>} : memref<256x128xf32, #tpu.memory_space<vmem>>, vector<1x16xf32>,
        %get3A_918 = vector.shape_cast %get3A_917 : vector<1x16xf32> to vector<16xf32>
        %mul3A_919 = vector.broadcast %squeeze3A_875 : f32 to vector<16xf32>
        %mul3A_920 = arith.mulf %mul3A_919, %get3A_918 : vector<16xf32>
        %add3A_921 = arith.addf %add3A_859, %mul3A_920 : vector<16xf32>
        %get3A_922 = arith.index_cast %add3A_879 : i32 to index
        %get3A_923 = arith.constant 96 : index
        %get3A_924 = tpu.vector_load %arg6[%get3A_922, %get3A_923] {strides = array<i32>} : memref<256x128xf32, #tpu.memory_space<vmem>>, vector<1x16xf32>,
        %get3A_925 = vector.shape_cast %get3A_924 : vector<1x16xf32> to vector<16xf32>
        %mul3A_926 = vector.broadcast %squeeze3A_875 : f32 to vector<16xf32>
        %mul3A_927 = arith.mulf %mul3A_926, %get3A_925 : vector<16xf32>
        %add3A_928 = arith.addf %add3A_866, %mul3A_927 : vector<16xf32>
        %get3A_929 = arith.index_cast %add3A_879 : i32 to index
        %get3A_930 = arith.constant 112 : index
        %get3A_931 = tpu.vector_load %arg6[%get3A_929, %get3A_930] {strides = array<i32>} : memref<256x128xf32, #tpu.memory_space<vmem>>, vector<1x16xf32>,
        %get3A_932 = vector.shape_cast %get3A_931 : vector<1x16xf32> to vector<16xf32>
        %mul3A_933 = vector.broadcast %squeeze3A_875 : f32 to vector<16xf32>
        %mul3A_934 = arith.mulf %mul3A_933, %get3A_932 : vector<16xf32>
        %add3A_935 = arith.addf %add3A_873, %mul3A_934 : vector<16xf32>
        %slice3A_936 = vector.extract_strided_slice %get3A_193 {offsets = [12], sizes = [1], strides = [1]} : vector<16xf32> to vector<1xf32>
        %squeeze3A_937 = vector.extract %slice3A_936[0] : f32 from vector<1xf32>
        %mul3A_938 = arith.constant 16 : i32
        %mul3A_939 = arith.muli %scan3A_180, %mul3A_938 : i32
        %add3A_940 = arith.constant 12 : i32
        %add3A_941 = arith.addi %mul3A_939, %add3A_940 : i32
        %get3A_942 = arith.index_cast %add3A_941 : i32 to index
        %get3A_943 = arith.constant 0 : index
        %get3A_944 = tpu.vector_load %arg6[%get3A_942, %get3A_943] {strides = array<i32>} : memref<256x128xf32, #tpu.memory_space<vmem>>, vector<1x16xf32>,
        %get3A_945 = vector.shape_cast %get3A_944 : vector<1x16xf32> to vector<16xf32>
        %mul3A_946 = vector.broadcast %squeeze3A_937 : f32 to vector<16xf32>
        %mul3A_947 = arith.mulf %mul3A_946, %get3A_945 : vector<16xf32>
        %add3A_948 = arith.addf %add3A_886, %mul3A_947 : vector<16xf32>
        %get3A_949 = arith.index_cast %add3A_941 : i32 to index
        %get3A_950 = arith.constant 16 : index
        %get3A_951 = tpu.vector_load %arg6[%get3A_949, %get3A_950] {strides = array<i32>} : memref<256x128xf32, #tpu.memory_space<vmem>>, vector<1x16xf32>,
        %get3A_952 = vector.shape_cast %get3A_951 : vector<1x16xf32> to vector<16xf32>
        %mul3A_953 = vector.broadcast %squeeze3A_937 : f32 to vector<16xf32>
        %mul3A_954 = arith.mulf %mul3A_953, %get3A_952 : vector<16xf32>
        %add3A_955 = arith.addf %add3A_893, %mul3A_954 : vector<16xf32>
        %get3A_956 = arith.index_cast %add3A_941 : i32 to index
        %get3A_957 = arith.constant 32 : index
        %get3A_958 = tpu.vector_load %arg6[%get3A_956, %get3A_957] {strides = array<i32>} : memref<256x128xf32, #tpu.memory_space<vmem>>, vector<1x16xf32>,
        %get3A_959 = vector.shape_cast %get3A_958 : vector<1x16xf32> to vector<16xf32>
        %mul3A_960 = vector.broadcast %squeeze3A_937 : f32 to vector<16xf32>
        %mul3A_961 = arith.mulf %mul3A_960, %get3A_959 : vector<16xf32>
        %add3A_962 = arith.addf %add3A_900, %mul3A_961 : vector<16xf32>
        %get3A_963 = arith.index_cast %add3A_941 : i32 to index
        %get3A_964 = arith.constant 48 : index
        %get3A_965 = tpu.vector_load %arg6[%get3A_963, %get3A_964] {strides = array<i32>} : memref<256x128xf32, #tpu.memory_space<vmem>>, vector<1x16xf32>,
        %get3A_966 = vector.shape_cast %get3A_965 : vector<1x16xf32> to vector<16xf32>
        %mul3A_967 = vector.broadcast %squeeze3A_937 : f32 to vector<16xf32>
        %mul3A_968 = arith.mulf %mul3A_967, %get3A_966 : vector<16xf32>
        %add3A_969 = arith.addf %add3A_907, %mul3A_968 : vector<16xf32>
        %get3A_970 = arith.index_cast %add3A_941 : i32 to index
        %get3A_971 = arith.constant 64 : index
        %get3A_972 = tpu.vector_load %arg6[%get3A_970, %get3A_971] {strides = array<i32>} : memref<256x128xf32, #tpu.memory_space<vmem>>, vector<1x16xf32>,
        %get3A_973 = vector.shape_cast %get3A_972 : vector<1x16xf32> to vector<16xf32>
        %mul3A_974 = vector.broadcast %squeeze3A_937 : f32 to vector<16xf32>
        %mul3A_975 = arith.mulf %mul3A_974, %get3A_973 : vector<16xf32>
        %add3A_976 = arith.addf %add3A_914, %mul3A_975 : vector<16xf32>
        %get3A_977 = arith.index_cast %add3A_941 : i32 to index
        %get3A_978 = arith.constant 80 : index
        %get3A_979 = tpu.vector_load %arg6[%get3A_977, %get3A_978] {strides = array<i32>} : memref<256x128xf32, #tpu.memory_space<vmem>>, vector<1x16xf32>,
        %get3A_980 = vector.shape_cast %get3A_979 : vector<1x16xf32> to vector<16xf32>
        %mul3A_981 = vector.broadcast %squeeze3A_937 : f32 to vector<16xf32>
        %mul3A_982 = arith.mulf %mul3A_981, %get3A_980 : vector<16xf32>
        %add3A_983 = arith.addf %add3A_921, %mul3A_982 : vector<16xf32>
        %get3A_984 = arith.index_cast %add3A_941 : i32 to index
        %get3A_985 = arith.constant 96 : index
        %get3A_986 = tpu.vector_load %arg6[%get3A_984, %get3A_985] {strides = array<i32>} : memref<256x128xf32, #tpu.memory_space<vmem>>, vector<1x16xf32>,
        %get3A_987 = vector.shape_cast %get3A_986 : vector<1x16xf32> to vector<16xf32>
        %mul3A_988 = vector.broadcast %squeeze3A_937 : f32 to vector<16xf32>
        %mul3A_989 = arith.mulf %mul3A_988, %get3A_987 : vector<16xf32>
        %add3A_990 = arith.addf %add3A_928, %mul3A_989 : vector<16xf32>
        %get3A_991 = arith.index_cast %add3A_941 : i32 to index
        %get3A_992 = arith.constant 112 : index
        %get3A_993 = tpu.vector_load %arg6[%get3A_991, %get3A_992] {strides = array<i32>} : memref<256x128xf32, #tpu.memory_space<vmem>>, vector<1x16xf32>,
        %get3A_994 = vector.shape_cast %get3A_993 : vector<1x16xf32> to vector<16xf32>
        %mul3A_995 = vector.broadcast %squeeze3A_937 : f32 to vector<16xf32>
        %mul3A_996 = arith.mulf %mul3A_995, %get3A_994 : vector<16xf32>
        %add3A_997 = arith.addf %add3A_935, %mul3A_996 : vector<16xf32>
        %slice3A_998 = vector.extract_strided_slice %get3A_193 {offsets = [13], sizes = [1], strides = [1]} : vector<16xf32> to vector<1xf32>
        %squeeze3A_999 = vector.extract %slice3A_998[0] : f32 from vector<1xf32>
        %mul3A_1000 = arith.constant 16 : i32
        %mul3A_1001 = arith.muli %scan3A_180, %mul3A_1000 : i32
        %add3A_1002 = arith.constant 13 : i32
        %add3A_1003 = arith.addi %mul3A_1001, %add3A_1002 : i32
        %get3A_1004 = arith.index_cast %add3A_1003 : i32 to index
        %get3A_1005 = arith.constant 0 : index
        %get3A_1006 = tpu.vector_load %arg6[%get3A_1004, %get3A_1005] {strides = array<i32>} : memref<256x128xf32, #tpu.memory_space<vmem>>, vector<1x16xf32>,
        %get3A_1007 = vector.shape_cast %get3A_1006 : vector<1x16xf32> to vector<16xf32>
        %mul3A_1008 = vector.broadcast %squeeze3A_999 : f32 to vector<16xf32>
        %mul3A_1009 = arith.mulf %mul3A_1008, %get3A_1007 : vector<16xf32>
        %add3A_1010 = arith.addf %add3A_948, %mul3A_1009 : vector<16xf32>
        %get3A_1011 = arith.index_cast %add3A_1003 : i32 to index
        %get3A_1012 = arith.constant 16 : index
        %get3A_1013 = tpu.vector_load %arg6[%get3A_1011, %get3A_1012] {strides = array<i32>} : memref<256x128xf32, #tpu.memory_space<vmem>>, vector<1x16xf32>,
        %get3A_1014 = vector.shape_cast %get3A_1013 : vector<1x16xf32> to vector<16xf32>
        %mul3A_1015 = vector.broadcast %squeeze3A_999 : f32 to vector<16xf32>
        %mul3A_1016 = arith.mulf %mul3A_1015, %get3A_1014 : vector<16xf32>
        %add3A_1017 = arith.addf %add3A_955, %mul3A_1016 : vector<16xf32>
        %get3A_1018 = arith.index_cast %add3A_1003 : i32 to index
        %get3A_1019 = arith.constant 32 : index
        %get3A_1020 = tpu.vector_load %arg6[%get3A_1018, %get3A_1019] {strides = array<i32>} : memref<256x128xf32, #tpu.memory_space<vmem>>, vector<1x16xf32>,
        %get3A_1021 = vector.shape_cast %get3A_1020 : vector<1x16xf32> to vector<16xf32>
        %mul3A_1022 = vector.broadcast %squeeze3A_999 : f32 to vector<16xf32>
        %mul3A_1023 = arith.mulf %mul3A_1022, %get3A_1021 : vector<16xf32>
        %add3A_1024 = arith.addf %add3A_962, %mul3A_1023 : vector<16xf32>
        %get3A_1025 = arith.index_cast %add3A_1003 : i32 to index
        %get3A_1026 = arith.constant 48 : index
        %get3A_1027 = tpu.vector_load %arg6[%get3A_1025, %get3A_1026] {strides = array<i32>} : memref<256x128xf32, #tpu.memory_space<vmem>>, vector<1x16xf32>,
        %get3A_1028 = vector.shape_cast %get3A_1027 : vector<1x16xf32> to vector<16xf32>
        %mul3A_1029 = vector.broadcast %squeeze3A_999 : f32 to vector<16xf32>
        %mul3A_1030 = arith.mulf %mul3A_1029, %get3A_1028 : vector<16xf32>
        %add3A_1031 = arith.addf %add3A_969, %mul3A_1030 : vector<16xf32>
        %get3A_1032 = arith.index_cast %add3A_1003 : i32 to index
        %get3A_1033 = arith.constant 64 : index
        %get3A_1034 = tpu.vector_load %arg6[%get3A_1032, %get3A_1033] {strides = array<i32>} : memref<256x128xf32, #tpu.memory_space<vmem>>, vector<1x16xf32>,
        %get3A_1035 = vector.shape_cast %get3A_1034 : vector<1x16xf32> to vector<16xf32>
        %mul3A_1036 = vector.broadcast %squeeze3A_999 : f32 to vector<16xf32>
        %mul3A_1037 = arith.mulf %mul3A_1036, %get3A_1035 : vector<16xf32>
        %add3A_1038 = arith.addf %add3A_976, %mul3A_1037 : vector<16xf32>
        %get3A_1039 = arith.index_cast %add3A_1003 : i32 to index
        %get3A_1040 = arith.constant 80 : index
        %get3A_1041 = tpu.vector_load %arg6[%get3A_1039, %get3A_1040] {strides = array<i32>} : memref<256x128xf32, #tpu.memory_space<vmem>>, vector<1x16xf32>,
        %get3A_1042 = vector.shape_cast %get3A_1041 : vector<1x16xf32> to vector<16xf32>
        %mul3A_1043 = vector.broadcast %squeeze3A_999 : f32 to vector<16xf32>
        %mul3A_1044 = arith.mulf %mul3A_1043, %get3A_1042 : vector<16xf32>
        %add3A_1045 = arith.addf %add3A_983, %mul3A_1044 : vector<16xf32>
        %get3A_1046 = arith.index_cast %add3A_1003 : i32 to index
        %get3A_1047 = arith.constant 96 : index
        %get3A_1048 = tpu.vector_load %arg6[%get3A_1046, %get3A_1047] {strides = array<i32>} : memref<256x128xf32, #tpu.memory_space<vmem>>, vector<1x16xf32>,
        %get3A_1049 = vector.shape_cast %get3A_1048 : vector<1x16xf32> to vector<16xf32>
        %mul3A_1050 = vector.broadcast %squeeze3A_999 : f32 to vector<16xf32>
        %mul3A_1051 = arith.mulf %mul3A_1050, %get3A_1049 : vector<16xf32>
        %add3A_1052 = arith.addf %add3A_990, %mul3A_1051 : vector<16xf32>
        %get3A_1053 = arith.index_cast %add3A_1003 : i32 to index
        %get3A_1054 = arith.constant 112 : index
        %get3A_1055 = tpu.vector_load %arg6[%get3A_1053, %get3A_1054] {strides = array<i32>} : memref<256x128xf32, #tpu.memory_space<vmem>>, vector<1x16xf32>,
        %get3A_1056 = vector.shape_cast %get3A_1055 : vector<1x16xf32> to vector<16xf32>
        %mul3A_1057 = vector.broadcast %squeeze3A_999 : f32 to vector<16xf32>
        %mul3A_1058 = arith.mulf %mul3A_1057, %get3A_1056 : vector<16xf32>
        %add3A_1059 = arith.addf %add3A_997, %mul3A_1058 : vector<16xf32>
        %slice3A_1060 = vector.extract_strided_slice %get3A_193 {offsets = [14], sizes = [1], strides = [1]} : vector<16xf32> to vector<1xf32>
        %squeeze3A_1061 = vector.extract %slice3A_1060[0] : f32 from vector<1xf32>
        %mul3A_1062 = arith.constant 16 : i32
        %mul3A_1063 = arith.muli %scan3A_180, %mul3A_1062 : i32
        %add3A_1064 = arith.constant 14 : i32
        %add3A_1065 = arith.addi %mul3A_1063, %add3A_1064 : i32
        %get3A_1066 = arith.index_cast %add3A_1065 : i32 to index
        %get3A_1067 = arith.constant 0 : index
        %get3A_1068 = tpu.vector_load %arg6[%get3A_1066, %get3A_1067] {strides = array<i32>} : memref<256x128xf32, #tpu.memory_space<vmem>>, vector<1x16xf32>,
        %get3A_1069 = vector.shape_cast %get3A_1068 : vector<1x16xf32> to vector<16xf32>
        %mul3A_1070 = vector.broadcast %squeeze3A_1061 : f32 to vector<16xf32>
        %mul3A_1071 = arith.mulf %mul3A_1070, %get3A_1069 : vector<16xf32>
        %add3A_1072 = arith.addf %add3A_1010, %mul3A_1071 : vector<16xf32>
        %get3A_1073 = arith.index_cast %add3A_1065 : i32 to index
        %get3A_1074 = arith.constant 16 : index
        %get3A_1075 = tpu.vector_load %arg6[%get3A_1073, %get3A_1074] {strides = array<i32>} : memref<256x128xf32, #tpu.memory_space<vmem>>, vector<1x16xf32>,
        %get3A_1076 = vector.shape_cast %get3A_1075 : vector<1x16xf32> to vector<16xf32>
        %mul3A_1077 = vector.broadcast %squeeze3A_1061 : f32 to vector<16xf32>
        %mul3A_1078 = arith.mulf %mul3A_1077, %get3A_1076 : vector<16xf32>
        %add3A_1079 = arith.addf %add3A_1017, %mul3A_1078 : vector<16xf32>
        %get3A_1080 = arith.index_cast %add3A_1065 : i32 to index
        %get3A_1081 = arith.constant 32 : index
        %get3A_1082 = tpu.vector_load %arg6[%get3A_1080, %get3A_1081] {strides = array<i32>} : memref<256x128xf32, #tpu.memory_space<vmem>>, vector<1x16xf32>,
        %get3A_1083 = vector.shape_cast %get3A_1082 : vector<1x16xf32> to vector<16xf32>
        %mul3A_1084 = vector.broadcast %squeeze3A_1061 : f32 to vector<16xf32>
        %mul3A_1085 = arith.mulf %mul3A_1084, %get3A_1083 : vector<16xf32>
        %add3A_1086 = arith.addf %add3A_1024, %mul3A_1085 : vector<16xf32>
        %get3A_1087 = arith.index_cast %add3A_1065 : i32 to index
        %get3A_1088 = arith.constant 48 : index
        %get3A_1089 = tpu.vector_load %arg6[%get3A_1087, %get3A_1088] {strides = array<i32>} : memref<256x128xf32, #tpu.memory_space<vmem>>, vector<1x16xf32>,
        %get3A_1090 = vector.shape_cast %get3A_1089 : vector<1x16xf32> to vector<16xf32>
        %mul3A_1091 = vector.broadcast %squeeze3A_1061 : f32 to vector<16xf32>
        %mul3A_1092 = arith.mulf %mul3A_1091, %get3A_1090 : vector<16xf32>
        %add3A_1093 = arith.addf %add3A_1031, %mul3A_1092 : vector<16xf32>
        %get3A_1094 = arith.index_cast %add3A_1065 : i32 to index
        %get3A_1095 = arith.constant 64 : index
        %get3A_1096 = tpu.vector_load %arg6[%get3A_1094, %get3A_1095] {strides = array<i32>} : memref<256x128xf32, #tpu.memory_space<vmem>>, vector<1x16xf32>,
        %get3A_1097 = vector.shape_cast %get3A_1096 : vector<1x16xf32> to vector<16xf32>
        %mul3A_1098 = vector.broadcast %squeeze3A_1061 : f32 to vector<16xf32>
        %mul3A_1099 = arith.mulf %mul3A_1098, %get3A_1097 : vector<16xf32>
        %add3A_1100 = arith.addf %add3A_1038, %mul3A_1099 : vector<16xf32>
        %get3A_1101 = arith.index_cast %add3A_1065 : i32 to index
        %get3A_1102 = arith.constant 80 : index
        %get3A_1103 = tpu.vector_load %arg6[%get3A_1101, %get3A_1102] {strides = array<i32>} : memref<256x128xf32, #tpu.memory_space<vmem>>, vector<1x16xf32>,
        %get3A_1104 = vector.shape_cast %get3A_1103 : vector<1x16xf32> to vector<16xf32>
        %mul3A_1105 = vector.broadcast %squeeze3A_1061 : f32 to vector<16xf32>
        %mul3A_1106 = arith.mulf %mul3A_1105, %get3A_1104 : vector<16xf32>
        %add3A_1107 = arith.addf %add3A_1045, %mul3A_1106 : vector<16xf32>
        %get3A_1108 = arith.index_cast %add3A_1065 : i32 to index
        %get3A_1109 = arith.constant 96 : index
        %get3A_1110 = tpu.vector_load %arg6[%get3A_1108, %get3A_1109] {strides = array<i32>} : memref<256x128xf32, #tpu.memory_space<vmem>>, vector<1x16xf32>,
        %get3A_1111 = vector.shape_cast %get3A_1110 : vector<1x16xf32> to vector<16xf32>
        %mul3A_1112 = vector.broadcast %squeeze3A_1061 : f32 to vector<16xf32>
        %mul3A_1113 = arith.mulf %mul3A_1112, %get3A_1111 : vector<16xf32>
        %add3A_1114 = arith.addf %add3A_1052, %mul3A_1113 : vector<16xf32>
        %get3A_1115 = arith.index_cast %add3A_1065 : i32 to index
        %get3A_1116 = arith.constant 112 : index
        %get3A_1117 = tpu.vector_load %arg6[%get3A_1115, %get3A_1116] {strides = array<i32>} : memref<256x128xf32, #tpu.memory_space<vmem>>, vector<1x16xf32>,
        %get3A_1118 = vector.shape_cast %get3A_1117 : vector<1x16xf32> to vector<16xf32>
        %mul3A_1119 = vector.broadcast %squeeze3A_1061 : f32 to vector<16xf32>
        %mul3A_1120 = arith.mulf %mul3A_1119, %get3A_1118 : vector<16xf32>
        %add3A_1121 = arith.addf %add3A_1059, %mul3A_1120 : vector<16xf32>
        %slice3A_1122 = vector.extract_strided_slice %get3A_193 {offsets = [15], sizes = [1], strides = [1]} : vector<16xf32> to vector<1xf32>
        %squeeze3A_1123 = vector.extract %slice3A_1122[0] : f32 from vector<1xf32>
        %mul3A_1124 = arith.constant 16 : i32
        %mul3A_1125 = arith.muli %scan3A_180, %mul3A_1124 : i32
        %add3A_1126 = arith.constant 15 : i32
        %add3A_1127 = arith.addi %mul3A_1125, %add3A_1126 : i32
        %get3A_1128 = arith.index_cast %add3A_1127 : i32 to index
        %get3A_1129 = arith.constant 0 : index
        %get3A_1130 = tpu.vector_load %arg6[%get3A_1128, %get3A_1129] {strides = array<i32>} : memref<256x128xf32, #tpu.memory_space<vmem>>, vector<1x16xf32>,
        %get3A_1131 = vector.shape_cast %get3A_1130 : vector<1x16xf32> to vector<16xf32>
        %mul3A_1132 = vector.broadcast %squeeze3A_1123 : f32 to vector<16xf32>
        %mul3A_1133 = arith.mulf %mul3A_1132, %get3A_1131 : vector<16xf32>
        %add3A_1134 = arith.addf %add3A_1072, %mul3A_1133 : vector<16xf32>
        %get3A_1135 = arith.index_cast %add3A_1127 : i32 to index
        %get3A_1136 = arith.constant 16 : index
        %get3A_1137 = tpu.vector_load %arg6[%get3A_1135, %get3A_1136] {strides = array<i32>} : memref<256x128xf32, #tpu.memory_space<vmem>>, vector<1x16xf32>,
        %get3A_1138 = vector.shape_cast %get3A_1137 : vector<1x16xf32> to vector<16xf32>
        %mul3A_1139 = vector.broadcast %squeeze3A_1123 : f32 to vector<16xf32>
        %mul3A_1140 = arith.mulf %mul3A_1139, %get3A_1138 : vector<16xf32>
        %add3A_1141 = arith.addf %add3A_1079, %mul3A_1140 : vector<16xf32>
        %get3A_1142 = arith.index_cast %add3A_1127 : i32 to index
        %get3A_1143 = arith.constant 32 : index
        %get3A_1144 = tpu.vector_load %arg6[%get3A_1142, %get3A_1143] {strides = array<i32>} : memref<256x128xf32, #tpu.memory_space<vmem>>, vector<1x16xf32>,
        %get3A_1145 = vector.shape_cast %get3A_1144 : vector<1x16xf32> to vector<16xf32>
        %mul3A_1146 = vector.broadcast %squeeze3A_1123 : f32 to vector<16xf32>
        %mul3A_1147 = arith.mulf %mul3A_1146, %get3A_1145 : vector<16xf32>
        %add3A_1148 = arith.addf %add3A_1086, %mul3A_1147 : vector<16xf32>
        %get3A_1149 = arith.index_cast %add3A_1127 : i32 to index
        %get3A_1150 = arith.constant 48 : index
        %get3A_1151 = tpu.vector_load %arg6[%get3A_1149, %get3A_1150] {strides = array<i32>} : memref<256x128xf32, #tpu.memory_space<vmem>>, vector<1x16xf32>,
        %get3A_1152 = vector.shape_cast %get3A_1151 : vector<1x16xf32> to vector<16xf32>
        %mul3A_1153 = vector.broadcast %squeeze3A_1123 : f32 to vector<16xf32>
        %mul3A_1154 = arith.mulf %mul3A_1153, %get3A_1152 : vector<16xf32>
        %add3A_1155 = arith.addf %add3A_1093, %mul3A_1154 : vector<16xf32>
        %get3A_1156 = arith.index_cast %add3A_1127 : i32 to index
        %get3A_1157 = arith.constant 64 : index
        %get3A_1158 = tpu.vector_load %arg6[%get3A_1156, %get3A_1157] {strides = array<i32>} : memref<256x128xf32, #tpu.memory_space<vmem>>, vector<1x16xf32>,
        %get3A_1159 = vector.shape_cast %get3A_1158 : vector<1x16xf32> to vector<16xf32>
        %mul3A_1160 = vector.broadcast %squeeze3A_1123 : f32 to vector<16xf32>
        %mul3A_1161 = arith.mulf %mul3A_1160, %get3A_1159 : vector<16xf32>
        %add3A_1162 = arith.addf %add3A_1100, %mul3A_1161 : vector<16xf32>
        %get3A_1163 = arith.index_cast %add3A_1127 : i32 to index
        %get3A_1164 = arith.constant 80 : index
        %get3A_1165 = tpu.vector_load %arg6[%get3A_1163, %get3A_1164] {strides = array<i32>} : memref<256x128xf32, #tpu.memory_space<vmem>>, vector<1x16xf32>,
        %get3A_1166 = vector.shape_cast %get3A_1165 : vector<1x16xf32> to vector<16xf32>
        %mul3A_1167 = vector.broadcast %squeeze3A_1123 : f32 to vector<16xf32>
        %mul3A_1168 = arith.mulf %mul3A_1167, %get3A_1166 : vector<16xf32>
        %add3A_1169 = arith.addf %add3A_1107, %mul3A_1168 : vector<16xf32>
        %get3A_1170 = arith.index_cast %add3A_1127 : i32 to index
        %get3A_1171 = arith.constant 96 : index
        %get3A_1172 = tpu.vector_load %arg6[%get3A_1170, %get3A_1171] {strides = array<i32>} : memref<256x128xf32, #tpu.memory_space<vmem>>, vector<1x16xf32>,
        %get3A_1173 = vector.shape_cast %get3A_1172 : vector<1x16xf32> to vector<16xf32>
        %mul3A_1174 = vector.broadcast %squeeze3A_1123 : f32 to vector<16xf32>
        %mul3A_1175 = arith.mulf %mul3A_1174, %get3A_1173 : vector<16xf32>
        %add3A_1176 = arith.addf %add3A_1114, %mul3A_1175 : vector<16xf32>
        %get3A_1177 = arith.index_cast %add3A_1127 : i32 to index
        %get3A_1178 = arith.constant 112 : index
        %get3A_1179 = tpu.vector_load %arg6[%get3A_1177, %get3A_1178] {strides = array<i32>} : memref<256x128xf32, #tpu.memory_space<vmem>>, vector<1x16xf32>,
        %get3A_1180 = vector.shape_cast %get3A_1179 : vector<1x16xf32> to vector<16xf32>
        %mul3A_1181 = vector.broadcast %squeeze3A_1123 : f32 to vector<16xf32>
        %mul3A_1182 = arith.mulf %mul3A_1181, %get3A_1180 : vector<16xf32>
        %add3A_1183 = arith.addf %add3A_1121, %mul3A_1182 : vector<16xf32>
        scf.yield %add3A_1134, %add3A_1141, %add3A_1148, %add3A_1155, %add3A_1162, %add3A_1169, %add3A_1176, %add3A_1183 : vector<16xf32>, vector<16xf32>, vector<16xf32>, vector<16xf32>, vector<16xf32>, vector<16xf32>, vector<16xf32>, vector<16xf32>
      }
      %scan3A_132 = arith.constant 16 : i32
      %swap3A_133 = arith.index_cast %add3A_102 : i32 to index
      %swap3A_134 = arith.constant 0 : index
      %swap3A_135 = tpu.vector_load %arg8[%swap3A_133, %swap3A_134] {strides = array<i32>} : memref<16x128xf32, #tpu.memory_space<vmem>>, vector<1x16xf32>,
      %swap3A_136 = vector.shape_cast %swap3A_135 : vector<1x16xf32> to vector<16xf32>
      %swap3A_137 = vector.shape_cast %scan3A_131#0 : vector<16xf32> to vector<1x16xf32>
      tpu.vector_store %arg8[%swap3A_133, %swap3A_134], %swap3A_137 {strides = array<i32>} : memref<16x128xf32, #tpu.memory_space<vmem>>, vector<1x16xf32>,
      %swap3A_138 = arith.index_cast %add3A_102 : i32 to index
      %swap3A_139 = arith.constant 16 : index
      %swap3A_140 = tpu.vector_load %arg8[%swap3A_138, %swap3A_139] {strides = array<i32>} : memref<16x128xf32, #tpu.memory_space<vmem>>, vector<1x16xf32>,
      %swap3A_141 = vector.shape_cast %swap3A_140 : vector<1x16xf32> to vector<16xf32>
      %swap3A_142 = vector.shape_cast %scan3A_131#1 : vector<16xf32> to vector<1x16xf32>
      tpu.vector_store %arg8[%swap3A_138, %swap3A_139], %swap3A_142 {strides = array<i32>} : memref<16x128xf32, #tpu.memory_space<vmem>>, vector<1x16xf32>,
      %swap3A_143 = arith.index_cast %add3A_102 : i32 to index
      %swap3A_144 = arith.constant 32 : index
      %swap3A_145 = tpu.vector_load %arg8[%swap3A_143, %swap3A_144] {strides = array<i32>} : memref<16x128xf32, #tpu.memory_space<vmem>>, vector<1x16xf32>,
      %swap3A_146 = vector.shape_cast %swap3A_145 : vector<1x16xf32> to vector<16xf32>
      %swap3A_147 = vector.shape_cast %scan3A_131#2 : vector<16xf32> to vector<1x16xf32>
      tpu.vector_store %arg8[%swap3A_143, %swap3A_144], %swap3A_147 {strides = array<i32>} : memref<16x128xf32, #tpu.memory_space<vmem>>, vector<1x16xf32>,
      %swap3A_148 = arith.index_cast %add3A_102 : i32 to index
      %swap3A_149 = arith.constant 48 : index
      %swap3A_150 = tpu.vector_load %arg8[%swap3A_148, %swap3A_149] {strides = array<i32>} : memref<16x128xf32, #tpu.memory_space<vmem>>, vector<1x16xf32>,
      %swap3A_151 = vector.shape_cast %swap3A_150 : vector<1x16xf32> to vector<16xf32>
      %swap3A_152 = vector.shape_cast %scan3A_131#3 : vector<16xf32> to vector<1x16xf32>
      tpu.vector_store %arg8[%swap3A_148, %swap3A_149], %swap3A_152 {strides = array<i32>} : memref<16x128xf32, #tpu.memory_space<vmem>>, vector<1x16xf32>,
      %swap3A_153 = arith.index_cast %add3A_102 : i32 to index
      %swap3A_154 = arith.constant 64 : index
      %swap3A_155 = tpu.vector_load %arg8[%swap3A_153, %swap3A_154] {strides = array<i32>} : memref<16x128xf32, #tpu.memory_space<vmem>>, vector<1x16xf32>,
      %swap3A_156 = vector.shape_cast %swap3A_155 : vector<1x16xf32> to vector<16xf32>
      %swap3A_157 = vector.shape_cast %scan3A_131#4 : vector<16xf32> to vector<1x16xf32>
      tpu.vector_store %arg8[%swap3A_153, %swap3A_154], %swap3A_157 {strides = array<i32>} : memref<16x128xf32, #tpu.memory_space<vmem>>, vector<1x16xf32>,
      %swap3A_158 = arith.index_cast %add3A_102 : i32 to index
      %swap3A_159 = arith.constant 80 : index
      %swap3A_160 = tpu.vector_load %arg8[%swap3A_158, %swap3A_159] {strides = array<i32>} : memref<16x128xf32, #tpu.memory_space<vmem>>, vector<1x16xf32>,
      %swap3A_161 = vector.shape_cast %swap3A_160 : vector<1x16xf32> to vector<16xf32>
      %swap3A_162 = vector.shape_cast %scan3A_131#5 : vector<16xf32> to vector<1x16xf32>
      tpu.vector_store %arg8[%swap3A_158, %swap3A_159], %swap3A_162 {strides = array<i32>} : memref<16x128xf32, #tpu.memory_space<vmem>>, vector<1x16xf32>,
      %swap3A_163 = arith.index_cast %add3A_102 : i32 to index
      %swap3A_164 = arith.constant 96 : index
      %swap3A_165 = tpu.vector_load %arg8[%swap3A_163, %swap3A_164] {strides = array<i32>} : memref<16x128xf32, #tpu.memory_space<vmem>>, vector<1x16xf32>,
      %swap3A_166 = vector.shape_cast %swap3A_165 : vector<1x16xf32> to vector<16xf32>
      %swap3A_167 = vector.shape_cast %scan3A_131#6 : vector<16xf32> to vector<1x16xf32>
      tpu.vector_store %arg8[%swap3A_163, %swap3A_164], %swap3A_167 {strides = array<i32>} : memref<16x128xf32, #tpu.memory_space<vmem>>, vector<1x16xf32>,
      %swap3A_168 = arith.index_cast %add3A_102 : i32 to index
      %swap3A_169 = arith.constant 112 : index
      %swap3A_170 = tpu.vector_load %arg8[%swap3A_168, %swap3A_169] {strides = array<i32>} : memref<16x128xf32, #tpu.memory_space<vmem>>, vector<1x16xf32>,
      %swap3A_171 = vector.shape_cast %swap3A_170 : vector<1x16xf32> to vector<16xf32>
      %swap3A_172 = vector.shape_cast %scan3A_131#7 : vector<16xf32> to vector<1x16xf32>
      tpu.vector_store %arg8[%swap3A_168, %swap3A_169], %swap3A_172 {strides = array<i32>} : memref<16x128xf32, #tpu.memory_space<vmem>>, vector<1x16xf32>,
      %add3A_173 = arith.constant 2 : i32
      %add3A_174 = arith.addi %add3A_102, %add3A_173 : i32
      %lt3A_175 = arith.constant 16 : i32
      %lt3A_176 = arith.cmpi slt, %add3A_174, %lt3A_175 : i32
      %convert_element_type3A_177 = arith.extui %lt3A_176 : i1 to i32
      %cond3A_178 = arith.constant 0 : i32
      %cond3A_179 = arith.cmpi ne, %convert_element_type3A_177, %cond3A_178 : i32
      scf.if %cond3A_179 {
        %add3A_180 = arith.addi %mul3A_2, %add3A_102 : i32
        %add3A_181 = arith.constant 2 : i32
        %add3A_182 = arith.addi %add3A_180, %add3A_181 : i32
        %dma_start3A_183 = arith.constant 0 : i32
        %dma_start3A_184 = arith.constant 0 : i32
        %dma_start3A_185 = tpu.memref_slice %arg2[%add3A_182, %dma_start3A_183, %dma_start3A_184] : memref<2048x256x128xf32, #tpu.memory_space<hbm>> -> memref<1x256x128xf32, #tpu.memory_space<hbm>>
        %dma_start3A_186 = tpu.memref_squeeze %dma_start3A_185 : memref<1x256x128xf32, #tpu.memory_space<hbm>> -> memref<256x128xf32, #tpu.memory_space<hbm>>
        %dma_start3A_187 = arith.constant 0 : i32
        %dma_start3A_188 = arith.constant 0 : i32
        %dma_start3A_189 = tpu.memref_slice %arg2[%add3A_182, %dma_start3A_187, %dma_start3A_188] : memref<2048x256x128xf32, #tpu.memory_space<hbm>> -> memref<1x256x128xf32, #tpu.memory_space<hbm>>
        %dma_start3A_190 = tpu.memref_squeeze %dma_start3A_189 : memref<1x256x128xf32, #tpu.memory_space<hbm>> -> memref<256x128xf32, #tpu.memory_space<hbm>>
        tpu.enqueue_dma source(%dma_start3A_190 : memref<256x128xf32, #tpu.memory_space<hbm>>) target(%arg6 : memref<256x128xf32, #tpu.memory_space<vmem>>) target_semaphore(%arg10 : memref<!tpu.dma_semaphore, #tpu.memory_space<semaphore_mem>>)
      } else {
      }
    }
    %scan3A_24 = arith.constant 8 : i32
    "tpu.region"() ({
      %run_scoped3A = tpu.sem_alloc : memref<!tpu.dma_semaphore, #tpu.memory_space<semaphore_mem>>
      %dma_start3A_25 = arith.constant 0 : i32
      %dma_start3A_26 = tpu.memref_slice %arg4[%mul3A_2, %dma_start3A_25] : memref<512x128xf32, #tpu.memory_space<hbm>> -> memref<16x128xf32, #tpu.memory_space<hbm>>
      %dma_start3A_27 = arith.constant 0 : i32
      %dma_start3A_28 = tpu.memref_slice %arg4[%mul3A_2, %dma_start3A_27] : memref<512x128xf32, #tpu.memory_space<hbm>> -> memref<16x128xf32, #tpu.memory_space<hbm>>
      tpu.enqueue_dma source(%arg8 : memref<16x128xf32, #tpu.memory_space<vmem>>) target(%dma_start3A_28 : memref<16x128xf32, #tpu.memory_space<hbm>>) target_semaphore(%run_scoped3A : memref<!tpu.dma_semaphore, #tpu.memory_space<semaphore_mem>>)
      %dma_wait3A = arith.constant 0 : i32
      %dma_wait3A_29 = tpu.memref_slice %arg4[%mul3A_2, %dma_wait3A] : memref<512x128xf32, #tpu.memory_space<hbm>> -> memref<16x128xf32, #tpu.memory_space<hbm>>
      %dma_wait3A_30 = arith.constant 0 : i32
      %dma_wait3A_31 = tpu.memref_slice %arg4[%mul3A_2, %dma_wait3A_30] : memref<512x128xf32, #tpu.memory_space<hbm>> -> memref<16x128xf32, #tpu.memory_space<hbm>>
      tpu.wait_dma2 semaphore(%run_scoped3A : memref<!tpu.dma_semaphore, #tpu.memory_space<semaphore_mem>>) src(%arg8 : memref<16x128xf32, #tpu.memory_space<vmem>>) dst(%dma_wait3A_31 : memref<16x128xf32, #tpu.memory_space<hbm>>)
      tpu.yield
    }) : () -> ()
    return
  }
}

module attributes {stable_mosaic.version = 14 : i64} {
  func.func @_tc_stream_kernel(%arg0: i32, %arg1: i32, %arg2: memref<1x256x128xf32, #tpu.memory_space<vmem>>, %arg3: memref<128x128xf32, #tpu.memory_space<vmem>>, %arg4: memref<128x128xf32, #tpu.memory_space<vmem>>, %arg5: memref<1x64x256x128xf32, #tpu.memory_space<vmem>>, %arg6: memref<1x64x128xf32, #tpu.memory_space<vmem>>, %arg7: memref<128x128xf32, #tpu.memory_space<vmem>>) attributes {dimension_semantics = [#tpu.dimension_semantics<arbitrary>, #tpu.dimension_semantics<arbitrary>], iteration_bounds = array<i64: 6, 4>, scalar_prefetch = 0 : i64, scratch_operands = 1 : i64, tpu.core_type = #tpu.core_type<tc>, window_params = [{transform_indices = @transform_0, window_bounds = array<i64: 1, 256, 128>}, {pipeline_mode = #tpu.pipeline_mode<synchronous>, transform_indices = @transform_1, window_bounds = array<i64: 128, 128>}, {pipeline_mode = #tpu.pipeline_mode<synchronous>, transform_indices = @transform_2, window_bounds = array<i64: 128, 128>}, {transform_indices = @transform_3, window_bounds = array<i64: 1, 64, 256, 128>}, {transform_indices = @transform_4, window_bounds = array<i64: 1, 64, 128>}]} {
    %eq3A = arith.constant 0 : i32
    %eq3A_0 = arith.cmpi eq, %arg0, %eq3A : i32
    %eq3A_1 = arith.constant 0 : i32
    %eq3A_2 = arith.cmpi eq, %arg1, %eq3A_1 : i32
    %and3A = arith.andi %eq3A_0, %eq3A_2 : i1
    %convert_element_type3A = arith.extui %and3A : i1 to i32
    %cond3A = arith.constant 0 : i32
    %cond3A_3 = arith.cmpi ne, %convert_element_type3A, %cond3A : i32
    scf.if %cond3A_3 {
      %get3A_38 = arith.constant 0 : index
      %get3A_39 = arith.constant 0 : index
      %get3A_40 = vector.load %arg3[%get3A_38, %get3A_39] : memref<128x128xf32, #tpu.memory_space<vmem>>, vector<128x128xf32>
      %transpose3A_41 = tpu.transpose %get3A_40, [1, 0] : vector<128x128xf32> -> vector<128x128xf32>
      %get3A_42 = arith.constant 0 : index
      %get3A_43 = arith.constant 0 : index
      %get3A_44 = vector.load %arg4[%get3A_42, %get3A_43] : memref<128x128xf32, #tpu.memory_space<vmem>>, vector<128x128xf32>
      %dot_general3A_45 = arith.constant dense<0.000000e+00> : vector<128x128xf32>
      %dot_general3A_46 = tpu.matmul %transpose3A_41, %get3A_44, %dot_general3A_45 {dimension_numbers = #tpu.dot_dimension_numbers<[1], [0], [0], [1], [0, 0, 1, 1], [], []>, transpose_lhs_hint = false} : vector<128x128xf32>, vector<128x128xf32>, vector<128x128xf32> -> vector<128x128xf32>
      %mul3A_47 = arith.constant 0.0883883461 : f32
      %mul3A_48 = vector.broadcast %mul3A_47 : f32 to vector<128x128xf32>
      %mul3A_49 = arith.mulf %dot_general3A_46, %mul3A_48 : vector<128x128xf32>
      %swap3A_50 = arith.constant 0 : index
      %swap3A_51 = arith.constant 0 : index
      %swap3A_52 = vector.load %arg7[%swap3A_50, %swap3A_51] : memref<128x128xf32, #tpu.memory_space<vmem>>, vector<128x128xf32>
      tpu.vector_store %arg7[%swap3A_50, %swap3A_51], %mul3A_49 {strides = array<i32>} : memref<128x128xf32, #tpu.memory_space<vmem>>, vector<128x128xf32>,
    } else {
    }
    %mul3A = arith.constant 64 : i32
    %mul3A_4 = arith.muli %arg1, %mul3A : i32
    %get3A = arith.constant 0 : index
    %get3A_5 = arith.index_cast %mul3A_4 : i32 to index
    %get3A_6 = arith.constant 0 : index
    %get3A_7 = vector.load %arg2[%get3A, %get3A_5, %get3A_6] : memref<1x256x128xf32, #tpu.memory_space<vmem>>, vector<1x64x128xf32>
    %get3A_8 = vector.shape_cast %get3A_7 : vector<1x64x128xf32> to vector<64x128xf32>
    %get3A_9 = arith.constant 0 : index
    %get3A_10 = arith.constant 0 : index
    %get3A_11 = vector.load %arg7[%get3A_9, %get3A_10] : memref<128x128xf32, #tpu.memory_space<vmem>>, vector<128x128xf32>
    %dot_general3A = arith.constant dense<0.000000e+00> : vector<64x128xf32>
    %dot_general3A_12 = tpu.matmul %get3A_8, %get3A_11, %dot_general3A {dimension_numbers = #tpu.dot_dimension_numbers<[1], [0], [0], [1], [0, 0, 1, 1], [], []>, transpose_lhs_hint = false} : vector<64x128xf32>, vector<128x128xf32>, vector<64x128xf32> -> vector<64x128xf32>
    %get3A_13 = arith.constant 0 : index
    %get3A_14 = arith.constant 0 : index
    %get3A_15 = arith.constant 0 : index
    %get3A_16 = vector.load %arg2[%get3A_13, %get3A_14, %get3A_15] : memref<1x256x128xf32, #tpu.memory_space<vmem>>, vector<1x256x128xf32>
    %get3A_17 = vector.shape_cast %get3A_16 : vector<1x256x128xf32> to vector<256x128xf32>
    %transpose3A = tpu.transpose %get3A_17, [1, 0] : vector<256x128xf32> -> vector<128x256xf32>
    %dot_general3A_18 = arith.constant dense<0.000000e+00> : vector<64x256xf32>
    %dot_general3A_19 = tpu.matmul %dot_general3A_12, %transpose3A, %dot_general3A_18 {dimension_numbers = #tpu.dot_dimension_numbers<[1], [0], [0], [1], [0, 0, 1, 1], [], []>, transpose_lhs_hint = false} : vector<64x128xf32>, vector<128x256xf32>, vector<64x256xf32> -> vector<64x256xf32>
    %reduce_max3A = arith.constant dense<0xFF800000> : vector<64xf32>
    %reduce_max3A_20 = vector.multi_reduction <maximumf>, %dot_general3A_19, %reduce_max3A [1] : vector<64x256xf32> to vector<64xf32>
    %broadcast_in_dim3A = vector.shape_cast %reduce_max3A_20 : vector<64xf32> to vector<64x1xf32>
    %sub3A = vector.broadcast %broadcast_in_dim3A : vector<64x1xf32> to vector<64x256xf32>
    %sub3A_21 = arith.subf %dot_general3A_19, %sub3A : vector<64x256xf32>
    %exp3A = math.exp %sub3A_21 : vector<64x256xf32>
    %get3A_22 = arith.constant 0 : index
    %get3A_23 = arith.constant 0 : index
    %get3A_24 = arith.constant 0 : index
    %get3A_25 = arith.constant 0 : index
    %get3A_26 = vector.load %arg5[%get3A_22, %get3A_23, %get3A_24, %get3A_25] : memref<1x64x256x128xf32, #tpu.memory_space<vmem>>, vector<1x64x256x128xf32>
    %get3A_27 = vector.shape_cast %get3A_26 : vector<1x64x256x128xf32> to vector<64x256x128xf32>
    %dot_general3A_28 = arith.constant dense<0.000000e+00> : vector<64x128xf32>
    %dot_general3A_29 = tpu.matmul %exp3A, %get3A_27, %dot_general3A_28 {dimension_numbers = #tpu.dot_dimension_numbers<[1], [1], [], [2], [0, 0, 1, 2], [0], [0]>, transpose_lhs_hint = false} : vector<64x256xf32>, vector<64x256x128xf32>, vector<64x128xf32> -> vector<64x128xf32>
    %reduce_sum3A = arith.constant dense<0.000000e+00> : vector<64xf32>
    %reduce_sum3A_30 = vector.multi_reduction <add>, %exp3A, %reduce_sum3A [1] : vector<64x256xf32> to vector<64xf32>
    %broadcast_in_dim3A_31 = vector.shape_cast %reduce_sum3A_30 : vector<64xf32> to vector<64x1xf32>
    %div3A = vector.broadcast %broadcast_in_dim3A_31 : vector<64x1xf32> to vector<64x128xf32>
    %div3A_32 = arith.divf %dot_general3A_29, %div3A : vector<64x128xf32>
    %swap3A = arith.constant 0 : index
    %swap3A_33 = arith.constant 0 : index
    %swap3A_34 = arith.constant 0 : index
    %swap3A_35 = vector.load %arg6[%swap3A, %swap3A_33, %swap3A_34] : memref<1x64x128xf32, #tpu.memory_space<vmem>>, vector<1x64x128xf32>
    %swap3A_36 = vector.shape_cast %swap3A_35 : vector<1x64x128xf32> to vector<64x128xf32>
    %swap3A_37 = vector.shape_cast %div3A_32 : vector<64x128xf32> to vector<1x64x128xf32>
    tpu.vector_store %arg6[%swap3A, %swap3A_33, %swap3A_34], %swap3A_37 {strides = array<i32>} : memref<1x64x128xf32, #tpu.memory_space<vmem>>, vector<1x64x128xf32>,
    return
  }
  func.func @transform_0(%arg0: i32, %arg1: i32) -> (i32, i32, i32) {
    %add3A = arith.constant 2 : i32
    %add3A_0 = arith.addi %arg0, %add3A : i32
    %c0_i32 = arith.constant 0 : i32
    %c0_i32_1 = arith.constant 0 : i32
    %c0_i32_2 = arith.constant 0 : i32
    return %add3A_0, %c0_i32, %c0_i32_1 : i32, i32, i32
  }
  func.func @transform_1(%arg0: i32, %arg1: i32) -> (i32, i32) {
    %c0_i32 = arith.constant 0 : i32
    %c0_i32_0 = arith.constant 0 : i32
    %c0_i32_1 = arith.constant 0 : i32
    return %c0_i32, %c0_i32_0 : i32, i32
  }
  func.func @transform_2(%arg0: i32, %arg1: i32) -> (i32, i32) {
    %c0_i32 = arith.constant 0 : i32
    %c0_i32_0 = arith.constant 0 : i32
    %c0_i32_1 = arith.constant 0 : i32
    return %c0_i32, %c0_i32_0 : i32, i32
  }
  func.func @transform_3(%arg0: i32, %arg1: i32) -> (i32, i32, i32, i32) {
    %add3A = arith.constant 2 : i32
    %add3A_0 = arith.addi %arg0, %add3A : i32
    %c0_i32 = arith.constant 0 : i32
    %c0_i32_1 = arith.constant 0 : i32
    %c0_i32_2 = arith.constant 0 : i32
    return %add3A_0, %arg1, %c0_i32, %c0_i32_1 : i32, i32, i32, i32
  }
  func.func @transform_4(%arg0: i32, %arg1: i32) -> (i32, i32, i32) {
    %c0_i32 = arith.constant 0 : i32
    %c0_i32_0 = arith.constant 0 : i32
    return %arg0, %arg1, %c0_i32 : i32, i32, i32
  }
}

module attributes {stable_mosaic.version = 14 : i64} {
  func.func @_attn_weights_kernel(%arg0: i32, %arg1: memref<1x256x128xf32, #tpu.memory_space<vmem>>, %arg2: memref<128x128xf32, #tpu.memory_space<vmem>>, %arg3: memref<128x128xf32, #tpu.memory_space<vmem>>, %arg4: memref<1x256x256xf32, #tpu.memory_space<vmem>>, %arg5: memref<128x128xf32, #tpu.memory_space<vmem>>) attributes {dimension_semantics = [#tpu.dimension_semantics<arbitrary>], iteration_bounds = array<i64: 2>, scalar_prefetch = 0 : i64, scratch_operands = 1 : i64, tpu.core_type = #tpu.core_type<tc>, window_params = [{transform_indices = @transform_0, window_bounds = array<i64: 1, 256, 128>}, {pipeline_mode = #tpu.pipeline_mode<synchronous>, transform_indices = @transform_1, window_bounds = array<i64: 128, 128>}, {pipeline_mode = #tpu.pipeline_mode<synchronous>, transform_indices = @transform_2, window_bounds = array<i64: 128, 128>}, {transform_indices = @transform_3, window_bounds = array<i64: 1, 256, 256>}]} {
    %eq3A = arith.constant 0 : i32
    %eq3A_0 = arith.cmpi eq, %arg0, %eq3A : i32
    %convert_element_type3A = arith.extui %eq3A_0 : i1 to i32
    %cond3A = arith.constant 0 : i32
    %cond3A_1 = arith.cmpi ne, %convert_element_type3A, %cond3A : i32
    scf.if %cond3A_1 {
      %get3A_27 = arith.constant 0 : index
      %get3A_28 = arith.constant 0 : index
      %get3A_29 = vector.load %arg2[%get3A_27, %get3A_28] : memref<128x128xf32, #tpu.memory_space<vmem>>, vector<128x128xf32>
      %transpose3A_30 = tpu.transpose %get3A_29, [1, 0] : vector<128x128xf32> -> vector<128x128xf32>
      %get3A_31 = arith.constant 0 : index
      %get3A_32 = arith.constant 0 : index
      %get3A_33 = vector.load %arg3[%get3A_31, %get3A_32] : memref<128x128xf32, #tpu.memory_space<vmem>>, vector<128x128xf32>
      %dot_general3A_34 = arith.constant dense<0.000000e+00> : vector<128x128xf32>
      %dot_general3A_35 = tpu.matmul %transpose3A_30, %get3A_33, %dot_general3A_34 {dimension_numbers = #tpu.dot_dimension_numbers<[1], [0], [0], [1], [0, 0, 1, 1], [], []>, transpose_lhs_hint = false} : vector<128x128xf32>, vector<128x128xf32>, vector<128x128xf32> -> vector<128x128xf32>
      %mul3A = arith.constant 0.0883883461 : f32
      %mul3A_36 = vector.broadcast %mul3A : f32 to vector<128x128xf32>
      %mul3A_37 = arith.mulf %dot_general3A_35, %mul3A_36 : vector<128x128xf32>
      %swap3A_38 = arith.constant 0 : index
      %swap3A_39 = arith.constant 0 : index
      %swap3A_40 = vector.load %arg5[%swap3A_38, %swap3A_39] : memref<128x128xf32, #tpu.memory_space<vmem>>, vector<128x128xf32>
      tpu.vector_store %arg5[%swap3A_38, %swap3A_39], %mul3A_37 {strides = array<i32>} : memref<128x128xf32, #tpu.memory_space<vmem>>, vector<128x128xf32>,
    } else {
    }
    %get3A = arith.constant 0 : index
    %get3A_2 = arith.constant 0 : index
    %get3A_3 = arith.constant 0 : index
    %get3A_4 = vector.load %arg1[%get3A, %get3A_2, %get3A_3] : memref<1x256x128xf32, #tpu.memory_space<vmem>>, vector<1x256x128xf32>
    %get3A_5 = vector.shape_cast %get3A_4 : vector<1x256x128xf32> to vector<256x128xf32>
    %get3A_6 = arith.constant 0 : index
    %get3A_7 = arith.constant 0 : index
    %get3A_8 = vector.load %arg5[%get3A_6, %get3A_7] : memref<128x128xf32, #tpu.memory_space<vmem>>, vector<128x128xf32>
    %dot_general3A = arith.constant dense<0.000000e+00> : vector<256x128xf32>
    %dot_general3A_9 = tpu.matmul %get3A_5, %get3A_8, %dot_general3A {dimension_numbers = #tpu.dot_dimension_numbers<[1], [0], [0], [1], [0, 0, 1, 1], [], []>, transpose_lhs_hint = false} : vector<256x128xf32>, vector<128x128xf32>, vector<256x128xf32> -> vector<256x128xf32>
    %get3A_10 = arith.constant 0 : index
    %get3A_11 = arith.constant 0 : index
    %get3A_12 = arith.constant 0 : index
    %get3A_13 = vector.load %arg1[%get3A_10, %get3A_11, %get3A_12] : memref<1x256x128xf32, #tpu.memory_space<vmem>>, vector<1x256x128xf32>
    %get3A_14 = vector.shape_cast %get3A_13 : vector<1x256x128xf32> to vector<256x128xf32>
    %transpose3A = tpu.transpose %get3A_14, [1, 0] : vector<256x128xf32> -> vector<128x256xf32>
    %dot_general3A_15 = arith.constant dense<0.000000e+00> : vector<256x256xf32>
    %dot_general3A_16 = tpu.matmul %dot_general3A_9, %transpose3A, %dot_general3A_15 {dimension_numbers = #tpu.dot_dimension_numbers<[1], [0], [0], [1], [0, 0, 1, 1], [], []>, transpose_lhs_hint = false} : vector<256x128xf32>, vector<128x256xf32>, vector<256x256xf32> -> vector<256x256xf32>
    %reduce_max3A = arith.constant dense<0xFF800000> : vector<256xf32>
    %reduce_max3A_17 = vector.multi_reduction <maximumf>, %dot_general3A_16, %reduce_max3A [1] : vector<256x256xf32> to vector<256xf32>
    %broadcast_in_dim3A = vector.shape_cast %reduce_max3A_17 : vector<256xf32> to vector<256x1xf32>
    %sub3A = vector.broadcast %broadcast_in_dim3A : vector<256x1xf32> to vector<256x256xf32>
    %sub3A_18 = arith.subf %dot_general3A_16, %sub3A : vector<256x256xf32>
    %exp3A = math.exp %sub3A_18 : vector<256x256xf32>
    %reduce_sum3A = arith.constant dense<0.000000e+00> : vector<256xf32>
    %reduce_sum3A_19 = vector.multi_reduction <add>, %exp3A, %reduce_sum3A [1] : vector<256x256xf32> to vector<256xf32>
    %broadcast_in_dim3A_20 = vector.shape_cast %reduce_sum3A_19 : vector<256xf32> to vector<256x1xf32>
    %div3A = vector.broadcast %broadcast_in_dim3A_20 : vector<256x1xf32> to vector<256x256xf32>
    %div3A_21 = arith.divf %exp3A, %div3A : vector<256x256xf32>
    %swap3A = arith.constant 0 : index
    %swap3A_22 = arith.constant 0 : index
    %swap3A_23 = arith.constant 0 : index
    %swap3A_24 = vector.load %arg4[%swap3A, %swap3A_22, %swap3A_23] : memref<1x256x256xf32, #tpu.memory_space<vmem>>, vector<1x256x256xf32>
    %swap3A_25 = vector.shape_cast %swap3A_24 : vector<1x256x256xf32> to vector<256x256xf32>
    %swap3A_26 = vector.shape_cast %div3A_21 : vector<256x256xf32> to vector<1x256x256xf32>
    tpu.vector_store %arg4[%swap3A, %swap3A_22, %swap3A_23], %swap3A_26 {strides = array<i32>} : memref<1x256x256xf32, #tpu.memory_space<vmem>>, vector<1x256x256xf32>,
    return
  }
  func.func @transform_0(%arg0: i32) -> (i32, i32, i32) {
    %c0_i32 = arith.constant 0 : i32
    %c0_i32_0 = arith.constant 0 : i32
    %c0_i32_1 = arith.constant 0 : i32
    return %arg0, %c0_i32, %c0_i32_0 : i32, i32, i32
  }
  func.func @transform_1(%arg0: i32) -> (i32, i32) {
    %c0_i32 = arith.constant 0 : i32
    %c0_i32_0 = arith.constant 0 : i32
    %c0_i32_1 = arith.constant 0 : i32
    return %c0_i32, %c0_i32_0 : i32, i32
  }
  func.func @transform_2(%arg0: i32) -> (i32, i32) {
    %c0_i32 = arith.constant 0 : i32
    %c0_i32_0 = arith.constant 0 : i32
    %c0_i32_1 = arith.constant 0 : i32
    return %c0_i32, %c0_i32_0 : i32, i32
  }
  func.func @transform_3(%arg0: i32) -> (i32, i32, i32) {
    %c0_i32 = arith.constant 0 : i32
    %c0_i32_0 = arith.constant 0 : i32
    %c0_i32_1 = arith.constant 0 : i32
    return %arg0, %c0_i32, %c0_i32_0 : i32, i32, i32
  }
}

</mosaic_0001>

<sc_bundles>
// kernel: kernel.5.cloned.1.call-start
scs
__scs_entry_jumppad:
0x0: {  	(pc) =	sbr.rel $0x88, $3  }
0x1: {  	(tag) =	ssettag $0x0;
	lr =	simm.s32 $0x1  }
0x2: {  	[smem:$0x3F9D] =	sst lr;
	_ =	strace $0xD0000000  }
0x3: {  	_ = 	snop  }
0x4: {  	_ = 	snop  }
0x5: {  	_ = 	snop  }
0x6: {  	_ = 	snop  }
0x7: {  	_ = 	snop  }
__scs_overlays_trampoline_lowered:
0x8: {  	[smem:$0x3FAC] =	sst s0  }
0x9: {  	[smem:$0x3FAD] =	sst s1  }
0xa: {  	[smem:$0x3FAE] =	sst s2  }
0xb: {  	[smem:$0x3FAF] =	sst s3  }
0xc: {  	[smem:$0x3FB0] =	sst s4  }
0xd: {  	[smem:$0x3FB1] =	sst s5  }
0xe: {  	[smem:$0x3FB2] =	sst s6  }
0xf: {  	[smem:$0x3FB3] =	sst s7  }
0x10: {  	[smem:$0x3FB4] =	sst s8  }
0x11: {  	[smem:$0x3FB5] =	sst s9;
	s0 =	simm.s32 @!p0 $0x0  }
0x12: {  	s1 =	sld [smem:$0x3F9B];
	s0 =	simm.s32 @p0 $0x1  }
0x13: {  	[smem:$0x3FB6] =	sst s0;
	s0 =	simm.s32 @!p1 $0x0  }
0x14: {  	s2 =	sld [smem:$0x3F9A];
	s0 =	simm.s32 @p1 $0x1  }
0x15: {  	[smem:$0x3FB7] =	sst s0;
	s0 =	simm.s32 @!p2 $0x0  }
0x16: {  	s3 =	sld [smem:$0x3FDB];
	s0 =	simm.s32 @p2 $0x1  }
0x17: {  	s4 =	simm.s32 $0x1BF5;
	[smem:$0x3FB9] =	sst s0  }
0x18: {  	s0 =	sld [smem:$0x3F9C];
	_ =	swait.ge [sflag:s4], $0x0  }
0x19: {  	s7 =	sld [smem:$0x3F9D]  }
0x1a: {  	s8 =	sadd.s32 $0xFFFFE003, lr  }
0x1b: {  	s9 =	sadd.s32 $0xFFFFFEF7, lr;
	s5 =	simm.s32 $0xFFFFFFFF;
	p2 =	slt.u32 s8, $0xFFFFF086  }
0x1c: {  	p1 =	slt.u32 s9, $0xF7A;
	s5 =	simm.s32 @!p2 $0x0  }
0x1d: {  	s5 =	simm.s32 @p1 $0x1;
	p0 =	seq.s32 s7, s2  }
0x1e: {  	s7 =	smul.u32 @!p0 $0xF7A, s2;
	p2 =	seq.s32 @!p0 s5, $0x0  }
0x1f: {  	s9 =	smul.u32 $0xF7A, s1;
	s8 =	simm.s32 @!p0 $0x1BF5;
	p2 =	por !p2, p0  }
0x20: {  	[sflag:s8] =	ssyncset.s32 @!p0 $0xFFFFF086;
	s6 =	sadd.s32 @!p0 s3, s7;
	s7 =	simm.s32 @!p0 $0x108  }
0x21: {  	s3 =	sadd.s32 s3, s9;
	s6 =	sadd.s32 @!p0 $0x88, s6;
	s7 =	simm.s32 @p2 $0x1082  }
0x22: {  	[simem:s7], [sflag:s8] =	dma.local @!p0 [hbm:s6], $0xF7A  }
0x23: {  	s9 =	sor.u32 $0xD0000000, s2;
	s6 =	simm.s32 $0x108;
	_ =	swait.ge @!p0 [sflag:s8], $0x0  }
0x24: {  	s3 =	sadd.s32 $0x88, s3;
	s6 =	simm.s32 @!p1 $0x1082;
	[sflag:s4] =	ssyncset.s32 $0xFFFFF086  }
0x25: {  	[simem:s6], [sflag:s4] =	dma.local [hbm:s3], $0xF7A  }
0x26: {  	[smem:$0x3F9D] =	sst s1;
	(tag) =	ssettag s2;
	_ =	strace s9  }
0x27: {  	s1 =	sld [smem:$0x3FAD]  }
0x28: {  	s2 =	sld [smem:$0x3FAE]  }
0x29: {  	s4 =	sld [smem:$0x3FB0]  }
0x2a: {  	p0 =	seq.s32 s5, $0x0;
	s5 =	sld [smem:$0x3FB1]  }
0x2b: {  	s6 =	sld [smem:$0x3FB2]  }
0x2c: {  	s7 =	sld [smem:$0x3FB3]  }
0x2d: {  	s3 =	simm.s32 $0x108;
	s8 =	sld [smem:$0x3FB4]  }
0x2e: {  	s3 =	simm.s32 @!p0 $0x1082;
	s9 =	sld [smem:$0x3FB5]  }
0x2f: {  	lr =	sadd.s32 s0, s3;
	s0 =	sld [smem:$0x3FAC]  }
0x30: {  	s3 =	sld [smem:$0x3FAF]  }
0x31: {  	[smem:$0x3FB8] =	sst s10  }
0x32: {  	s10 =	sld [smem:$0x3FB6];
	_ =	sdelay $0x3  }
0x33: {  	p0 =	seq.s32 s10, $0x1;
	s10 =	sld [smem:$0x3FB8];
	_ =	sdelay $0x3  }
0x34: {  	[smem:$0x3FB8] =	sst s10  }
0x35: {  	s10 =	sld [smem:$0x3FB7];
	_ =	sdelay $0x3  }
0x36: {  	p1 =	seq.s32 s10, $0x1;
	s10 =	sld [smem:$0x3FB8];
	_ =	sdelay $0x3  }
0x37: {  	[smem:$0x3FB8] =	sst s10  }
0x38: {  	s10 =	sld [smem:$0x3FB9]  }
0x39: {  	_ = 	snop;
	(pc) =	sbr.ind lr, $3  }
0x3a: {  	_ = 	snop  }
0x3b: {  	_ = 	snop  }
0x3c: {  	p2 =	seq.s32 s10, $0x1;
	s10 =	sld [smem:$0x3FB8]  }
0x3d: {  	_ =	shalt  }
0x3e: {  	_ =	shalt  }
0x3f: {  	_ =	shalt  }
0x40: {  	_ =	shalt  }
0x41: {  	_ =	shalt  }
0x42: {  	_ =	shalt  }
0x43: {  	_ =	shalt  }
0x44: {  	_ =	shalt  }
0x45: {  	_ =	shalt  }
0x46: {  	_ =	shalt  }
0x47: {  	_ =	shalt  }
0x48: {  	_ =	shalt  }
0x49: {  	_ =	shalt  }
0x4a: {  	_ =	shalt  }
0x4b: {  	_ =	shalt  }
0x4c: {  	_ =	shalt  }
0x4d: {  	_ =	shalt  }
0x4e: {  	_ =	shalt  }
0x4f: {  	_ =	shalt  }
0x50: {  	_ =	shalt  }
0x51: {  	_ =	shalt  }
0x52: {  	_ =	shalt  }
0x53: {  	_ =	shalt  }
0x54: {  	_ =	shalt  }
0x55: {  	_ =	shalt  }
0x56: {  	_ =	shalt  }
0x57: {  	_ =	shalt  }
0x58: {  	_ =	shalt  }
0x59: {  	_ =	shalt  }
0x5a: {  	_ =	shalt  }
0x5b: {  	_ =	shalt  }
0x5c: {  	_ =	shalt  }
0x5d: {  	_ =	shalt  }
0x5e: {  	_ =	shalt  }
0x5f: {  	_ =	shalt  }
0x60: {  	_ =	shalt  }
0x61: {  	_ =	shalt  }
0x62: {  	_ =	shalt  }
0x63: {  	_ =	shalt  }
0x64: {  	_ =	shalt  }
0x65: {  	_ =	shalt  }
0x66: {  	_ =	shalt  }
0x67: {  	_ =	shalt  }
0x68: {  	_ =	shalt  }
0x69: {  	_ =	shalt  }
0x6a: {  	_ =	shalt  }
0x6b: {  	_ =	shalt  }
0x6c: {  	_ =	shalt  }
0x6d: {  	_ =	shalt  }
0x6e: {  	_ =	shalt  }
0x6f: {  	_ =	shalt  }
0x70: {  	_ =	shalt  }
0x71: {  	_ =	shalt  }
0x72: {  	_ =	shalt  }
0x73: {  	_ =	shalt  }
0x74: {  	_ =	shalt  }
0x75: {  	_ =	shalt  }
0x76: {  	_ =	shalt  }
0x77: {  	_ =	shalt  }
0x78: {  	_ =	shalt  }
0x79: {  	_ =	shalt  }
0x7a: {  	_ =	shalt  }
0x7b: {  	_ =	shalt  }
0x7c: {  	_ =	shalt  }
0x7d: {  	_ =	shalt  }
0x7e: {  	_ =	shalt  }
0x7f: {  	_ =	shalt  }
0x80: {  	_ =	shalt  }
0x81: {  	_ =	shalt  }
0x82: {  	_ =	shalt  }
0x83: {  	_ =	shalt  }
0x84: {  	_ =	shalt  }
0x85: {  	_ =	shalt  }
0x86: {  	_ =	shalt  }
0x87: {  	_ =	shalt  }
.Lfunc_end0:
.L_simem_size_0:
called_computation_lowered:
.L_overlay_start_0:
0x88: {  	s2 =	sld [smem:$0x3FD9]  }
0x89: {  	s3 =	sld [smem:$0x3FFE];
	_ =	sdelay $0x1  }
0x8a: {  	s1 =	srdreg.scid  }
0x8b: {  	s0 =	sand.u32 $0x1, s1  }
0x8c: {  	s17 =	sshll.u32 s0, $0xA;
	s2 =	sadd.s32 s3, s2  }
0x8d: {  	s2 =	sadd.s32 s2, s17  }
0x8e: {  	[smem:$0x3FC4] =	sst s2  }
0x8f: {  	_ = 	snop  }
0x90: {  	s2 =	sld [smem:$0x3FC8]  }
0x91: {  	s18 =	sld [smem:$0x3FD0];
	(tm) =	ssettm $0x1  }
0x92: {  	s4 =	sld [smem:$0x3FFB];
	_ =	sdelay $0x3  }
0x93: {  	_ =	strace s4  }
0x94: {  	s4 =	sld [smem:$0x3FFC];
	_ =	sdelay $0x3  }
0x95: {  	_ =	strace s4  }
0x96: {  	s4 =	sld [smem:$0x3FFD];
	_ =	sdelay $0x3  }
0x97: {  	_ =	strace s4  }
0x98: {  	_ =	strace $0x8FFFFFFF  }
0x99: {  	s19 =	sld [smem:$0x3FDB];
	_ =	sdelay $0x1  }
0x9a: {  	s5 =	simm.s32 $_scs_section_size  }
0x9b: {  	s6 =	simm.s32 $_size__tile_overlayer_lowered;
	s7 =	simm.s32 $_tile_overlayer_lowered  }
0x9c: {  	s22 =	simm.s32 $0x1BFF;
	s21 =	sshll.u32 s7, $0x1;
	s4 =	sadd.s32 s5, s19  }
0x9d: {  	s8 =	simm.s32 $0x0;
	s20 =	sshll.u32 s6, $0x1;
	s6 =	sadd.s32 s21, s4  }
0x9e: {  	[timem:s8], [sflag:s22] =	dma.local [hbm:s6], s20  }
0x9f: {  	_ =	swait.ge [sflag:s22], s20  }
0xa0: {  	s5 =	ssub.s32 $0x0, s20;
	[sflag:s22] =	ssyncset.done $0x0  }
0xa1: {  	[sflag:s22] =	ssyncadd.s32 s5;
	_ =	sdelay $0x1  }
0xa2: {  	s23 =	simm.s32 $0x1B8B  }
0xa3: {  	_ =	swait.ge [sflag:s23], $0x1  }
0xa4: {  	[sflag:s23] =	ssyncset.done $0x0  }
0xa5: {  	s25 =	simm.s32 $0x1B8E;
	s24 =	sld [smem:$0x3FFE];
	[sflag:s23] =	ssyncadd.s32 $0xFFFFFFFF  }
0xa6: {  	s26 =	simm.s32 $execute0_lowered;
	[smem:$0x3FD2] =	sst s25  }
0xa7: {  	s6 =	sshll.u32 s26, $0x1;
	_ =	strace $0x80000046;
	[dreg:$0x1] =	wrdreg $0xFFFFFFFF  }
0xa8: {  	s28 =	simm.s32 $_size_execute0_lowered;
	s4 =	sadd.s32 s4, s6;
	[dreg:$0x0] =	wrdreg $0x0  }
0xa9: {  	s6 =	sshll.u32 s28, $0x1;
	[dreg:$0x2] =	wrdreg s4  }
0xaa: {  	[dreg:$0x3] =	wrdreg s6  }
0xab: {  	[dreg:$0x4] =	wrdreg $0xC0  }
0xac: {  	_ =	task [dreg:s8], $0x5FFFF  }
0xad: {  	[dreg:$0x1] =	wrdreg $0xFFFFFFFF  }
0xae: {  	[dreg:$0x0] =	wrdreg $0x60  }
0xaf: {  	[dreg:$0x2] =	wrdreg s2  }
0xb0: {  	[dreg:$0x3] =	wrdreg s18  }
0xb1: {  	[dreg:$0x4] =	wrdreg s24  }
0xb2: {  	[dreg:$0x5] =	wrdreg $0x9  }
0xb3: {  	_ =	task.clear_ibuf [dreg:s8], $0x6FFFF;
	_ =	strace $0x90000046  }
0xb4: {  	s29 =	simm.s32 $0x9;
	_ =	strace $0x80000048  }
0xb5: {  	_ =	swait.ge [sflag:s29], $0x1  }
0xb6: {  	[sflag:s29] =	ssyncadd.s32 $0xFFFFFFFF  }
0xb7: {  	_ =	strace $0x90000048  }
0xb8: {  	_ =	sfence  }
0xb9: {  	s30 =	sld [smem:$0x0];
	_ =	sdelay $0x2  }
0xba: {  	s31 =	sshll.u32 s1, $0xD;
	s1 =	sshrl.u32 s1, $0x2  }
0xbb: {  	s3 =	sand.u32 $0x4000, s31;
	s1 =	sadd.s32 s1, s30  }
0xbc: {  	s0 =	sor.u32 s3, s0;
	s1 =	sshll.u32 s1, $0x11  }
0xbd: {  	s0 =	sor.u32 s1, s0  }
0xbe: {  	s0 =	sadd.s32 $0x8F2B, s0  }
0xbf: {  	[sflag:s0] =	ssyncadd.remote.s32 $0x1  }
0xc0: {  	_ =	sfence.sel $0xFFFF  }
0xc1: {  	[dreg:$0x0] =	wrdreg $0xFFFFFFFF;
	(pc) =	sbr.abs _section_cstart, $3  }
0xc2: {  	[dreg:$0x1] =	wrdreg $0xFFFFFFFF  }
0xc3: {  	_ =	task.clear_ibuf [dreg:s8], $0x2FFFF;
	_ =	strace $0x9FFFFFFF  }
0xc4: {  	(tm) =	ssettm $0x7FFFFFFF  }
0xc5: {  	_ =	shalt  }
tec
execute0_lowered:
.L_overlay_start_1:
0x0: {  	(tag) =	ssettag $0x1  }
0x1: {  	s7 =	rddreg [dreg:$0x0]  }
0x2: {  	s5 =	rddreg [dreg:$0x1]  }
0x3: {  	s4 =	rddreg [dreg:$0x2];
	s2 =	srdreg.scid  }
0x4: {  	s0 =	rddreg [dreg:$0x3];
	s1 =	stileid.u32;
	s11 =	simm.s32 $0x3  }
0x5: {  	s12 =	simm.s32 $0x8000;
	s13 =	simm.s32 $0x1;
	s14 =	simm.s32 $0x2  }
0x6: {  	s15 =	simm.s32 $0x11000;
	s16 =	simm.s32 $0x0;
	s6 =	sand.u32 $0x1, s2  }
0x7: {  	s2 =	simm.s32 $0x0;
	s3 =	sshll.u32 s1, $0x5;
	s8 =	sshll.u32 s6, $0x4  }
0x8: {  	[smem:$0x7FF] =	sst s2;
	s6 =	ssub.s32 $0x2, s6;
	s3 =	sor.u32 s8, s3  }
.Ltmp0:
0x9: {  	_ =	strace $0x80000047;
	s30 =	sshrl.u32 s6, $0x1;
	(pc) =	sbr.rel .LBB2_1-.Ltmp0, $4  }
0xa: {  	s8 =	sshll.u32 s3, $0x4;
	s9 =	sshll.u32 s3, $0xC;
	s10 =	ssub.s32 s6, s30  }
0xb: {  	s31 =	sshll.u32 s3, $0x5;
	s8 =	sadd.s32 s8, s4;
	s4 =	sadd.s32 s7, s9  }
0xc: {  	s5 =	sadd.s32 s5, s31;
	s7 =	sadd.s32 $0x2000, s7;
	s9 =	smax.u32 s10, $0x1  }
0xd: {  	s10 =	simm.s32 $0x10000;
	s6 =	sadd.s32 $0x1000, s4;
	s8 =	sadd.s32 $0x1000, s8  }
.LBB2_8:
0xe: {  	s16 =	sadd.s32 $0x1, s16  }
0xf: {  	p0 =	sne.s32 s16, s9  }
.Ltmp1:
0x10: {  	_ = 	snop;
	(pc) =	sbr.rel @!p0 .LBB2_9-.Ltmp1, $4  }
0x11: {  	[hbm4b:s8+s2] =	stream.linear.scatter [tilespmem:s15], [sflag:$0x3], $0x800, $0x38;
	[tilespmem:$0x11800] =	vst v63  }
0x12: {  	_ =	swait.ge [sflag:s11], $0x800  }
0x13: {  	[sflag:s11] =	ssyncset.done $0x0  }
0x14: {  	[sflag:s11] =	ssyncadd.s32 $0xFFFFF800  }
.LBB2_1:
0x15: {  	[tilespmem:s10], [sflag:$0x3] =	stream.linear.gather [hbm4b:s5+s2], $0x1000, $0x38;
	[tilespmem:$0x11800] =	vst v63  }
0x16: {  	_ =	swait.ge [sflag:s11], $0x1000  }
0x17: {  	[sflag:s11] =	ssyncset.done $0x0  }
0x18: {  	[sflag:s11] =	ssyncadd.s32 $0xFFFFF000  }
0x19: {  	[tilespmem:s2], [sflag:$0x1] =	stream.linear.gather [hbm4b:s4+s2], $0x8000, $0x38;
	[tilespmem:$0x11800] =	vst v63  }
0x1a: {  	s17 =	simm.s32 $0x0  }
0x1b: {  	[tilespmem:s12], [sflag:$0x2] =	stream.linear.gather [hbm4b:s6+s2], $0x8000, $0x38;
	[tilespmem:$0x11800] =	vst v63  }
.LBB2_2:
0x1c: {  	_ =	swait.ge [sflag:s13], $0x8000  }
0x1d: {  	[sflag:s13] =	ssyncset.done $0x0  }
0x1e: {  	s19 =	simm.s32 $0x400;
	[sflag:s13] =	ssyncadd.s32 $0xFFFF8000  }
0x1f: {  	v27 =	vld [tilespmem:s19+$0x380]  }
0x20: {  	v28 =	vld [tilespmem:s19+$0x390]  }
0x21: {  	v29 =	vld [tilespmem:s19+$0x3A0]  }
0x22: {  	v15 =	vld [tilespmem:s19+$0x3B0]  }
0x23: {  	v39 =	vld [tilespmem:s19+$0x3C0]  }
0x24: {  	v40 =	vld [tilespmem:s19+$0x3D0]  }
0x25: {  	v41 =	vld [tilespmem:s19+$0x300]  }
0x26: {  	v0 =	vld [tilespmem:s19+$0x130]  }
0x27: {  	v48 =	vld [tilespmem:s19+$0x310]  }
0x28: {  	v49 =	vld [tilespmem:s19+$0x320]  }
0x29: {  	v50 =	vld [tilespmem:s19+$0x330]  }
0x2a: {  	v55 =	vld [tilespmem:s19+$0x340]  }
0x2b: {  	[tilespmem:$0x1FF60] =	vst v0;
	v0 =	vld [tilespmem:s19+$0x140]  }
0x2c: {  	v56 =	vld [tilespmem:s19+$0x350]  }
0x2d: {  	v57 =	vld [tilespmem:s19+$0x280]  }
0x2e: {  	v58 =	vld [tilespmem:s19+$0x290]  }
0x2f: {  	v17 =	vld [tilespmem:s19+$0x2A0]  }
0x30: {  	[tilespmem:$0x1FF70] =	vst v0;
	v0 =	vld [tilespmem:s19+$0x150]  }
0x31: {  	v51 =	vld [tilespmem:s19+$0x2B0]  }
0x32: {  	v54 =	vld [tilespmem:s19+$0x2C0]  }
0x33: {  	s18 =	sshll.u32 s17, $0x9;
	v19 =	vld [tilespmem:s19+$0x2D0]  }
0x34: {  	s20 =	sshll.u32 s17, $0x8;
	s18 =	sand.u32 $0x800, s18;
	v52 =	vld [tilespmem:s19+$0x200]  }
0x35: {  	s21 =	simm.s32 $0x0;
	s22 =	sand.u32 $0x300, s20;
	s18 =	sor.u32 $0x10000, s18;
	[tilespmem:$0x1FF90] =	vst v0;
	v0 =	vld [tilespmem:s19+$0xA0]  }
0x36: {  	s23 =	sand.u32 $0x400, s21;
	v53 =	vld [tilespmem:s19+$0x210];
	s22 =	sor.u32 s22, s18  }
0x37: {  	s24 =	sand.u32 $0x70, s21;
	v47 =	vld [tilespmem:s19+$0x220];
	s23 =	sadd.s32 s23, s22  }
0x38: {  	v20 =	vld [tilespmem:s19+$0x230];
	s23 =	sadd.s32 s24, s23  }
0x39: {  	v21 =	vld [tilespmem:s23+$0x0]  }
0x3a: {  	[tilespmem:$0x1FF80] =	vst v0;
	v0 =	vld [tilespmem:s19+$0xB0]  }
0x3b: {  	v46 =	vld [tilespmem:s19+$0x240]  }
0x3c: {  	v24 =	vld [tilespmem:s19+$0x250]  }
0x3d: {  	v22 =	vld [tilespmem:s19+$0xFFFFFC00]  }
0x3e: {  	v16 =	vld [tilespmem:s19+$0xFFFFFC80]  }
0x3f: {  	v1 =	vbroadcast v21, $0xE;
	[tilespmem:$0x1FFA0] =	vst v0;
	v0 =	vld [tilespmem:s19+$0xC0]  }
0x40: {  	v25 =	vld [tilespmem:s19+$0x180];
	v3 =	vbroadcast v21, $0xC;
	v26 =	vbroadcast v21, $0x0  }
0x41: {  	v31 =	vld [tilespmem:s19+$0x190];
	v2 =	vbroadcast v21, $0xD;
	v7 =	vbroadcast v21, $0xA  }
0x42: {  	v30 =	vld [tilespmem:s19+$0xFFFFFC10];
	v23 =	vbroadcast v21, $0x1;
	v22 =	vmul.f32 v22, v26  }
0x43: {  	v38 =	vimm.f32 $0.0e+00;
	v60 =	vld [tilespmem:s19+$0xFFFFFC20];
	v4 =	vbroadcast v21, $0xB;
	v11 =	vbroadcast v21, $0x8  }
0x44: {  	v61 =	vld [tilespmem:s19+$0xFFFFFC30];
	v63 =	vmul.f32 v16, v23;
	v5 =	vadd.f32 v22, v38;
	[tilespmem:$0x1FFB0] =	vst v0;
	v0 =	vbroadcast v21, $0xF  }
0x45: {  	v62 =	vld [tilespmem:s19+$0xFFFFFCA0];
	v8 =	vbroadcast v21, $0x9;
	v13 =	vbroadcast v21, $0x6  }
0x46: {  	v59 =	vld [tilespmem:s19+$0xFFFFFC90];
	v12 =	vbroadcast v21, $0x7;
	v14 =	vadd.f32 v63, v5;
	v5 =	vmul.f32 v27, v0  }
0x47: {  	v9 =	vld [tilespmem:s19+$0xFFFFFD00];
	v30 =	vmul.f32 v30, v26;
	v10 =	vmul.f32 v29, v0  }
0x48: {  	v6 =	vld [tilespmem:s19+$0xFFFFFCB0];
	v60 =	vmul.f32 v60, v26;
	[tilespmem:$0x1FE70] =	vst v5;
	v5 =	vmul.f32 v28, v0  }
0x49: {  	v61 =	vmul.f32 v61, v26;
	v63 =	vld [tilespmem:s19+$0xFFFFFD10];
	v15 =	vmul.f32 v15, v0;
	[tilespmem:$0x1FE90] =	vst v10  }
0x4a: {  	v62 =	vmul.f32 v62, v23;
	v22 =	vbroadcast v21, $0x2;
	v30 =	vadd.f32 v30, v38;
	[tilespmem:$0x1FE80] =	vst v5;
	v5 =	vld [tilespmem:s19+$0xFFFFFD20]  }
0x4b: {  	v60 =	vadd.f32 v60, v38;
	v38 =	vadd.f32 v61, v38;
	v61 =	vld [tilespmem:s19+$0xFFFFFD80];
	[tilespmem:$0x1FEA0] =	vst v15;
	v15 =	vimm.f32 $0.0e+00  }
0x4c: {  	v9 =	vmul.f32 v9, v22;
	v10 =	vld [tilespmem:s19+$0xFFFFFD30];
	[tilespmem:$0x1FEB0] =	vst v15;
	v15 =	vmul.f32 v39, v0  }
0x4d: {  	v18 =	vbroadcast v21, $0x4;
	v59 =	vmul.f32 v59, v23;
	v60 =	vadd.f32 v62, v60;
	v62 =	vld [tilespmem:s19+$0xFFFFFD90]  }
0x4e: {  	v6 =	vmul.f32 v6, v23;
	v9 =	vadd.f32 v9, v14;
	v14 =	vld [tilespmem:s19+$0xFFFFFDB0];
	[tilespmem:$0x1FEC0] =	vst v15;
	v15 =	vmul.f32 v40, v0  }
0x4f: {  	v40 =	vmul.f32 v63, v22;
	v63 =	vld [tilespmem:s19+$0xFFFFFDA0];
	v5 =	vmul.f32 v5, v22  }
0x50: {  	v16 =	vbroadcast v21, $0x5;
	v59 =	vadd.f32 v59, v30;
	v21 =	vbroadcast v21, $0x3;
	[tilespmem:$0x1FED0] =	vst v15;
	v15 =	vld [tilespmem:s19+$0xFFFFFE00]  }
0x51: {  	v6 =	vadd.f32 v6, v38;
	v10 =	vmul.f32 v10, v22;
	v5 =	vadd.f32 v5, v60;
	v60 =	vld [tilespmem:s19+$0xFFFFFE10]  }
0x52: {  	v59 =	vadd.f32 v40, v59;
	v40 =	vmul.f32 v61, v21;
	v61 =	vld [tilespmem:s19+$0xFFFFFE20]  }
0x53: {  	v14 =	vmul.f32 v14, v21;
	v6 =	vadd.f32 v10, v6;
	v10 =	vmul.f32 v62, v21;
	v62 =	vld [tilespmem:s19+$0xFFFFFE30]  }
0x54: {  	v45 =	vld [tilespmem:s19+$0x1A0];
	v28 =	vmul.f32 v41, v1;
	v39 =	vmul.f32 v57, v2  }
0x55: {  	v44 =	vld [tilespmem:s19+$0x1B0];
	v9 =	vadd.f32 v40, v9;
	v41 =	vmul.f32 v63, v21;
	v15 =	vmul.f32 v15, v18  }
0x56: {  	v63 =	vld [tilespmem:s19+$0xFFFFFE80];
	v10 =	vadd.f32 v10, v59;
	v6 =	vadd.f32 v14, v6;
	v14 =	vmul.f32 v60, v18  }
0x57: {  	v57 =	vld [tilespmem:s19+$0xFFFFFE90];
	v5 =	vadd.f32 v41, v5;
	v9 =	vadd.f32 v15, v9;
	v15 =	vmul.f32 v61, v18  }
0x58: {  	v60 =	vld [tilespmem:s19+$0xFFFFFEA0];
	v10 =	vadd.f32 v14, v10;
	v14 =	vmul.f32 v62, v18  }
0x59: {  	v41 =	vmul.f32 v17, v2;
	v17 =	vld [tilespmem:s19+$0xFFFFFEB0];
	v5 =	vadd.f32 v15, v5;
	v15 =	vmul.f32 v54, v2  }
0x5a: {  	v62 =	vld [tilespmem:s19+$0xFFFFFF00];
	v6 =	vadd.f32 v14, v6;
	v14 =	vmul.f32 v19, v2  }
0x5b: {  	[tilespmem:$0x1FF00] =	vst v15;
	v15 =	vmul.f32 v63, v16;
	v63 =	vld [tilespmem:s19+$0xFFFFFF10]  }
0x5c: {  	v32 =	vld [tilespmem:s19+$0x1C0];
	[tilespmem:$0x1FF10] =	vst v14;
	v14 =	vmul.f32 v57, v16  }
0x5d: {  	v33 =	vld [tilespmem:s19+$0x1D0];
	v9 =	vadd.f32 v15, v9;
	v15 =	vmul.f32 v60, v16  }
0x5e: {  	v19 =	vld [tilespmem:s19+$0xFFFFFF20];
	v10 =	vadd.f32 v14, v10;
	v14 =	vmul.f32 v17, v16  }
0x5f: {  	v29 =	vmul.f32 v48, v1;
	v48 =	vld [tilespmem:s19+$0xFFFFFF30];
	v5 =	vadd.f32 v15, v5;
	v15 =	vmul.f32 v62, v13  }
0x60: {  	v43 =	vld [tilespmem:s19+$0x100];
	v6 =	vadd.f32 v14, v6;
	v14 =	vmul.f32 v63, v13  }
0x61: {  	v38 =	vmul.f32 v50, v1;
	v50 =	vld [tilespmem:s19+$0xFFFFFF90];
	v9 =	vadd.f32 v15, v9;
	v15 =	vmul.f32 v46, v3  }
0x62: {  	v17 =	vld [tilespmem:s19+$0xFFFFFF80];
	v10 =	vadd.f32 v14, v10;
	v14 =	vmul.f32 v24, v3  }
0x63: {  	v27 =	vmul.f32 v55, v1;
	[tilespmem:$0x1FF20] =	vst v15;
	v15 =	vmul.f32 v19, v13;
	v19 =	vld [tilespmem:s19+$0xFFFFFFB0]  }
0x64: {  	v55 =	vmul.f32 v20, v3;
	v20 =	vld [tilespmem:s19+$0xFFFFFFA0];
	[tilespmem:$0x1FF30] =	vst v14;
	v14 =	vmul.f32 v48, v13  }
0x65: {  	v36 =	vld [tilespmem:s19+$0x110]  }
0x66: {  	v34 =	vld [tilespmem:s19+$0x120];
	v6 =	vadd.f32 v14, v6;
	v14 =	vmul.f32 v50, v12  }
0x67: {  	v5 =	vadd.f32 v15, v5;
	v15 =	vmul.f32 v17, v12;
	v17 =	vld [tilespmem:s19+$0x10]  }
0x68: {  	v37 =	vld [tilespmem:s19+$0x80];
	v10 =	vadd.f32 v14, v10;
	v14 =	vmul.f32 v19, v12  }
0x69: {  	v9 =	vadd.f32 v15, v9;
	v15 =	vmul.f32 v20, v12;
	v20 =	vld [tilespmem:s19+$0x30]  }
0x6a: {  	v35 =	vld [tilespmem:s19+$0x90];
	v6 =	vadd.f32 v14, v6;
	v14 =	vmul.f32 v33, v4  }
0x6b: {  	v42 =	vld [tilespmem:s19+$0xD0];
	v30 =	vmul.f32 v49, v1;
	v49 =	vmul.f32 v51, v2  }
0x6c: {  	v51 =	vmul.f32 v52, v3;
	v52 =	vld [tilespmem:s19+$0x0];
	[tilespmem:$0x1FF50] =	vst v14;
	v14 =	vmul.f32 v17, v11  }
0x6d: {  	[tilespmem:$0x1FEE0] =	vst v27;
	v27 =	vmul.f32 v56, v1;
	v56 =	vmul.f32 v25, v4;
	v25 =	vld [tilespmem:s19+$0xFFFFFF50]  }
0x6e: {  	v20 =	vmul.f32 v20, v11;
	v10 =	vadd.f32 v14, v10;
	v14 =	vld [tilespmem:$0x1FF60]  }
0x6f: {  	[tilespmem:$0x1FEF0] =	vst v27;
	v27 =	vld [tilespmem:$0x1FFB0]  }
0x70: {  	v59 =	vmul.f32 v31, v4;
	v31 =	vld [tilespmem:s19+$0x20];
	v6 =	vadd.f32 v20, v6;
	v20 =	vmul.f32 v35, v8  }
0x71: {  	v60 =	vmul.f32 v45, v4;
	v45 =	vld [tilespmem:s19+$0xFFFFFFD0]  }
0x72: {  	v10 =	vadd.f32 v20, v10;
	v20 =	vld [tilespmem:$0x1FF90]  }
0x73: {  	v50 =	vmul.f32 v14, v7;
	v14 =	vld [tilespmem:$0x1FF70]  }
0x74: {  	v53 =	vmul.f32 v53, v3;
	v24 =	vld [tilespmem:s19+$0xFFFFFE40]  }
0x75: {  	v40 =	vmul.f32 v58, v2;
	v61 =	vmul.f32 v44, v4;
	v19 =	vld [tilespmem:s19+$0x40]  }
0x76: {  	v54 =	vmul.f32 v47, v3;
	v57 =	vld [tilespmem:s19+$0x50];
	v62 =	vmul.f32 v36, v7  }
0x77: {  	v5 =	vadd.f32 v15, v5;
	v15 =	vmul.f32 v32, v4;
	v36 =	vmul.f32 v20, v7;
	v20 =	vld [tilespmem:$0x1FFA0]  }
0x78: {  	v31 =	vmul.f32 v31, v11;
	v35 =	vmul.f32 v14, v7;
	v14 =	vld [tilespmem:$0x1FF80]  }
0x79: {  	v46 =	vmul.f32 v24, v18;
	v24 =	vimm.f32 $0.0e+00;
	[tilespmem:$0x1FF40] =	vst v15;
	v15 =	vmul.f32 v52, v11;
	v17 =	vld [tilespmem:s19+$0xFFFFFFC0]  }
0x7a: {  	v5 =	vadd.f32 v31, v5;
	v31 =	vmul.f32 v37, v8;
	v52 =	vld [tilespmem:s19+$0xFFFFFEC0];
	v19 =	vmul.f32 v19, v11  }
0x7b: {  	[tilespmem:$0x1FFE0] =	vst v24;
	v9 =	vadd.f32 v15, v9;
	v15 =	vmul.f32 v43, v7;
	v43 =	vmul.f32 v27, v8;
	v27 =	vld [tilespmem:s19+$0xFFFFFE50]  }
0x7c: {  	v63 =	vld [tilespmem:s19+$0xFFFFFF40];
	v48 =	vmul.f32 v34, v7;
	v24 =	vimm.f32 $0.0e+00;
	[tilespmem:$0x1FFC0] =	vst v19;
	v19 =	vmul.f32 v57, v11  }
0x7d: {  	v9 =	vadd.f32 v31, v9;
	v20 =	vmul.f32 v20, v8;
	v58 =	vmul.f32 v14, v8;
	v14 =	vld [tilespmem:s19+$0xFFFFFED0]  }
0x7e: {  	v37 =	vmul.f32 v42, v8;
	v42 =	vimm.f32 $0.0e+00;
	v57 =	vmul.f32 v17, v12;
	v17 =	vld [tilespmem:s19+$0xFFFFFDC0]  }
0x7f: {  	v44 =	vmul.f32 v52, v16;
	[tilespmem:$0x1FFD0] =	vst v19;
	v19 =	vadd.f32 v15, v9;
	v15 =	vld [tilespmem:s19+$0xFFFFFDD0];
	v6 =	vadd.f32 v20, v6  }
0x80: {  	v47 =	vmul.f32 v27, v18;
	v9 =	vld [tilespmem:s19+$0xFFFFFCC0];
	v20 =	vadd.f32 v62, v10;
	v5 =	vadd.f32 v58, v5  }
0x81: {  	v62 =	vmul.f32 v63, v13;
	v63 =	vmul.f32 v25, v13;
	v10 =	vld [tilespmem:s19+$0xFFFFFD50];
	v6 =	vadd.f32 v50, v6  }
0x82: {  	s23 =	simm.s32 $0x10;
	[tilespmem:$0x1FFF0] =	vst v24;
	v58 =	vmul.f32 v45, v12;
	v5 =	vadd.f32 v48, v5;
	v45 =	vmul.f32 v14, v16;
	v14 =	vld [tilespmem:s19+$0xFFFFFD40]  }
.LBB2_3:
0x83: {  	v19 =	vadd.f32 v56, v19;
	_ =	sdelay $0x1  }
0x84: {  	v19 =	vadd.f32 v51, v19  }
0x85: {  	v25 =	vld [tilespmem:$0x1FE70]  }
0x86: {  	v19 =	vadd.f32 v39, v19  }
0x87: {  	v5 =	vadd.f32 v60, v5  }
0x88: {  	v19 =	vadd.f32 v28, v19  }
0x89: {  	v5 =	vadd.f32 v54, v5  }
0x8a: {  	v19 =	vadd.f32 v25, v19;
	v25 =	vld [tilespmem:$0x1FE90]  }
0x8b: {  	v5 =	vadd.f32 v41, v5;
	_ =	sdelay $0x1  }
0x8c: {  	v5 =	vadd.f32 v30, v5  }
0x8d: {  	v24 =	vld [tilespmem:s19+$0xFFFFFCD0];
	v6 =	vadd.f32 v61, v6  }
0x8e: {  	v33 =	vld [tilespmem:s19+$0xFFFFFC40];
	v5 =	vadd.f32 v25, v5  }
0x8f: {  	v34 =	vld [tilespmem:s19+$0xFFFFFC50];
	v6 =	vadd.f32 v55, v6  }
0x90: {  	[tilespmem:$0x1FDB0] =	vst v5;
	v5 =	vld [tilespmem:$0x1FEA0]  }
0x91: {  	v52 =	vld [tilespmem:s19+$0xFFFFFC60];
	v20 =	vadd.f32 v59, v20;
	v6 =	vadd.f32 v49, v6  }
0x92: {  	v48 =	vld [tilespmem:s19+$0xFFFFFCE0]  }
0x93: {  	v20 =	vadd.f32 v53, v20;
	v53 =	vld [tilespmem:s19+$0xFFFFFC70];
	v6 =	vadd.f32 v38, v6  }
0x94: {  	[tilespmem:$0x1FD90] =	vst v19;
	v19 =	vld [tilespmem:$0x1FE80]  }
0x95: {  	v20 =	vadd.f32 v40, v20;
	v25 =	vld [tilespmem:$0x1FFF0];
	v5 =	vadd.f32 v5, v6  }
0x96: {  	v6 =	vld [tilespmem:$0x1FFE0]  }
0x97: {  	v17 =	vmul.f32 v17, v21;
	v15 =	vmul.f32 v15, v21;
	v20 =	vadd.f32 v29, v20;
	[tilespmem:$0x1FDC0] =	vst v5;
	v5 =	vld [tilespmem:$0x1FEB0]  }
0x98: {  	v50 =	vld [tilespmem:s19+$0xFFFFFCF0];
	v14 =	vmul.f32 v14, v22;
	v10 =	vmul.f32 v10, v22  }
0x99: {  	v32 =	vld [tilespmem:s19+$0xFFFFFD60];
	v9 =	vmul.f32 v9, v23;
	v61 =	vmul.f32 v34, v26;
	v19 =	vadd.f32 v19, v20  }
0x9a: {  	v60 =	vmul.f32 v33, v26;
	v33 =	vmul.f32 v52, v26;
	v34 =	vld [tilespmem:s19+$0xFFFFFD70]  }
0x9b: {  	v24 =	vmul.f32 v24, v23;
	v20 =	vld [tilespmem:s19+$0xFFFFFDE0];
	[tilespmem:$0x1FDA0] =	vst v19;
	v19 =	vmul.f32 v53, v26;
	v6 =	vadd.f32 v61, v6  }
0x9c: {  	v27 =	vld [tilespmem:s19+$0xFFFFFDF0];
	v26 =	vmul.f32 v48, v23;
	v28 =	vadd.f32 v33, v25;
	v5 =	vadd.f32 v60, v5  }
0x9d: {  	v29 =	vld [tilespmem:s19+$0xFFFFFE60];
	v23 =	vmul.f32 v50, v23;
	v19 =	vadd.f32 v19, v42;
	v6 =	vadd.f32 v24, v6  }
0x9e: {  	v26 =	vadd.f32 v26, v28;
	v24 =	vld [tilespmem:s19+$0xFFFFFE70];
	v5 =	vadd.f32 v9, v5;
	v9 =	vmul.f32 v32, v22  }
0x9f: {  	v19 =	vadd.f32 v23, v19;
	v23 =	vld [tilespmem:s19+$0xFFFFFEE0];
	v22 =	vmul.f32 v34, v22;
	v6 =	vadd.f32 v10, v6  }
0xa0: {  	v10 =	vmul.f32 v20, v21;
	v5 =	vadd.f32 v14, v5;
	v14 =	vld [tilespmem:s19+$0xFFFFFEF0];
	v9 =	vadd.f32 v9, v26  }
0xa1: {  	v20 =	vmul.f32 v27, v21;
	v21 =	vld [tilespmem:s19+$0xFFFFFF60];
	v19 =	vadd.f32 v22, v19;
	v6 =	vadd.f32 v15, v6  }
0xa2: {  	v15 =	vmul.f32 v29, v18;
	v5 =	vadd.f32 v17, v5;
	v17 =	vld [tilespmem:s19+$0xFFFFFF70];
	v9 =	vadd.f32 v10, v9  }
0xa3: {  	v18 =	vmul.f32 v24, v18;
	v10 =	vadd.f32 v20, v19;
	v19 =	vld [tilespmem:s19+$0xFFFFFFE0]  }
0xa4: {  	s21 =	sadd.s32 $0x80, s21;
	v22 =	vld [tilespmem:s19+$0xFFFFFFF0];
	v20 =	vmul.f32 v23, v16;
	v9 =	vadd.f32 v15, v9  }
0xa5: {  	s24 =	sand.u32 $0x400, s21;
	v10 =	vadd.f32 v18, v10;
	v15 =	vld [tilespmem:s19+$0x60];
	v14 =	vmul.f32 v14, v16  }
0xa6: {  	s25 =	sand.u32 $0x70, s23;
	s24 =	sadd.s32 s24, s22;
	v16 =	vmul.f32 v21, v13;
	v9 =	vadd.f32 v20, v9  }
0xa7: {  	s24 =	sadd.s32 s25, s24;
	v5 =	vadd.f32 v46, v5;
	v10 =	vadd.f32 v14, v10;
	v13 =	vmul.f32 v17, v13;
	v14 =	vld [tilespmem:s19+$0xE0]  }
0xa8: {  	v23 =	vld [tilespmem:s24+$0x0];
	v17 =	vmul.f32 v19, v12;
	v9 =	vadd.f32 v16, v9  }
0xa9: {  	v5 =	vadd.f32 v44, v5;
	v12 =	vmul.f32 v22, v12;
	v10 =	vadd.f32 v13, v10;
	v13 =	vld [tilespmem:s19+$0x160]  }
0xaa: {  	v15 =	vmul.f32 v15, v11;
	v9 =	vadd.f32 v17, v9;
	v17 =	vld [tilespmem:$0x1FFC0]  }
0xab: {  	v5 =	vadd.f32 v62, v5;
	v10 =	vadd.f32 v12, v10;
	v12 =	vld [tilespmem:s19+$0x1E0]  }
0xac: {  	v6 =	vadd.f32 v47, v6;
	v18 =	vld [tilespmem:s19+$0x70];
	v14 =	vmul.f32 v14, v8;
	v9 =	vadd.f32 v15, v9  }
0xad: {  	v19 =	vld [tilespmem:s19+$0xF0];
	v5 =	vadd.f32 v57, v5  }
0xae: {  	v6 =	vadd.f32 v45, v6;
	v16 =	vld [tilespmem:s19+$0x170];
	v13 =	vmul.f32 v13, v7;
	v9 =	vadd.f32 v14, v9  }
0xaf: {  	v5 =	vadd.f32 v17, v5;
	v17 =	vld [tilespmem:$0x1FFD0]  }
0xb0: {  	v6 =	vadd.f32 v63, v6;
	v12 =	vmul.f32 v12, v4;
	v9 =	vadd.f32 v13, v9;
	v13 =	vld [tilespmem:$0x1FF40]  }
0xb1: {  	v11 =	vmul.f32 v18, v11;
	v15 =	vld [tilespmem:s19+$0x270];
	v5 =	vadd.f32 v43, v5  }
0xb2: {  	v6 =	vadd.f32 v58, v6;
	v9 =	vadd.f32 v12, v9;
	v12 =	vld [tilespmem:$0x1FF20]  }
0xb3: {  	v10 =	vadd.f32 v11, v10;
	v11 =	vld [tilespmem:s19+$0x260];
	v5 =	vadd.f32 v35, v5  }
0xb4: {  	v6 =	vadd.f32 v17, v6;
	v17 =	vld [tilespmem:s19+$0x1F0]  }
0xb5: {  	v8 =	vmul.f32 v19, v8;
	v5 =	vadd.f32 v13, v5;
	v13 =	vld [tilespmem:$0x1FF50]  }
0xb6: {  	v14 =	vld [tilespmem:s19+$0x2F0];
	v6 =	vadd.f32 v37, v6  }
0xb7: {  	v7 =	vmul.f32 v16, v7;
	v8 =	vadd.f32 v8, v10;
	v5 =	vadd.f32 v12, v5;
	v12 =	vld [tilespmem:$0x1FF30]  }
0xb8: {  	v10 =	vld [tilespmem:s19+$0x2E0];
	v6 =	vadd.f32 v36, v6  }
0xb9: {  	v7 =	vadd.f32 v7, v8;
	v8 =	vld [tilespmem:s19+$0x360];
	v4 =	vmul.f32 v17, v4  }
0xba: {  	v6 =	vadd.f32 v13, v6;
	v13 =	vld [tilespmem:s19+$0x370]  }
0xbb: {  	v4 =	vadd.f32 v4, v7;
	v7 =	vld [tilespmem:s19+$0x3E0]  }
0xbc: {  	v6 =	vadd.f32 v12, v6;
	v12 =	vld [tilespmem:s19+$0x3F0];
	s19 =	sadd.s32 $0x800, s19  }
0xbd: {  	v11 =	vmul.f32 v11, v3;
	v3 =	vmul.f32 v15, v3;
	v15 =	vld [tilespmem:s19+$0x380]  }
0xbe: {  	v10 =	vmul.f32 v10, v2;
	v2 =	vmul.f32 v14, v2;
	v14 =	vld [tilespmem:s19+$0x390]  }
0xbf: {  	v3 =	vadd.f32 v3, v4;
	v4 =	vld [tilespmem:$0x1FF00]  }
0xc0: {  	v17 =	vld [tilespmem:s19+$0x3A0]  }
0xc1: {  	v19 =	vld [tilespmem:s19+$0x3D0]  }
0xc2: {  	v20 =	vld [tilespmem:s19+$0x300]  }
0xc3: {  	v24 =	vld [tilespmem:s19+$0x330]  }
0xc4: {  	v25 =	vld [tilespmem:s19+$0x340]  }
0xc5: {  	v31 =	vld [tilespmem:s19+$0x350]  }
0xc6: {  	v32 =	vld [tilespmem:s19+$0x280]  }
0xc7: {  	v33 =	vld [tilespmem:s19+$0x290]  }
0xc8: {  	v34 =	vld [tilespmem:s19+$0x2A0]  }
0xc9: {  	v42 =	vld [tilespmem:s19+$0x2B0]  }
0xca: {  	v48 =	vld [tilespmem:s19+$0x2C0]  }
0xcb: {  	v49 =	vld [tilespmem:s19+$0x2D0]  }
0xcc: {  	v50 =	vld [tilespmem:s19+$0x200]  }
0xcd: {  	v46 =	vld [tilespmem:s19+$0x210]  }
0xce: {  	v4 =	vadd.f32 v4, v5;
	v5 =	vld [tilespmem:$0x1FF10]  }
0xcf: {  	v47 =	vld [tilespmem:s19+$0x220]  }
0xd0: {  	v55 =	vld [tilespmem:s19+$0x230]  }
0xd1: {  	v56 =	vld [tilespmem:s19+$0x240]  }
0xd2: {  	v57 =	vld [tilespmem:s19+$0x250];
	v2 =	vadd.f32 v2, v3  }
0xd3: {  	v3 =	vld [tilespmem:$0x1FEE0];
	v5 =	vadd.f32 v5, v6;
	v6 =	vmul.f32 v8, v1;
	v1 =	vmul.f32 v13, v1  }
0xd4: {  	v58 =	vld [tilespmem:s19+$0x180]  }
0xd5: {  	v1 =	vadd.f32 v1, v2;
	v2 =	vld [tilespmem:$0x1FEC0]  }
0xd6: {  	v59 =	vld [tilespmem:s19+$0x190]  }
0xd7: {  	v60 =	vld [tilespmem:s19+$0x1A0]  }
0xd8: {  	v61 =	vld [tilespmem:s19+$0x1B0];
	v3 =	vadd.f32 v3, v4  }
0xd9: {  	v62 =	vld [tilespmem:s19+$0x1C0]  }
0xda: {  	v4 =	vld [tilespmem:$0x1FEF0];
	v2 =	vadd.f32 v2, v3  }
0xdb: {  	v63 =	vld [tilespmem:s19+$0x1D0]  }
0xdc: {  	[tilespmem:$0x1FEB0] =	vst v2;
	v2 =	vld [tilespmem:$0x1FED0]  }
0xdd: {  	v9 =	vadd.f32 v11, v9;
	v27 =	vld [tilespmem:s19+$0x100]  }
0xde: {  	v28 =	vld [tilespmem:s19+$0x110]  }
0xdf: {  	v29 =	vld [tilespmem:s19+$0x120];
	v8 =	vadd.f32 v10, v9;
	v4 =	vadd.f32 v4, v5  }
0xe0: {  	v30 =	vld [tilespmem:s19+$0x130];
	v5 =	vmul.f32 v7, v0;
	v0 =	vmul.f32 v12, v0  }
0xe1: {  	v35 =	vld [tilespmem:s19+$0x140];
	v6 =	vadd.f32 v6, v8;
	v2 =	vadd.f32 v2, v4  }
0xe2: {  	v36 =	vld [tilespmem:s19+$0x150];
	v0 =	vadd.f32 v0, v1  }
0xe3: {  	[tilespmem:$0x1FFE0] =	vst v2;
	v2 =	vadd.f32 v5, v6;
	v5 =	vld [tilespmem:s19+$0x310]  }
0xe4: {  	v9 =	vld [tilespmem:s19+$0x3B0];
	[tilespmem:$0x1FDD0] =	vst v0;
	v0 =	vbroadcast v23, $0xF  }
0xe5: {  	v6 =	vld [tilespmem:s19+$0x320]  }
0xe6: {  	v37 =	vld [tilespmem:s19+$0x80];
	v1 =	vbroadcast v23, $0xE;
	v15 =	vmul.f32 v15, v0  }
0xe7: {  	v38 =	vld [tilespmem:s19+$0x90];
	v14 =	vmul.f32 v14, v0  }
0xe8: {  	v39 =	vld [tilespmem:s19+$0xA0];
	[tilespmem:$0x1FE70] =	vst v15;
	v5 =	vmul.f32 v5, v1  }
0xe9: {  	v40 =	vld [tilespmem:s19+$0xFFFFFE80];
	v7 =	vbroadcast v23, $0xA;
	v9 =	vmul.f32 v9, v0;
	[tilespmem:$0x1FE80] =	vst v14  }
0xea: {  	v10 =	vld [tilespmem:s19+$0x3C0];
	v8 =	vbroadcast v23, $0x9;
	[tilespmem:$0x1FE40] =	vst v5;
	v5 =	vmul.f32 v6, v1  }
0xeb: {  	v41 =	vld [tilespmem:s19+$0xFFFFFD30];
	v3 =	vbroadcast v23, $0xC;
	v14 =	vmul.f32 v17, v0;
	[tilespmem:$0x1FEA0] =	vst v9  }
0xec: {  	v43 =	vld [tilespmem:s19+$0xFFFFFDB0];
	v45 =	vmul.f32 v37, v8;
	[tilespmem:$0x1FE20] =	vst v5;
	v5 =	vmul.f32 v24, v1  }
0xed: {  	v37 =	vld [tilespmem:s19+$0xFFFFFCB0];
	v53 =	vmul.f32 v46, v3;
	v54 =	vmul.f32 v47, v3;
	[tilespmem:$0x1FE90] =	vst v14  }
0xee: {  	v47 =	vmul.f32 v27, v7;
	v27 =	vld [tilespmem:s19+$0xFFFFFE00];
	[tilespmem:$0x1FDF0] =	vst v5;
	v5 =	vmul.f32 v25, v1  }
0xef: {  	v46 =	vmul.f32 v39, v8;
	v39 =	vld [tilespmem:s19+$0xFFFFFD00];
	v9 =	vmul.f32 v10, v0;
	[tilespmem:$0x1FFF0] =	vst v2  }
0xf0: {  	v15 =	vld [tilespmem:s19+$0xB0];
	v2 =	vbroadcast v23, $0xD;
	[tilespmem:$0x1FEE0] =	vst v5;
	v5 =	vmul.f32 v31, v1  }
0xf1: {  	v17 =	vld [tilespmem:s19+$0xC0];
	[tilespmem:$0x1FEC0] =	vst v9;
	v9 =	vmul.f32 v19, v0  }
0xf2: {  	v22 =	vbroadcast v23, $0x2;
	v19 =	vld [tilespmem:s19+$0xD0];
	[tilespmem:$0x1FEF0] =	vst v5;
	v5 =	vmul.f32 v33, v2  }
0xf3: {  	v14 =	vmul.f32 v38, v8;
	v38 =	vld [tilespmem:s19+$0xFFFFFD90];
	[tilespmem:$0x1FED0] =	vst v9;
	v9 =	vmul.f32 v20, v1  }
0xf4: {  	v21 =	vbroadcast v23, $0x3;
	v20 =	vld [tilespmem:s19+$0x0];
	[tilespmem:$0x1FDE0] =	vst v5;
	v5 =	vmul.f32 v42, v2  }
0xf5: {  	v26 =	vbroadcast v23, $0x0;
	[tilespmem:$0x1FE10] =	vst v9;
	v9 =	vmul.f32 v32, v2;
	v32 =	vld [tilespmem:s19+$0x50]  }
0xf6: {  	v18 =	vbroadcast v23, $0x4;
	v25 =	vld [tilespmem:s19+$0x20];
	[tilespmem:$0x1FE00] =	vst v5;
	v5 =	vmul.f32 v48, v2  }
0xf7: {  	v16 =	vbroadcast v23, $0x5;
	v11 =	vbroadcast v23, $0x8;
	v42 =	vld [tilespmem:s19+$0x40]  }
0xf8: {  	v52 =	vmul.f32 v34, v2;
	v34 =	vld [tilespmem:s19+$0xFFFFFF90];
	[tilespmem:$0x1FF00] =	vst v5;
	v5 =	vmul.f32 v49, v2  }
0xf9: {  	v13 =	vbroadcast v23, $0x6;
	v6 =	vmul.f32 v19, v8;
	v19 =	vld [tilespmem:s19+$0xFFFFFD10]  }
0xfa: {  	v12 =	vbroadcast v23, $0x7;
	v24 =	vld [tilespmem:s19+$0x10];
	[tilespmem:$0x1FF10] =	vst v5;
	v5 =	vmul.f32 v56, v3  }
0xfb: {  	v4 =	vbroadcast v23, $0xB;
	v44 =	vmul.f32 v25, v11;
	v48 =	vld [tilespmem:s19+$0xFFFFFC20]  }
0xfc: {  	v25 =	vmul.f32 v42, v11;
	[tilespmem:$0x1FF20] =	vst v5;
	v5 =	vmul.f32 v57, v3;
	v57 =	vld [tilespmem:s19+$0xFFFFFF00]  }
0xfd: {  	v51 =	vmul.f32 v50, v3;
	v56 =	vmul.f32 v58, v4;
	v58 =	vld [tilespmem:s19+$0xFFFFFF10]  }
0xfe: {  	v10 =	vmul.f32 v15, v8;
	v31 =	vld [tilespmem:s19+$0x30];
	[tilespmem:$0x1FFC0] =	vst v25;
	v25 =	vmul.f32 v32, v11  }
0xff: {  	v50 =	vmul.f32 v17, v8;
	v33 =	vld [tilespmem:s19+$0xFFFFFF80];
	[tilespmem:$0x1FF30] =	vst v5;
	v5 =	vmul.f32 v62, v4  }
0x100: {  	v17 =	vmul.f32 v24, v11;
	v32 =	vmul.f32 v34, v12;
	[tilespmem:$0x1FFD0] =	vst v25;
	v25 =	vld [tilespmem:s19+$0xFFFFFC00]  }
0x101: {  	v24 =	vld [tilespmem:s19+$0xFFFFFC90];
	[tilespmem:$0x1FF40] =	vst v5;
	v5 =	vmul.f32 v63, v4;
	v34 =	vmul.f32 v57, v13  }
0x102: {  	v57 =	vmul.f32 v58, v13;
	v58 =	vmul.f32 v48, v26;
	v48 =	vld [tilespmem:$0x1FD90]  }
0x103: {  	v15 =	vmul.f32 v31, v11;
	v63 =	vmul.f32 v20, v11;
	v20 =	vld [tilespmem:s19+$0xFFFFFC80]  }
0x104: {  	v31 =	vmul.f32 v33, v12;
	v33 =	vld [tilespmem:s19+$0xFFFFFC10];
	[tilespmem:$0x1FF50] =	vst v5;
	v5 =	vmul.f32 v28, v7  }
0x105: {  	v49 =	vmul.f32 v35, v7;
	v35 =	vld [tilespmem:s19+$0xFFFFFD20];
	v25 =	vmul.f32 v25, v26  }
0x106: {  	v23 =	vbroadcast v23, $0x1;
	[tilespmem:$0x1FE30] =	vst v5;
	v5 =	vmul.f32 v29, v7;
	v29 =	vld [tilespmem:s19+$0xFFFFFD80]  }
0x107: {  	v25 =	vadd.f32 v25, v48;
	v48 =	vld [tilespmem:$0x1FDA0]  }
0x108: {  	v42 =	vld [tilespmem:s19+$0xFFFFFDA0];
	v20 =	vmul.f32 v20, v23  }
0x109: {  	v62 =	vld [tilespmem:s19+$0xFFFFFE90]  }
0x10a: {  	v39 =	vmul.f32 v39, v22;
	v33 =	vmul.f32 v33, v26;
	v28 =	vld [tilespmem:s19+$0xFFFFFE10];
	v20 =	vadd.f32 v20, v25  }
0x10b: {  	v24 =	vmul.f32 v24, v23;
	[tilespmem:$0x1FE50] =	vst v5;
	v5 =	vmul.f32 v30, v7;
	v30 =	vld [tilespmem:s19+$0xFFFFFC30]  }
0x10c: {  	v29 =	vmul.f32 v29, v21;
	v20 =	vadd.f32 v39, v20;
	v33 =	vadd.f32 v33, v48;
	v48 =	vld [tilespmem:$0x1FDB0]  }
0x10d: {  	v27 =	vmul.f32 v27, v18;
	[tilespmem:$0x1FE60] =	vst v5;
	v5 =	vmul.f32 v36, v7;
	v36 =	vld [tilespmem:s19+$0xFFFFFCA0]  }
0x10e: {  	v19 =	vmul.f32 v19, v22;
	v39 =	vld [tilespmem:s19+$0xFFFFFEB0];
	v20 =	vadd.f32 v29, v20;
	v24 =	vadd.f32 v24, v33  }
0x10f: {  	v40 =	vmul.f32 v40, v16;
	v33 =	vld [tilespmem:s19+$0xFFFFFE30]  }
0x110: {  	v20 =	vadd.f32 v27, v20;
	v19 =	vadd.f32 v19, v24;
	v24 =	vmul.f32 v42, v21;
	v42 =	vld [tilespmem:$0x1FDD0]  }
0x111: {  	v38 =	vmul.f32 v38, v21;
	v58 =	vadd.f32 v58, v48;
	v48 =	vld [tilespmem:$0x1FDC0]  }
0x112: {  	v36 =	vmul.f32 v36, v23;
	v20 =	vadd.f32 v40, v20;
	v40 =	vld [tilespmem:$0x1FDE0]  }
0x113: {  	v28 =	vmul.f32 v28, v18;
	v19 =	vadd.f32 v38, v19;
	v38 =	vld [tilespmem:$0x1FDF0]  }
0x114: {  	v25 =	vmul.f32 v35, v22;
	v35 =	vadd.f32 v36, v58;
	v58 =	vmul.f32 v41, v22;
	v41 =	vmovc v52;
	v52 =	vld [tilespmem:s19+$0xFFFFFF30]  }
0x115: {  	v30 =	vmul.f32 v30, v26;
	v20 =	vadd.f32 v34, v20;
	v34 =	vld [tilespmem:s19+$0xFFFFFF50]  }
0x116: {  	v62 =	vmul.f32 v62, v16;
	v36 =	vmov v5;
	v5 =	vld [tilespmem:$0x1FE30];
	v19 =	vadd.f32 v28, v19  }
0x117: {  	v37 =	vmul.f32 v37, v23;
	v28 =	vld [tilespmem:s19+$0xFFFFFFB0];
	v30 =	vadd.f32 v30, v48  }
0x118: {  	v48 =	vld [tilespmem:s19+$0xFFFFFE20];
	v19 =	vadd.f32 v62, v19  }
0x119: {  	v30 =	vadd.f32 v37, v30;
	v37 =	vld [tilespmem:s19+$0xFFFFFEA0]  }
0x11a: {  	v25 =	vadd.f32 v25, v35;
	v62 =	vld [tilespmem:s19+$0xFFFFFFD0];
	v19 =	vadd.f32 v57, v19  }
0x11b: {  	v35 =	vmov v49;
	v49 =	vld [tilespmem:$0x1FE00];
	v30 =	vadd.f32 v58, v30;
	v58 =	vmul.f32 v43, v21  }
0x11c: {  	v24 =	vadd.f32 v24, v25;
	v43 =	vmov v50;
	v50 =	vld [tilespmem:s19+$0xFFFFFF20];
	v19 =	vadd.f32 v32, v19  }
0x11d: {  	v29 =	vmul.f32 v48, v18;
	v25 =	vadd.f32 v58, v30;
	v30 =	vmul.f32 v33, v18;
	v58 =	vld [tilespmem:s19+$0xFFFFFFA0]  }
0x11e: {  	v19 =	vadd.f32 v17, v19;
	v17 =	vld [tilespmem:s19+$0xFFFFFDC0];
	v27 =	vmul.f32 v37, v16  }
0x11f: {  	v24 =	vadd.f32 v29, v24;
	v29 =	vmul.f32 v39, v16;
	v37 =	vmovc v6;
	v6 =	vld [tilespmem:$0x1FE60];
	v25 =	vadd.f32 v30, v25  }
0x120: {  	v20 =	vadd.f32 v31, v20;
	v30 =	vld [tilespmem:s19+$0xFFFFFFC0]  }
0x121: {  	v39 =	vmovc v9;
	v9 =	vmul.f32 v50, v13;
	v24 =	vadd.f32 v27, v24;
	v25 =	vadd.f32 v29, v25;
	v29 =	vld [tilespmem:s19+$0xFFFFFF40]  }
0x122: {  	v27 =	vmul.f32 v52, v13;
	v52 =	vld [tilespmem:s19+$0xFFFFFEC0]  }
0x123: {  	v20 =	vadd.f32 v63, v20;
	v24 =	vadd.f32 v9, v24;
	v9 =	vld [tilespmem:s19+$0xFFFFFCC0]  }
0x124: {  	v33 =	vmul.f32 v58, v12;
	v25 =	vadd.f32 v27, v25;
	v27 =	vmul.f32 v28, v12;
	v28 =	vld [tilespmem:s19+$0xFFFFFED0]  }
0x125: {  	v20 =	vadd.f32 v45, v20;
	v58 =	vmul.f32 v62, v12;
	v57 =	vmul.f32 v30, v12;
	v30 =	vld [tilespmem:s19+$0xFFFFFE40]  }
0x126: {  	v25 =	vadd.f32 v27, v25;
	v27 =	vld [tilespmem:s19+$0xFFFFFE50];
	v62 =	vmul.f32 v29, v13;
	v29 =	vadd.f32 v14, v19  }
0x127: {  	v55 =	vmul.f32 v55, v3;
	v24 =	vadd.f32 v33, v24;
	v14 =	vld [tilespmem:s19+$0xFFFFFD40]  }
0x128: {  	p0 =	sne.s32 s23, $0xF0;
	v59 =	vmul.f32 v59, v4;
	v19 =	vadd.f32 v47, v20;
	v20 =	vadd.f32 v5, v29;
	v5 =	vld [tilespmem:$0x1FE50]  }
.Ltmp2:
0x129: {  	v60 =	vmul.f32 v60, v4;
	v24 =	vadd.f32 v44, v24;
	v25 =	vadd.f32 v15, v25;
	v15 =	vld [tilespmem:s19+$0xFFFFFDD0];
	(pc) =	sbr.rel @p0 .LBB2_3-.Ltmp2, $4  }
0x12a: {  	v61 =	vmul.f32 v61, v4;
	v45 =	vmul.f32 v28, v16;
	v28 =	vld [tilespmem:$0x1FE10]  }
0x12b: {  	v63 =	vmul.f32 v34, v13;
	v24 =	vadd.f32 v46, v24;
	v29 =	vld [tilespmem:$0x1FE40];
	v25 =	vadd.f32 v10, v25  }
0x12c: {  	v44 =	vmul.f32 v52, v16;
	v10 =	vld [tilespmem:s19+$0xFFFFFD50];
	v46 =	vmul.f32 v30, v18  }
0x12d: {  	s23 =	sadd.s32 $0x10, s23;
	v30 =	vld [tilespmem:$0x1FE20];
	v47 =	vmul.f32 v27, v18;
	v6 =	vadd.f32 v6, v25;
	v5 =	vadd.f32 v5, v24  }
0x12e: {  	v24 =	vld [tilespmem:s19+$0xFFFFFCD0]  }
0x12f: {  	v19 =	vadd.f32 v56, v19;
	v25 =	vld [tilespmem:s19+$0xFFFFFC40]  }
0x130: {  	v20 =	vadd.f32 v59, v20;
	v27 =	vld [tilespmem:s19+$0xFFFFFC50]  }
0x131: {  	v31 =	vld [tilespmem:s19+$0xFFFFFCF0];
	v5 =	vadd.f32 v60, v5;
	v19 =	vadd.f32 v51, v19  }
0x132: {  	v59 =	vld [tilespmem:$0x1FFE0];
	v6 =	vadd.f32 v61, v6;
	v20 =	vadd.f32 v53, v20  }
0x133: {  	v61 =	vld [tilespmem:$0x1FFF0];
	v5 =	vadd.f32 v54, v5;
	v19 =	vadd.f32 v39, v19  }
0x134: {  	v6 =	vadd.f32 v55, v6;
	v55 =	vld [tilespmem:$0x1FEB0];
	v20 =	vadd.f32 v40, v20  }
0x135: {  	v5 =	vadd.f32 v41, v5;
	v19 =	vadd.f32 v28, v19;
	v28 =	vld [tilespmem:s19+$0xFFFFFC60]  }
0x136: {  	v20 =	vadd.f32 v29, v20;
	v29 =	vld [tilespmem:s19+$0xFFFFFC70]  }
0x137: {  	v17 =	vmul.f32 v17, v21;
	v15 =	vmul.f32 v15, v21;
	v5 =	vadd.f32 v30, v5;
	v30 =	vld [tilespmem:s19+$0xFFFFFCE0]  }
0x138: {  	v14 =	vmul.f32 v14, v22;
	v9 =	vmul.f32 v9, v23;
	v32 =	vld [tilespmem:$0x1FE70]  }
0x139: {  	v53 =	vld [tilespmem:s19+$0xFFFFFD60];
	v10 =	vmul.f32 v10, v22;
	v25 =	vmul.f32 v25, v26  }
0x13a: {  	v54 =	vld [tilespmem:s19+$0xFFFFFD70];
	v27 =	vmul.f32 v27, v26;
	v28 =	vmul.f32 v28, v26  }
0x13b: {  	v24 =	vmul.f32 v24, v23;
	v25 =	vadd.f32 v25, v55;
	v26 =	vmul.f32 v29, v26;
	v29 =	vld [tilespmem:s19+$0xFFFFFDE0]  }
0x13c: {  	v60 =	vld [tilespmem:s19+$0xFFFFFDF0];
	v27 =	vadd.f32 v27, v59;
	v30 =	vmul.f32 v30, v23;
	v28 =	vadd.f32 v28, v61  }
0x13d: {  	v9 =	vadd.f32 v9, v25;
	v23 =	vmul.f32 v31, v23;
	v25 =	vadd.f32 v26, v42;
	v26 =	vld [tilespmem:s19+$0xFFFFFE60]  }
0x13e: {  	v24 =	vadd.f32 v24, v27;
	v27 =	vmul.f32 v53, v22;
	v31 =	vld [tilespmem:s19+$0xFFFFFE70];
	v28 =	vadd.f32 v30, v28  }
0x13f: {  	v22 =	vmul.f32 v54, v22;
	v9 =	vadd.f32 v14, v9;
	v14 =	vadd.f32 v23, v25;
	v23 =	vld [tilespmem:s19+$0xFFFFFEE0]  }
0x140: {  	v10 =	vadd.f32 v10, v24;
	v25 =	vld [tilespmem:s19+$0xFFFFFEF0];
	v24 =	vmul.f32 v29, v21;
	v27 =	vadd.f32 v27, v28  }
0x141: {  	v9 =	vadd.f32 v17, v9;
	v17 =	vmul.f32 v60, v21;
	v21 =	vld [tilespmem:s19+$0xFFFFFF60];
	v14 =	vadd.f32 v22, v14  }
0x142: {  	v10 =	vadd.f32 v15, v10;
	v22 =	vld [tilespmem:s19+$0xFFFFFF70];
	v15 =	vmul.f32 v26, v18;
	v24 =	vadd.f32 v24, v27  }
0x143: {  	v14 =	vadd.f32 v17, v14;
	v17 =	vmul.f32 v31, v18;
	v18 =	vld [tilespmem:s19+$0xFFFFFFE0]  }
0x144: {  	v33 =	vld [tilespmem:$0x1FE80];
	v23 =	vmul.f32 v23, v16;
	v15 =	vadd.f32 v15, v24  }
0x145: {  	v16 =	vmul.f32 v25, v16;
	v14 =	vadd.f32 v17, v14;
	v17 =	vld [tilespmem:s19+$0x60]  }
0x146: {  	v26 =	vld [tilespmem:s19+$0xFFFFFFF0];
	v21 =	vmul.f32 v21, v13;
	v15 =	vadd.f32 v23, v15  }
0x147: {  	v9 =	vadd.f32 v46, v9;
	v13 =	vmul.f32 v22, v13;
	v14 =	vadd.f32 v16, v14;
	v16 =	vld [tilespmem:s19+$0xE0]  }
0x148: {  	v34 =	vld [tilespmem:$0x1FE90];
	v18 =	vmul.f32 v18, v12;
	v15 =	vadd.f32 v21, v15  }
0x149: {  	v9 =	vadd.f32 v44, v9;
	v13 =	vadd.f32 v13, v14;
	v14 =	vld [tilespmem:s19+$0x160]  }
0x14a: {  	v17 =	vmul.f32 v17, v11;
	v15 =	vadd.f32 v18, v15;
	v18 =	vld [tilespmem:$0x1FFC0]  }
0x14b: {  	v10 =	vadd.f32 v47, v10;
	v9 =	vadd.f32 v62, v9;
	v24 =	vld [tilespmem:s19+$0x70]  }
0x14c: {  	v56 =	vld [tilespmem:$0x1FEA0];
	v12 =	vmul.f32 v26, v12;
	v16 =	vmul.f32 v16, v8;
	v15 =	vadd.f32 v17, v15  }
0x14d: {  	v10 =	vadd.f32 v45, v10;
	v22 =	vld [tilespmem:s19+$0xF0];
	v9 =	vadd.f32 v57, v9  }
0x14e: {  	v12 =	vadd.f32 v12, v13;
	v13 =	vld [tilespmem:s19+$0x1E0];
	v14 =	vmul.f32 v14, v7;
	v15 =	vadd.f32 v16, v15  }
0x14f: {  	v9 =	vadd.f32 v18, v9;
	v18 =	vld [tilespmem:$0x1FFD0]  }
0x150: {  	v10 =	vadd.f32 v63, v10;
	v11 =	vmul.f32 v24, v11;
	v14 =	vadd.f32 v14, v15;
	v15 =	vld [tilespmem:$0x1FF40]  }
0x151: {  	v21 =	vld [tilespmem:s19+$0x170];
	v9 =	vadd.f32 v43, v9  }
0x152: {  	v10 =	vadd.f32 v58, v10;
	v11 =	vadd.f32 v11, v12;
	v12 =	vld [tilespmem:s19+$0x260]  }
0x153: {  	v17 =	vld [tilespmem:s19+$0x270];
	v9 =	vadd.f32 v35, v9  }
0x154: {  	v13 =	vmul.f32 v13, v4;
	v10 =	vadd.f32 v18, v10;
	v18 =	vld [tilespmem:s19+$0x1F0]  }
0x155: {  	v8 =	vmul.f32 v22, v8;
	v9 =	vadd.f32 v15, v9;
	v15 =	vld [tilespmem:$0x1FF50]  }
0x156: {  	v13 =	vadd.f32 v13, v14;
	v14 =	vld [tilespmem:$0x1FF20];
	v10 =	vadd.f32 v37, v10  }
0x157: {  	v7 =	vmul.f32 v21, v7;
	v8 =	vadd.f32 v8, v11;
	v11 =	vld [tilespmem:s19+$0x2E0]  }
0x158: {  	v16 =	vld [tilespmem:s19+$0x2F0];
	v10 =	vadd.f32 v36, v10  }
0x159: {  	v7 =	vadd.f32 v7, v8;
	v8 =	vld [tilespmem:s19+$0x360];
	v4 =	vmul.f32 v18, v4  }
0x15a: {  	v12 =	vmul.f32 v12, v3;
	v10 =	vadd.f32 v15, v10;
	v15 =	vld [tilespmem:s19+$0x370]  }
0x15b: {  	v3 =	vmul.f32 v17, v3;
	v9 =	vadd.f32 v14, v9;
	v14 =	vld [tilespmem:$0x1FF30];
	v4 =	vadd.f32 v4, v7  }
0x15c: {  	v12 =	vadd.f32 v12, v13;
	v13 =	vld [tilespmem:$0x1FF00]  }
0x15d: {  	v11 =	vmul.f32 v11, v2;
	v2 =	vmul.f32 v16, v2;
	v3 =	vadd.f32 v3, v4;
	v4 =	vld [tilespmem:$0x1FF10]  }
0x15e: {  	v6 =	vadd.f32 v49, v6;
	v7 =	vld [tilespmem:s19+$0x3E0]  }
0x15f: {  	v8 =	vmul.f32 v8, v1;
	v2 =	vadd.f32 v2, v3;
	v1 =	vmul.f32 v15, v1;
	v3 =	vld [tilespmem:$0x1FEF0]  }
0x160: {  	v6 =	vadd.f32 v38, v6;
	v10 =	vadd.f32 v14, v10;
	v14 =	vld [tilespmem:s19+$0x3F0]  }
0x161: {  	v19 =	vadd.f32 v32, v19;
	v1 =	vadd.f32 v1, v2;
	v2 =	vld [tilespmem:$0x1FED0]  }
0x162: {  	v4 =	vadd.f32 v4, v10;
	v10 =	vadd.f32 v11, v12;
	v11 =	vld [tilespmem:$0x1FEE0]  }
0x163: {  	s30 =	sand.u32 $0x3FFFFF00, s20;
	v20 =	vadd.f32 v33, v20;
	v5 =	vadd.f32 v34, v5  }
0x164: {  	[tilespmem:s30+$0x11000] =	vst v19;
	v3 =	vadd.f32 v3, v4;
	v4 =	vmul.f32 v7, v0;
	v7 =	vadd.f32 v8, v10;
	v8 =	vld [tilespmem:$0x1FEC0]  }
0x165: {  	v6 =	vadd.f32 v56, v6;
	v9 =	vadd.f32 v13, v9;
	[tilespmem:s30+$0x11010] =	vst v20  }
0x166: {  	[tilespmem:s30+$0x11020] =	vst v5;
	v0 =	vmul.f32 v14, v0;
	v2 =	vadd.f32 v2, v3  }
0x167: {  	[tilespmem:s30+$0x11030] =	vst v6;
	v3 =	vadd.f32 v4, v7;
	v9 =	vadd.f32 v11, v9  }
0x168: {  	s21 =	sshll.u32 s17, $0x1;
	p0 =	seq.s32 s17, $0x7;
	v0 =	vadd.f32 v0, v1;
	[tilespmem:s30+$0x11050] =	vst v2  }
0x169: {  	s20 =	sadd.s32 @!p0 s3, s21;
	[tilespmem:s30+$0x11060] =	vst v3;
	v8 =	vadd.f32 v8, v9  }
0x16a: {  	s20 =	sshll.u32 @!p0 s20, $0xC;
	[tilespmem:s30+$0x11070] =	vst v0  }
0x16b: {  	s19 =	sadd.s32 @!p0 s20, s7;
	s20 =	simm.s32 @!p0 $0x0;
	[tilespmem:s30+$0x11040] =	vst v8  }
0x16c: {  	[tilespmem:s20], [sflag:$0x1] =	stream.linear.gather @!p0 [hbm4b:s19+s20], $0x8000, $0x38;
	[tilespmem:$0x11800] =	vst v63  }
0x16d: {  	_ =	swait.ge [sflag:s14], $0x8000  }
0x16e: {  	[sflag:s14] =	ssyncset.done $0x0  }
0x16f: {  	s20 =	simm.s32 $0x8400;
	[sflag:s14] =	ssyncadd.s32 $0xFFFF8000  }
0x170: {  	v17 =	vld [tilespmem:s20+$0x380]  }
0x171: {  	v28 =	vld [tilespmem:s20+$0x390]  }
0x172: {  	v32 =	vld [tilespmem:s20+$0x3A0]  }
0x173: {  	v15 =	vld [tilespmem:s20+$0x3B0]  }
0x174: {  	v38 =	vld [tilespmem:s20+$0x3C0]  }
0x175: {  	v39 =	vld [tilespmem:s20+$0x3D0]  }
0x176: {  	v41 =	vld [tilespmem:s20+$0x300]  }
0x177: {  	v48 =	vld [tilespmem:s20+$0x310]  }
0x178: {  	v0 =	vld [tilespmem:s20+$0x130]  }
0x179: {  	v49 =	vld [tilespmem:s20+$0x320]  }
0x17a: {  	v50 =	vld [tilespmem:s20+$0x330]  }
0x17b: {  	v55 =	vld [tilespmem:s20+$0x340]  }
0x17c: {  	v56 =	vld [tilespmem:s20+$0x350]  }
0x17d: {  	[tilespmem:$0x1FD20] =	vst v0;
	v0 =	vld [tilespmem:s20+$0x140]  }
0x17e: {  	v57 =	vld [tilespmem:s20+$0x280]  }
0x17f: {  	v58 =	vld [tilespmem:s20+$0x290]  }
0x180: {  	v59 =	vld [tilespmem:s20+$0x2A0]  }
0x181: {  	v51 =	vld [tilespmem:s20+$0x2B0]  }
0x182: {  	[tilespmem:$0x1FD30] =	vst v0;
	v0 =	vld [tilespmem:s20+$0x150]  }
0x183: {  	v54 =	vld [tilespmem:s20+$0x2C0]  }
0x184: {  	v19 =	vld [tilespmem:s20+$0x2D0]  }
0x185: {  	v52 =	vld [tilespmem:s20+$0x200]  }
0x186: {  	v53 =	vld [tilespmem:s20+$0x210]  }
0x187: {  	[tilespmem:$0x1FD50] =	vst v0;
	v0 =	vld [tilespmem:s20+$0xA0]  }
0x188: {  	s19 =	sor.u32 $0x1, s21;
	v47 =	vld [tilespmem:s20+$0x220]  }
0x189: {  	s21 =	sshll.u32 s19, $0x7;
	v46 =	vld [tilespmem:s20+$0x230]  }
0x18a: {  	s22 =	simm.s32 $0x0;
	s23 =	sand.u32 $0x380, s21;
	v20 =	vld [tilespmem:s20+$0x240]  }
0x18b: {  	s31 =	sand.u32 $0x400, s22;
	s18 =	sadd.s32 s23, s18;
	v24 =	vld [tilespmem:s20+$0x250]  }
0x18c: {  	s24 =	sand.u32 $0x70, s22;
	s23 =	sadd.s32 s31, s18;
	[tilespmem:$0x1FD40] =	vst v0;
	v0 =	vld [tilespmem:s20+$0xB0]  }
0x18d: {  	v25 =	vld [tilespmem:s20+$0x180];
	s23 =	sadd.s32 s24, s23  }
0x18e: {  	v21 =	vld [tilespmem:s23+$0x0]  }
0x18f: {  	v30 =	vld [tilespmem:s20+$0x190]  }
0x190: {  	v27 =	vld [tilespmem:s20+$0xFFFFFC10]  }
0x191: {  	[tilespmem:$0x1FD60] =	vst v0;
	v0 =	vld [tilespmem:s20+$0xC0]  }
0x192: {  	v45 =	vld [tilespmem:s20+$0x1A0]  }
0x193: {  	v29 =	vld [tilespmem:s20+$0xFFFFFC90];
	v1 =	vbroadcast v21, $0xE  }
0x194: {  	v44 =	vld [tilespmem:s20+$0x1B0];
	v3 =	vbroadcast v21, $0xC;
	v26 =	vbroadcast v21, $0x0  }
0x195: {  	v16 =	vld [tilespmem:s20+$0xFFFFFC80];
	v2 =	vbroadcast v21, $0xD;
	v23 =	vbroadcast v21, $0x1  }
0x196: {  	v22 =	vld [tilespmem:s20+$0xFFFFFC00];
	v27 =	vmul.f32 v27, v26;
	[tilespmem:$0x1FD70] =	vst v0;
	v0 =	vbroadcast v21, $0xF  }
0x197: {  	v35 =	vimm.f32 $0.0e+00;
	v60 =	vld [tilespmem:s20+$0xFFFFFC20];
	v7 =	vbroadcast v21, $0xA;
	v4 =	vbroadcast v21, $0xB  }
0x198: {  	v61 =	vld [tilespmem:s20+$0xFFFFFC30];
	v29 =	vmul.f32 v29, v23;
	v5 =	vadd.f32 v27, v35;
	v14 =	vmul.f32 v17, v0  }
0x199: {  	v62 =	vld [tilespmem:s20+$0xFFFFFCA0];
	v11 =	vbroadcast v21, $0x8;
	v8 =	vbroadcast v21, $0x9  }
0x19a: {  	v31 =	vld [tilespmem:s20+$0x1C0];
	v13 =	vbroadcast v21, $0x6;
	[tilespmem:$0x1FC30] =	vst v14;
	v14 =	vadd.f32 v29, v5;
	v5 =	vmul.f32 v28, v0  }
0x19b: {  	v9 =	vld [tilespmem:s20+$0xFFFFFCB0];
	v12 =	vbroadcast v21, $0x7;
	v22 =	vmul.f32 v22, v26  }
0x19c: {  	v10 =	vld [tilespmem:s20+$0xFFFFFD00];
	v17 =	vmul.f32 v60, v26;
	[tilespmem:$0x1FC40] =	vst v5;
	v5 =	vmul.f32 v32, v0  }
0x19d: {  	v18 =	vbroadcast v21, $0x4;
	v63 =	vmul.f32 v16, v23;
	v6 =	vadd.f32 v22, v35;
	v60 =	vld [tilespmem:s20+$0xFFFFFD10]  }
0x19e: {  	v61 =	vmul.f32 v61, v26;
	v62 =	vmul.f32 v62, v23;
	v17 =	vadd.f32 v17, v35;
	[tilespmem:$0x1FC50] =	vst v5;
	v5 =	vld [tilespmem:s20+$0xFFFFFD30]  }
0x19f: {  	v22 =	vbroadcast v21, $0x2;
	v6 =	vadd.f32 v63, v6;
	v63 =	vld [tilespmem:s20+$0xFFFFFD20];
	v15 =	vmul.f32 v15, v0  }
0x1a0: {  	v16 =	vbroadcast v21, $0x5;
	v9 =	vmul.f32 v9, v23;
	v17 =	vadd.f32 v62, v17;
	v62 =	vld [tilespmem:s20+$0xFFFFFD90]  }
0x1a1: {  	v10 =	vmul.f32 v10, v22;
	[tilespmem:$0x1FC60] =	vst v15;
	v15 =	vimm.f32 $0.0e+00;
	v35 =	vadd.f32 v61, v35;
	v61 =	vld [tilespmem:s20+$0xFFFFFD80]  }
0x1a2: {  	v33 =	vld [tilespmem:s20+$0x1D0];
	v21 =	vbroadcast v21, $0x3;
	[tilespmem:$0x1FC70] =	vst v15;
	v15 =	vmul.f32 v38, v0  }
0x1a3: {  	v43 =	vld [tilespmem:s20+$0x100];
	v9 =	vadd.f32 v9, v35;
	v32 =	vmul.f32 v60, v22;
	v5 =	vmul.f32 v5, v22  }
0x1a4: {  	v6 =	vadd.f32 v10, v6;
	v10 =	vmul.f32 v63, v22;
	v63 =	vld [tilespmem:s20+$0xFFFFFDB0];
	[tilespmem:$0x1FC80] =	vst v15;
	v15 =	vmul.f32 v39, v0  }
0x1a5: {  	v60 =	vld [tilespmem:s20+$0xFFFFFDA0];
	v14 =	vadd.f32 v32, v14;
	v5 =	vadd.f32 v5, v9;
	v9 =	vmul.f32 v62, v21  }
0x1a6: {  	v35 =	vld [tilespmem:s20+$0xFFFFFE10];
	v10 =	vadd.f32 v10, v17;
	v17 =	vmul.f32 v61, v21  }
0x1a7: {  	[tilespmem:$0x1FC90] =	vst v15;
	v15 =	vld [tilespmem:s20+$0xFFFFFE00];
	v9 =	vadd.f32 v9, v14;
	v14 =	vmul.f32 v56, v1  }
0x1a8: {  	v32 =	vmul.f32 v48, v1;
	v48 =	vld [tilespmem:s20+$0xFFFFFE30];
	v6 =	vadd.f32 v17, v6;
	v17 =	vmul.f32 v55, v1  }
0x1a9: {  	v38 =	vld [tilespmem:s20+$0xFFFFFE20];
	[tilespmem:$0x1FCB0] =	vst v14;
	v14 =	vmul.f32 v63, v21  }
0x1aa: {  	v37 =	vld [tilespmem:s20+$0x110];
	[tilespmem:$0x1FCA0] =	vst v17;
	v17 =	vmul.f32 v60, v21  }
0x1ab: {  	v34 =	vld [tilespmem:s20+$0x120];
	v5 =	vadd.f32 v14, v5;
	v14 =	vmul.f32 v35, v18  }
0x1ac: {  	v15 =	vmul.f32 v15, v18;
	v10 =	vadd.f32 v17, v10;
	v17 =	vld [tilespmem:s20+$0xFFFFFE90]  }
0x1ad: {  	v39 =	vmul.f32 v49, v1;
	v49 =	vld [tilespmem:s20+$0xFFFFFE80];
	v9 =	vadd.f32 v14, v9;
	v14 =	vmul.f32 v48, v18  }
0x1ae: {  	v29 =	vmul.f32 v41, v1;
	v60 =	vld [tilespmem:s20+$0xFFFFFEB0];
	v6 =	vadd.f32 v15, v6;
	v15 =	vmul.f32 v38, v18  }
0x1af: {  	v41 =	vmul.f32 v50, v1;
	v50 =	vld [tilespmem:s20+$0xFFFFFEA0];
	v5 =	vadd.f32 v14, v5;
	v14 =	vmul.f32 v19, v2  }
0x1b0: {  	v62 =	vld [tilespmem:s20+$0xFFFFFF10];
	v10 =	vadd.f32 v15, v10;
	v15 =	vmul.f32 v54, v2  }
0x1b1: {  	v40 =	vld [tilespmem:s20+$0x80];
	[tilespmem:$0x1FCD0] =	vst v14;
	v14 =	vmul.f32 v17, v16  }
0x1b2: {  	v61 =	vld [tilespmem:s20+$0xFFFFFF00];
	[tilespmem:$0x1FCC0] =	vst v15;
	v15 =	vmul.f32 v49, v16  }
0x1b3: {  	v36 =	vld [tilespmem:s20+$0x90];
	v9 =	vadd.f32 v14, v9;
	v14 =	vmul.f32 v60, v16  }
0x1b4: {  	v42 =	vld [tilespmem:s20+$0xD0];
	v6 =	vadd.f32 v15, v6;
	v15 =	vmul.f32 v50, v16  }
0x1b5: {  	v27 =	vmul.f32 v57, v2;
	v57 =	vld [tilespmem:s20+$0xFFFFFFC0];
	v5 =	vadd.f32 v14, v5;
	v14 =	vmul.f32 v62, v13  }
0x1b6: {  	v10 =	vadd.f32 v15, v10;
	v17 =	vld [tilespmem:s20+$0xFFFFFF20]  }
0x1b7: {  	v15 =	vmul.f32 v61, v13;
	v9 =	vadd.f32 v14, v9;
	v14 =	vmul.f32 v24, v3;
	v24 =	vld [tilespmem:$0x1FD30]  }
0x1b8: {  	v19 =	vld [tilespmem:s20+$0xFFFFFF30]  }
0x1b9: {  	v63 =	vld [tilespmem:s20+$0xFFFFFF80];
	v6 =	vadd.f32 v15, v6;
	v15 =	vmul.f32 v20, v3  }
0x1ba: {  	v48 =	vld [tilespmem:s20+$0xFFFFFF90]  }
0x1bb: {  	[tilespmem:$0x1FCE0] =	vst v15;
	v60 =	vmul.f32 v45, v4;
	v15 =	vmul.f32 v17, v13;
	v17 =	vld [tilespmem:s20+$0xFFFFFFB0]  }
0x1bc: {  	v45 =	vmul.f32 v34, v7;
	v34 =	vmul.f32 v24, v7;
	v24 =	vld [tilespmem:$0x1FD40]  }
0x1bd: {  	v38 =	vmul.f32 v51, v2;
	v51 =	vld [tilespmem:s20+$0xFFFFFFA0];
	[tilespmem:$0x1FCF0] =	vst v14;
	v14 =	vmul.f32 v19, v13  }
0x1be: {  	v56 =	vmul.f32 v25, v4;
	v25 =	vld [tilespmem:s20+$0xFFFFFE40];
	v54 =	vmul.f32 v52, v3  }
0x1bf: {  	v52 =	vld [tilespmem:s20+$0x30];
	v49 =	vmul.f32 v53, v3;
	v5 =	vadd.f32 v14, v5;
	v14 =	vmul.f32 v48, v12  }
0x1c0: {  	v35 =	vmul.f32 v59, v2;
	v20 =	vld [tilespmem:s20+$0x10];
	v10 =	vadd.f32 v15, v10;
	v15 =	vmul.f32 v63, v12  }
0x1c1: {  	v9 =	vadd.f32 v14, v9;
	v14 =	vmul.f32 v17, v12;
	v53 =	vmul.f32 v24, v8;
	v24 =	vld [tilespmem:$0x1FD50]  }
0x1c2: {  	v59 =	vmul.f32 v30, v4;
	v30 =	vld [tilespmem:s20+$0x20];
	v6 =	vadd.f32 v15, v6;
	v15 =	vmul.f32 v51, v12  }
0x1c3: {  	v62 =	vld [tilespmem:s20+$0xFFFFFF40];
	v5 =	vadd.f32 v14, v5;
	v14 =	vmul.f32 v33, v4  }
0x1c4: {  	v19 =	vld [tilespmem:s20+$0x0];
	v10 =	vadd.f32 v15, v10;
	v15 =	vmul.f32 v31, v4;
	v31 =	vmul.f32 v52, v11  }
0x1c5: {  	v57 =	vmul.f32 v57, v12;
	v63 =	vld [tilespmem:s20+$0xFFFFFF50];
	[tilespmem:$0x1FD10] =	vst v14;
	v14 =	vmul.f32 v20, v11  }
0x1c6: {  	v5 =	vadd.f32 v31, v5;
	v31 =	vmul.f32 v36, v8;
	v36 =	vmul.f32 v24, v7;
	v24 =	vld [tilespmem:$0x1FD60]  }
0x1c7: {  	v28 =	vmul.f32 v58, v2;
	v55 =	vmul.f32 v46, v3;
	v9 =	vadd.f32 v14, v9;
	v14 =	vld [tilespmem:$0x1FD20]  }
0x1c8: {  	v61 =	vmul.f32 v44, v4;
	v44 =	vld [tilespmem:s20+$0xFFFFFFD0];
	v30 =	vmul.f32 v30, v11  }
0x1c9: {  	v50 =	vmul.f32 v47, v3;
	v17 =	vld [tilespmem:s20+$0x40];
	[tilespmem:$0x1FD00] =	vst v15;
	v15 =	vmul.f32 v19, v11  }
0x1ca: {  	v62 =	vmul.f32 v62, v13;
	v63 =	vmul.f32 v63, v13;
	v19 =	vld [tilespmem:s20+$0x50];
	v10 =	vadd.f32 v30, v10  }
0x1cb: {  	v30 =	vmul.f32 v40, v8;
	v6 =	vadd.f32 v15, v6;
	v58 =	vmul.f32 v24, v8;
	v24 =	vld [tilespmem:$0x1FD70]  }
0x1cc: {  	v15 =	vmul.f32 v43, v7;
	v46 =	vmul.f32 v14, v7;
	v14 =	vld [tilespmem:s20+$0xFFFFFEC0]  }
0x1cd: {  	v47 =	vld [tilespmem:s20+$0xFFFFFED0];
	v20 =	vmul.f32 v37, v7;
	v6 =	vadd.f32 v30, v6;
	v9 =	vadd.f32 v31, v9  }
0x1ce: {  	v40 =	vld [tilespmem:s20+$0xFFFFFE50];
	v33 =	vmul.f32 v42, v8;
	v42 =	vimm.f32 $0.0e+00;
	v10 =	vadd.f32 v53, v10  }
0x1cf: {  	v51 =	vmul.f32 v19, v11;
	v19 =	vadd.f32 v15, v6;
	v15 =	vld [tilespmem:s20+$0xFFFFFDD0];
	v20 =	vadd.f32 v20, v9  }
0x1d0: {  	v9 =	vld [tilespmem:s20+$0xFFFFFCC0];
	v37 =	vmul.f32 v24, v8;
	v24 =	vadd.f32 v58, v5;
	v5 =	vmul.f32 v17, v11  }
0x1d1: {  	v43 =	vimm.f32 $0.0e+00;
	v58 =	vmul.f32 v44, v12;
	v17 =	vld [tilespmem:s20+$0xFFFFFDC0];
	v44 =	vmul.f32 v14, v16  }
0x1d2: {  	v14 =	vld [tilespmem:s20+$0xFFFFFD40];
	[tilespmem:$0x1FD80] =	vst v5;
	v5 =	vadd.f32 v45, v10;
	v45 =	vmul.f32 v47, v16;
	v6 =	vadd.f32 v46, v24  }
0x1d3: {  	s23 =	simm.s32 $0x10;
	v46 =	vmul.f32 v25, v18;
	v47 =	vmul.f32 v40, v18;
	v10 =	vld [tilespmem:s20+$0xFFFFFD50];
	v40 =	vimm.f32 $0.0e+00  }
.LBB2_5:
0x1d4: {  	v19 =	vadd.f32 v56, v19;
	_ =	sdelay $0x1  }
0x1d5: {  	v19 =	vadd.f32 v54, v19  }
0x1d6: {  	v25 =	vld [tilespmem:$0x1FC30]  }
0x1d7: {  	v19 =	vadd.f32 v27, v19  }
0x1d8: {  	v5 =	vadd.f32 v60, v5  }
0x1d9: {  	v19 =	vadd.f32 v29, v19  }
0x1da: {  	v5 =	vadd.f32 v50, v5  }
0x1db: {  	v19 =	vadd.f32 v25, v19;
	v25 =	vld [tilespmem:$0x1FC50]  }
0x1dc: {  	v5 =	vadd.f32 v35, v5;
	_ =	sdelay $0x1  }
0x1dd: {  	v5 =	vadd.f32 v39, v5  }
0x1de: {  	v6 =	vadd.f32 v61, v6  }
0x1df: {  	v5 =	vadd.f32 v25, v5  }
0x1e0: {  	v24 =	vld [tilespmem:s20+$0xFFFFFCD0];
	v6 =	vadd.f32 v55, v6  }
0x1e1: {  	[tilespmem:$0x1FB40] =	vst v5;
	v5 =	vld [tilespmem:$0x1FC60]  }
0x1e2: {  	v56 =	vld [tilespmem:s20+$0xFFFFFC40];
	v20 =	vadd.f32 v59, v20;
	v6 =	vadd.f32 v38, v6  }
0x1e3: {  	v52 =	vld [tilespmem:s20+$0xFFFFFC60]  }
0x1e4: {  	v61 =	vld [tilespmem:s20+$0xFFFFFC50];
	v20 =	vadd.f32 v49, v20;
	v6 =	vadd.f32 v41, v6  }
0x1e5: {  	[tilespmem:$0x1FB20] =	vst v19;
	v19 =	vld [tilespmem:$0x1FC40]  }
0x1e6: {  	v53 =	vld [tilespmem:s20+$0xFFFFFC70];
	v20 =	vadd.f32 v28, v20;
	v5 =	vadd.f32 v5, v6  }
0x1e7: {  	v48 =	vld [tilespmem:s20+$0xFFFFFCE0]  }
0x1e8: {  	v17 =	vmul.f32 v17, v21;
	v15 =	vmul.f32 v15, v21;
	v20 =	vadd.f32 v32, v20;
	[tilespmem:$0x1FB50] =	vst v5;
	v5 =	vld [tilespmem:$0x1FC70]  }
0x1e9: {  	v14 =	vmul.f32 v14, v22;
	v55 =	vmul.f32 v56, v26;
	v56 =	vld [tilespmem:s20+$0xFFFFFCF0]  }
0x1ea: {  	v60 =	vld [tilespmem:s20+$0xFFFFFD60];
	v10 =	vmul.f32 v10, v22;
	v59 =	vmul.f32 v61, v26;
	v19 =	vadd.f32 v19, v20  }
0x1eb: {  	v9 =	vmul.f32 v9, v23;
	v61 =	vmul.f32 v52, v26;
	v32 =	vld [tilespmem:s20+$0xFFFFFD70]  }
0x1ec: {  	v24 =	vmul.f32 v24, v23;
	v20 =	vld [tilespmem:s20+$0xFFFFFDE0];
	[tilespmem:$0x1FB30] =	vst v19;
	v19 =	vmul.f32 v53, v26;
	v6 =	vadd.f32 v59, v43  }
0x1ed: {  	v27 =	vld [tilespmem:s20+$0xFFFFFDF0];
	v28 =	vadd.f32 v61, v42;
	v26 =	vmul.f32 v48, v23;
	v5 =	vadd.f32 v55, v5  }
0x1ee: {  	v29 =	vld [tilespmem:s20+$0xFFFFFE60];
	v23 =	vmul.f32 v56, v23;
	v19 =	vadd.f32 v19, v40;
	v6 =	vadd.f32 v24, v6  }
0x1ef: {  	v26 =	vadd.f32 v26, v28;
	v24 =	vld [tilespmem:s20+$0xFFFFFE70];
	v5 =	vadd.f32 v9, v5;
	v9 =	vmul.f32 v60, v22  }
0x1f0: {  	v19 =	vadd.f32 v23, v19;
	v23 =	vld [tilespmem:s20+$0xFFFFFEE0];
	v6 =	vadd.f32 v10, v6;
	v22 =	vmul.f32 v32, v22  }
0x1f1: {  	v10 =	vmul.f32 v20, v21;
	v5 =	vadd.f32 v14, v5;
	v14 =	vld [tilespmem:s20+$0xFFFFFEF0];
	v9 =	vadd.f32 v9, v26  }
0x1f2: {  	v20 =	vmul.f32 v27, v21;
	v21 =	vld [tilespmem:s20+$0xFFFFFF60];
	v6 =	vadd.f32 v15, v6;
	v19 =	vadd.f32 v22, v19  }
0x1f3: {  	s22 =	sadd.s32 $0x80, s22;
	v15 =	vmul.f32 v29, v18;
	v5 =	vadd.f32 v17, v5;
	v17 =	vld [tilespmem:s20+$0xFFFFFF70];
	v9 =	vadd.f32 v10, v9  }
0x1f4: {  	s24 =	sand.u32 $0x400, s22;
	v18 =	vmul.f32 v24, v18;
	v10 =	vadd.f32 v20, v19;
	v19 =	vld [tilespmem:s20+$0xFFFFFFE0]  }
0x1f5: {  	s25 =	sand.u32 $0x70, s23;
	s24 =	sadd.s32 s24, s18;
	v22 =	vld [tilespmem:s20+$0xFFFFFFF0];
	v20 =	vmul.f32 v23, v16;
	v9 =	vadd.f32 v15, v9  }
0x1f6: {  	s24 =	sadd.s32 s25, s24;
	v10 =	vadd.f32 v18, v10;
	v15 =	vld [tilespmem:s20+$0x60];
	v14 =	vmul.f32 v14, v16  }
0x1f7: {  	v23 =	vld [tilespmem:s24+$0x0];
	v16 =	vmul.f32 v21, v13;
	v9 =	vadd.f32 v20, v9  }
0x1f8: {  	v5 =	vadd.f32 v46, v5;
	v10 =	vadd.f32 v14, v10;
	v13 =	vmul.f32 v17, v13;
	v14 =	vld [tilespmem:s20+$0xE0]  }
0x1f9: {  	v18 =	vld [tilespmem:s20+$0x70];
	v17 =	vmul.f32 v19, v12;
	v9 =	vadd.f32 v16, v9  }
0x1fa: {  	v5 =	vadd.f32 v44, v5;
	v12 =	vmul.f32 v22, v12;
	v10 =	vadd.f32 v13, v10;
	v13 =	vld [tilespmem:s20+$0x160]  }
0x1fb: {  	v15 =	vmul.f32 v15, v11;
	v9 =	vadd.f32 v17, v9;
	v17 =	vld [tilespmem:$0x1FD80]  }
0x1fc: {  	v5 =	vadd.f32 v62, v5;
	v10 =	vadd.f32 v12, v10;
	v12 =	vld [tilespmem:s20+$0x1E0]  }
0x1fd: {  	v6 =	vadd.f32 v47, v6;
	v19 =	vld [tilespmem:s20+$0xF0];
	v14 =	vmul.f32 v14, v8;
	v9 =	vadd.f32 v15, v9  }
0x1fe: {  	v16 =	vld [tilespmem:s20+$0x170];
	v5 =	vadd.f32 v57, v5  }
0x1ff: {  	v6 =	vadd.f32 v45, v6;
	v15 =	vld [tilespmem:s20+$0x270];
	v13 =	vmul.f32 v13, v7;
	v9 =	vadd.f32 v14, v9  }
0x200: {  	v11 =	vmul.f32 v18, v11;
	v5 =	vadd.f32 v17, v5;
	v17 =	vld [tilespmem:s20+$0x1F0]  }
0x201: {  	v6 =	vadd.f32 v63, v6;
	v12 =	vmul.f32 v12, v4;
	v9 =	vadd.f32 v13, v9;
	v13 =	vld [tilespmem:$0x1FD00]  }
0x202: {  	v8 =	vmul.f32 v19, v8;
	v10 =	vadd.f32 v11, v10;
	v11 =	vld [tilespmem:s20+$0x260];
	v5 =	vadd.f32 v37, v5  }
0x203: {  	v6 =	vadd.f32 v58, v6;
	v9 =	vadd.f32 v12, v9;
	v12 =	vld [tilespmem:$0x1FCE0]  }
0x204: {  	v7 =	vmul.f32 v16, v7;
	v14 =	vld [tilespmem:s20+$0x2F0];
	v8 =	vadd.f32 v8, v10;
	v5 =	vadd.f32 v34, v5  }
0x205: {  	v6 =	vadd.f32 v51, v6;
	v10 =	vld [tilespmem:s20+$0x2E0]  }
0x206: {  	v7 =	vadd.f32 v7, v8;
	v4 =	vmul.f32 v17, v4;
	v5 =	vadd.f32 v13, v5;
	v13 =	vld [tilespmem:$0x1FD10]  }
0x207: {  	v6 =	vadd.f32 v33, v6;
	v8 =	vld [tilespmem:s20+$0x360];
	v11 =	vmul.f32 v11, v3  }
0x208: {  	v3 =	vmul.f32 v15, v3;
	v4 =	vadd.f32 v4, v7;
	v5 =	vadd.f32 v12, v5;
	v12 =	vld [tilespmem:$0x1FCF0]  }
0x209: {  	v6 =	vadd.f32 v36, v6;
	v7 =	vld [tilespmem:s20+$0x3E0]  }
0x20a: {  	v10 =	vmul.f32 v10, v2;
	v2 =	vmul.f32 v14, v2;
	v3 =	vadd.f32 v3, v4;
	v4 =	vld [tilespmem:$0x1FCC0]  }
0x20b: {  	v6 =	vadd.f32 v13, v6;
	v13 =	vld [tilespmem:s20+$0x370]  }
0x20c: {  	v2 =	vadd.f32 v2, v3;
	v3 =	vld [tilespmem:$0x1FCA0]  }
0x20d: {  	v6 =	vadd.f32 v12, v6;
	v12 =	vld [tilespmem:s20+$0x3F0];
	s20 =	sadd.s32 $0x800, s20  }
0x20e: {  	v15 =	vld [tilespmem:s20+$0x380]  }
0x20f: {  	v14 =	vld [tilespmem:s20+$0x390]  }
0x210: {  	v4 =	vadd.f32 v4, v5;
	v5 =	vld [tilespmem:$0x1FCD0]  }
0x211: {  	v17 =	vld [tilespmem:s20+$0x3A0]  }
0x212: {  	v19 =	vld [tilespmem:s20+$0x3D0]  }
0x213: {  	v20 =	vld [tilespmem:s20+$0x300]  }
0x214: {  	v24 =	vld [tilespmem:s20+$0x330]  }
0x215: {  	v25 =	vld [tilespmem:s20+$0x340]  }
0x216: {  	v30 =	vld [tilespmem:s20+$0x350]  }
0x217: {  	v31 =	vld [tilespmem:s20+$0x280]  }
0x218: {  	v33 =	vld [tilespmem:s20+$0x290]  }
0x219: {  	v34 =	vld [tilespmem:s20+$0x2A0]  }
0x21a: {  	v42 =	vld [tilespmem:s20+$0x2B0]  }
0x21b: {  	v43 =	vld [tilespmem:s20+$0x2C0]  }
0x21c: {  	v44 =	vld [tilespmem:s20+$0x2D0]  }
0x21d: {  	v45 =	vld [tilespmem:s20+$0x200]  }
0x21e: {  	v46 =	vld [tilespmem:s20+$0x210]  }
0x21f: {  	v47 =	vld [tilespmem:s20+$0x220];
	v5 =	vadd.f32 v5, v6;
	v6 =	vmul.f32 v8, v1;
	v1 =	vmul.f32 v13, v1  }
0x220: {  	v55 =	vld [tilespmem:s20+$0x230]  }
0x221: {  	v1 =	vadd.f32 v1, v2;
	v2 =	vld [tilespmem:$0x1FC80]  }
0x222: {  	v56 =	vld [tilespmem:s20+$0x240]  }
0x223: {  	v57 =	vld [tilespmem:s20+$0x250]  }
0x224: {  	v58 =	vld [tilespmem:s20+$0x180];
	v3 =	vadd.f32 v3, v4  }
0x225: {  	v59 =	vld [tilespmem:s20+$0x190]  }
0x226: {  	v4 =	vld [tilespmem:$0x1FCB0];
	v2 =	vadd.f32 v2, v3  }
0x227: {  	v60 =	vld [tilespmem:s20+$0x1A0]  }
0x228: {  	[tilespmem:$0x1FC70] =	vst v2;
	v2 =	vld [tilespmem:$0x1FC90]  }
0x229: {  	v9 =	vadd.f32 v11, v9;
	v61 =	vld [tilespmem:s20+$0x1B0]  }
0x22a: {  	v48 =	vld [tilespmem:s20+$0x1C0]  }
0x22b: {  	v49 =	vld [tilespmem:s20+$0x1D0];
	v8 =	vadd.f32 v10, v9;
	v4 =	vadd.f32 v4, v5  }
0x22c: {  	v27 =	vld [tilespmem:s20+$0x100];
	v5 =	vmul.f32 v7, v0  }
0x22d: {  	v28 =	vld [tilespmem:s20+$0x110];
	v6 =	vadd.f32 v6, v8;
	v0 =	vmul.f32 v12, v0;
	v2 =	vadd.f32 v2, v4  }
0x22e: {  	v29 =	vld [tilespmem:s20+$0x120]  }
0x22f: {  	v0 =	vadd.f32 v0, v1;
	[tilespmem:$0x1FB70] =	vst v2;
	v2 =	vadd.f32 v5, v6;
	v5 =	vld [tilespmem:s20+$0x310]  }
0x230: {  	v50 =	vld [tilespmem:s20+$0x130]  }
0x231: {  	[tilespmem:$0x1FB80] =	vst v0;
	v0 =	vbroadcast v23, $0xF;
	v6 =	vld [tilespmem:s20+$0x320]  }
0x232: {  	v51 =	vld [tilespmem:s20+$0x140];
	v1 =	vbroadcast v23, $0xE  }
0x233: {  	v36 =	vld [tilespmem:s20+$0x150];
	v15 =	vmul.f32 v15, v0  }
0x234: {  	v9 =	vld [tilespmem:s20+$0x3B0];
	v5 =	vmul.f32 v5, v1  }
0x235: {  	v37 =	vld [tilespmem:s20+$0x80];
	v14 =	vmul.f32 v14, v0;
	[tilespmem:$0x1FC30] =	vst v15  }
0x236: {  	v38 =	vld [tilespmem:s20+$0x90];
	[tilespmem:$0x1FBA0] =	vst v5;
	v5 =	vmul.f32 v6, v1  }
0x237: {  	v39 =	vld [tilespmem:s20+$0xA0];
	[tilespmem:$0x1FC40] =	vst v14  }
0x238: {  	v10 =	vld [tilespmem:s20+$0x3C0];
	[tilespmem:$0x1FB90] =	vst v5;
	v5 =	vmul.f32 v25, v1  }
0x239: {  	v40 =	vld [tilespmem:s20+$0xFFFFFE80];
	v7 =	vbroadcast v23, $0xA;
	v9 =	vmul.f32 v9, v0;
	[tilespmem:$0x1FB60] =	vst v2  }
0x23a: {  	v62 =	vld [tilespmem:s20+$0xFFFFFE90];
	v2 =	vbroadcast v23, $0xD;
	[tilespmem:$0x1FCA0] =	vst v5;
	v5 =	vmul.f32 v30, v1  }
0x23b: {  	v35 =	vld [tilespmem:s20+$0xFFFFFD90];
	v3 =	vbroadcast v23, $0xC;
	v14 =	vmul.f32 v17, v0;
	[tilespmem:$0x1FC60] =	vst v9  }
0x23c: {  	v32 =	vld [tilespmem:s20+$0xFFFFFD20];
	v8 =	vbroadcast v23, $0x9;
	[tilespmem:$0x1FCB0] =	vst v5;
	v5 =	vmul.f32 v31, v2  }
0x23d: {  	v41 =	vld [tilespmem:s20+$0xFFFFFD30];
	v54 =	vmul.f32 v45, v3;
	v9 =	vmul.f32 v10, v0;
	[tilespmem:$0x1FC50] =	vst v14  }
0x23e: {  	v45 =	vmul.f32 v37, v8;
	v37 =	vld [tilespmem:s20+$0xFFFFFCB0];
	[tilespmem:$0x1FC00] =	vst v5;
	v5 =	vmul.f32 v33, v2  }
0x23f: {  	v15 =	vld [tilespmem:s20+$0xB0];
	v10 =	vmul.f32 v29, v7;
	[tilespmem:$0x1FC80] =	vst v9  }
0x240: {  	v17 =	vld [tilespmem:s20+$0xC0];
	[tilespmem:$0x1FBD0] =	vst v5;
	v5 =	vmul.f32 v34, v2  }
0x241: {  	v29 =	vld [tilespmem:s20+$0xFFFFFD80];
	v9 =	vmul.f32 v19, v0;
	[tilespmem:$0x1FC10] =	vst v10  }
0x242: {  	v19 =	vld [tilespmem:s20+$0xD0];
	v10 =	vmul.f32 v50, v7;
	[tilespmem:$0x1FBC0] =	vst v5;
	v5 =	vmul.f32 v43, v2  }
0x243: {  	v14 =	vmul.f32 v38, v8;
	v38 =	vld [tilespmem:s20+$0xFFFFFD00];
	[tilespmem:$0x1FC90] =	vst v9;
	v9 =	vmul.f32 v20, v1  }
0x244: {  	v50 =	vmul.f32 v36, v7;
	v36 =	vld [tilespmem:s20+$0xFFFFFCA0];
	[tilespmem:$0x1FCC0] =	vst v5;
	v5 =	vmul.f32 v44, v2  }
0x245: {  	v20 =	vld [tilespmem:s20+$0x0];
	[tilespmem:$0x1FBF0] =	vst v9  }
0x246: {  	v9 =	vmul.f32 v24, v1;
	v24 =	vld [tilespmem:s20+$0x10];
	[tilespmem:$0x1FCD0] =	vst v5;
	v5 =	vmul.f32 v46, v3  }
0x247: {  	v22 =	vbroadcast v23, $0x2;
	v6 =	vmul.f32 v42, v2;
	v42 =	vld [tilespmem:s20+$0x40]  }
0x248: {  	v21 =	vbroadcast v23, $0x3;
	v25 =	vld [tilespmem:s20+$0x20];
	[tilespmem:$0x1FBB0] =	vst v5;
	v5 =	vmul.f32 v56, v3  }
0x249: {  	v4 =	vbroadcast v23, $0xB;
	v53 =	vmul.f32 v19, v8;
	v19 =	vld [tilespmem:s20+$0xFFFFFD10]  }
0x24a: {  	v26 =	vbroadcast v23, $0x0;
	v30 =	vld [tilespmem:s20+$0x30];
	[tilespmem:$0x1FCE0] =	vst v5;
	v5 =	vmul.f32 v57, v3  }
0x24b: {  	v11 =	vbroadcast v23, $0x8;
	v56 =	vmul.f32 v58, v4;
	v58 =	vld [tilespmem:s20+$0xFFFFFF10]  }
0x24c: {  	v16 =	vbroadcast v23, $0x5;
	[tilespmem:$0x1FCF0] =	vst v5;
	v5 =	vmul.f32 v48, v4;
	v48 =	vld [tilespmem:s20+$0xFFFFFC30]  }
0x24d: {  	v33 =	vld [tilespmem:s20+$0xFFFFFF80];
	v44 =	vmul.f32 v25, v11;
	v25 =	vmul.f32 v42, v11  }
0x24e: {  	v13 =	vbroadcast v23, $0x6;
	[tilespmem:$0x1FC20] =	vst v10;
	v63 =	vmul.f32 v20, v11;
	v20 =	vld [tilespmem:s20+$0xFFFFFC80]  }
0x24f: {  	v12 =	vbroadcast v23, $0x7;
	v10 =	vmul.f32 v15, v8;
	[tilespmem:$0x1FD80] =	vst v25;
	v25 =	vld [tilespmem:s20+$0xFFFFFC00]  }
0x250: {  	v31 =	vld [tilespmem:s20+$0x50];
	v46 =	vmul.f32 v39, v8;
	v39 =	vmul.f32 v58, v13  }
0x251: {  	v58 =	vmul.f32 v62, v16;
	v62 =	vmul.f32 v48, v26;
	v48 =	vld [tilespmem:$0x1FB20]  }
0x252: {  	v15 =	vmul.f32 v30, v11;
	v30 =	vmul.f32 v33, v12;
	v33 =	vld [tilespmem:s20+$0xFFFFFC10]  }
0x253: {  	v18 =	vbroadcast v23, $0x4;
	v52 =	vmul.f32 v17, v8;
	v34 =	vld [tilespmem:s20+$0xFFFFFF90]  }
0x254: {  	v23 =	vbroadcast v23, $0x1;
	v57 =	vld [tilespmem:s20+$0xFFFFFF00];
	v25 =	vmul.f32 v25, v26  }
0x255: {  	v17 =	vmul.f32 v24, v11;
	v24 =	vld [tilespmem:s20+$0xFFFFFC90];
	[tilespmem:$0x1FD00] =	vst v5;
	v5 =	vmul.f32 v49, v4  }
0x256: {  	v38 =	vmul.f32 v38, v22;
	v20 =	vmul.f32 v20, v23;
	v25 =	vadd.f32 v25, v48;
	v48 =	vld [tilespmem:$0x1FB30]  }
0x257: {  	v33 =	vmul.f32 v33, v26;
	[tilespmem:$0x1FD10] =	vst v5;
	v5 =	vmul.f32 v27, v7;
	v27 =	vld [tilespmem:s20+$0xFFFFFE00]  }
0x258: {  	v43 =	vld [tilespmem:s20+$0xFFFFFDB0];
	v49 =	vmul.f32 v51, v7;
	v51 =	vmul.f32 v31, v11  }
0x259: {  	v31 =	vmul.f32 v34, v12;
	v34 =	vmul.f32 v57, v13;
	v57 =	vld [tilespmem:s20+$0xFFFFFC20];
	v20 =	vadd.f32 v20, v25  }
0x25a: {  	v29 =	vmul.f32 v29, v21;
	v19 =	vmul.f32 v19, v22;
	v42 =	vld [tilespmem:s20+$0xFFFFFDA0]  }
0x25b: {  	v24 =	vmul.f32 v24, v23;
	v20 =	vadd.f32 v38, v20;
	v33 =	vadd.f32 v33, v48;
	v48 =	vld [tilespmem:$0x1FB40]  }
0x25c: {  	[tilespmem:$0x1FBE0] =	vst v5;
	v5 =	vmul.f32 v28, v7;
	v28 =	vld [tilespmem:s20+$0xFFFFFE10];
	v27 =	vmul.f32 v27, v18  }
0x25d: {  	v25 =	vmul.f32 v32, v22;
	v32 =	vld [tilespmem:s20+$0xFFFFFE30];
	v20 =	vadd.f32 v29, v20;
	v24 =	vadd.f32 v24, v33  }
0x25e: {  	v40 =	vmul.f32 v40, v16;
	v57 =	vmul.f32 v57, v26;
	v38 =	vld [tilespmem:s20+$0xFFFFFEB0]  }
0x25f: {  	v20 =	vadd.f32 v27, v20;
	v19 =	vadd.f32 v19, v24;
	v24 =	vmul.f32 v42, v21;
	v42 =	vld [tilespmem:$0x1FB60]  }
0x260: {  	v35 =	vmul.f32 v35, v21;
	v57 =	vadd.f32 v57, v48;
	v48 =	vld [tilespmem:$0x1FB50]  }
0x261: {  	v20 =	vadd.f32 v40, v20;
	v40 =	vld [tilespmem:$0x1FB80]  }
0x262: {  	v28 =	vmul.f32 v28, v18;
	v19 =	vadd.f32 v35, v19;
	v35 =	vld [tilespmem:s20+$0xFFFFFF30]  }
0x263: {  	v20 =	vadd.f32 v34, v20;
	v34 =	vld [tilespmem:s20+$0xFFFFFF50]  }
0x264: {  	v36 =	vmul.f32 v36, v23;
	v19 =	vadd.f32 v28, v19;
	v28 =	vld [tilespmem:s20+$0xFFFFFFB0]  }
0x265: {  	v37 =	vmul.f32 v37, v23;
	v20 =	vadd.f32 v30, v20;
	v30 =	vld [tilespmem:s20+$0xFFFFFE40];
	v62 =	vadd.f32 v62, v48  }
0x266: {  	v48 =	vld [tilespmem:s20+$0xFFFFFE20];
	v19 =	vadd.f32 v58, v19  }
0x267: {  	v33 =	vadd.f32 v36, v57;
	v57 =	vadd.f32 v37, v62;
	v62 =	vmul.f32 v41, v22;
	v41 =	vld [tilespmem:s20+$0xFFFFFEA0]  }
0x268: {  	v19 =	vadd.f32 v39, v19;
	v39 =	vld [tilespmem:$0x1FB90]  }
0x269: {  	v20 =	vadd.f32 v63, v20;
	v63 =	vmul.f32 v34, v13;
	v34 =	vmov v49;
	v49 =	vld [tilespmem:$0x1FBB0]  }
0x26a: {  	v25 =	vadd.f32 v25, v33;
	v33 =	vadd.f32 v62, v57;
	v57 =	vmul.f32 v43, v21;
	v43 =	vld [tilespmem:$0x1FB70]  }
0x26b: {  	v62 =	vld [tilespmem:s20+$0xFFFFFF20]  }
0x26c: {  	v19 =	vadd.f32 v31, v19;
	v29 =	vmul.f32 v48, v18;
	v48 =	vld [tilespmem:s20+$0xFFFFFFA0]  }
0x26d: {  	v32 =	vmul.f32 v32, v18;
	v24 =	vadd.f32 v24, v25;
	v25 =	vadd.f32 v57, v33;
	v57 =	vld [tilespmem:s20+$0xFFFFFFC0]  }
0x26e: {  	v19 =	vadd.f32 v17, v19;
	v17 =	vld [tilespmem:s20+$0xFFFFFDC0]  }
0x26f: {  	v27 =	vmul.f32 v41, v16;
	v24 =	vadd.f32 v29, v24;
	v25 =	vadd.f32 v32, v25;
	v32 =	vld [tilespmem:$0x1FBA0]  }
0x270: {  	v29 =	vmul.f32 v38, v16;
	v38 =	vmov v6;
	v6 =	vmul.f32 v62, v13;
	v62 =	vld [tilespmem:s20+$0xFFFFFFD0]  }
0x271: {  	v24 =	vadd.f32 v27, v24;
	v27 =	vmul.f32 v35, v13;
	v35 =	vld [tilespmem:s20+$0xFFFFFEC0]  }
0x272: {  	v25 =	vadd.f32 v29, v25;
	v29 =	vld [tilespmem:s20+$0xFFFFFF40]  }
0x273: {  	v41 =	vmov v9;
	v9 =	vmul.f32 v48, v12;
	v24 =	vadd.f32 v6, v24;
	v6 =	vld [tilespmem:$0x1FBE0]  }
0x274: {  	v25 =	vadd.f32 v27, v25;
	v27 =	vmul.f32 v28, v12;
	v28 =	vld [tilespmem:s20+$0xFFFFFED0]  }
0x275: {  	v24 =	vadd.f32 v9, v24;
	v9 =	vld [tilespmem:s20+$0xFFFFFCC0]  }
0x276: {  	v25 =	vadd.f32 v27, v25;
	v27 =	vld [tilespmem:s20+$0xFFFFFE50]  }
0x277: {  	v20 =	vadd.f32 v45, v20;
	v24 =	vadd.f32 v44, v24;
	v44 =	vmul.f32 v35, v16;
	v35 =	vld [tilespmem:$0x1FBC0]  }
0x278: {  	v58 =	vmul.f32 v62, v12;
	v62 =	vmul.f32 v29, v13;
	v29 =	vadd.f32 v14, v19;
	v14 =	vld [tilespmem:s20+$0xFFFFFD40]  }
0x279: {  	v19 =	vadd.f32 v6, v20;
	v6 =	vld [tilespmem:$0x1FC20]  }
0x27a: {  	p1 =	sne.s32 s23, $0xF0;
	v47 =	vmul.f32 v47, v3;
	v20 =	vadd.f32 v5, v29;
	v5 =	vld [tilespmem:$0x1FC10]  }
.Ltmp3:
0x27b: {  	v55 =	vmul.f32 v55, v3;
	v59 =	vmul.f32 v59, v4;
	v25 =	vadd.f32 v15, v25;
	v15 =	vld [tilespmem:s20+$0xFFFFFDD0];
	(pc) =	sbr.rel @p1 .LBB2_5-.Ltmp3, $4  }
0x27c: {  	v60 =	vmul.f32 v60, v4;
	v45 =	vmul.f32 v28, v16;
	v28 =	vld [tilespmem:$0x1FBD0]  }
0x27d: {  	v61 =	vmul.f32 v61, v4;
	v24 =	vadd.f32 v46, v24;
	v29 =	vld [tilespmem:$0x1FBF0];
	v25 =	vadd.f32 v10, v25  }
0x27e: {  	v36 =	vmovc v50;
	v50 =	vmovc v47;
	v37 =	vmov v52;
	v57 =	vmul.f32 v57, v12;
	v46 =	vmul.f32 v30, v18;
	v10 =	vld [tilespmem:s20+$0xFFFFFD50]  }
0x27f: {  	s23 =	sadd.s32 $0x10, s23;
	v33 =	vmovc v53;
	v47 =	vmul.f32 v27, v18;
	v27 =	vld [tilespmem:$0x1FC00];
	v6 =	vadd.f32 v6, v25;
	v5 =	vadd.f32 v5, v24  }
0x280: {  	v24 =	vld [tilespmem:s20+$0xFFFFFCD0]  }
0x281: {  	v25 =	vld [tilespmem:s20+$0xFFFFFC40]  }
0x282: {  	v19 =	vadd.f32 v56, v19;
	v56 =	vld [tilespmem:s20+$0xFFFFFC60]  }
0x283: {  	v20 =	vadd.f32 v59, v20;
	v59 =	vld [tilespmem:s20+$0xFFFFFC70]  }
0x284: {  	v30 =	vld [tilespmem:s20+$0xFFFFFCE0]  }
0x285: {  	v48 =	vld [tilespmem:$0x1FC60]  }
0x286: {  	v52 =	vld [tilespmem:s20+$0xFFFFFD60]  }
0x287: {  	v53 =	vld [tilespmem:s20+$0xFFFFFD70]  }
0x288: {  	v5 =	vadd.f32 v60, v5;
	v6 =	vadd.f32 v61, v6;
	v60 =	vld [tilespmem:$0x1FC30]  }
0x289: {  	v61 =	vld [tilespmem:s20+$0xFFFFFCF0]  }
0x28a: {  	v5 =	vadd.f32 v50, v5;
	v6 =	vadd.f32 v55, v6;
	v55 =	vld [tilespmem:s20+$0xFFFFFC50]  }
0x28b: {  	v50 =	vld [tilespmem:$0x1FC70]  }
0x28c: {  	v20 =	vadd.f32 v49, v20;
	v5 =	vadd.f32 v35, v5;
	v35 =	vld [tilespmem:$0x1FC40]  }
0x28d: {  	v19 =	vadd.f32 v54, v19;
	v6 =	vadd.f32 v38, v6;
	v49 =	vmul.f32 v59, v26;
	v59 =	vld [tilespmem:s20+$0xFFFFFDF0]  }
0x28e: {  	v20 =	vadd.f32 v28, v20;
	v28 =	vmul.f32 v56, v26;
	v54 =	vmul.f32 v61, v23;
	v61 =	vld [tilespmem:s20+$0xFFFFFE60]  }
0x28f: {  	v19 =	vadd.f32 v27, v19;
	v31 =	vadd.f32 v41, v6;
	v41 =	vld [tilespmem:$0x1FC50]  }
0x290: {  	v30 =	vmul.f32 v30, v23;
	v28 =	vadd.f32 v28, v42;
	v42 =	vld [tilespmem:s20+$0xFFFFFEF0]  }
0x291: {  	v19 =	vadd.f32 v29, v19;
	v5 =	vadd.f32 v39, v5;
	v39 =	vmul.f32 v55, v26;
	v55 =	vld [tilespmem:s20+$0xFFFFFDE0]  }
0x292: {  	v38 =	vmul.f32 v25, v26;
	v20 =	vadd.f32 v32, v20;
	v26 =	vadd.f32 v49, v40;
	v40 =	vld [tilespmem:s20+$0xFFFFFEE0]  }
0x293: {  	v19 =	vadd.f32 v60, v19;
	v60 =	vadd.f32 v30, v28;
	v28 =	vld [tilespmem:s20+$0x170]  }
0x294: {  	v30 =	vld [tilespmem:s20+$0x1E0]  }
0x295: {  	v6 =	vadd.f32 v35, v20;
	v20 =	vadd.f32 v38, v50;
	v38 =	vld [tilespmem:s20+$0xFFFFFE70]  }
0x296: {  	v35 =	vmul.f32 v52, v22;
	v52 =	vld [tilespmem:s20+$0xFFFFFF70]  }
0x297: {  	v25 =	vadd.f32 v39, v43;
	v39 =	vmul.f32 v53, v22;
	v53 =	vld [tilespmem:s20+$0xFFFFFFE0]  }
0x298: {  	v9 =	vmul.f32 v9, v23;
	v43 =	vmul.f32 v59, v21;
	v59 =	vld [tilespmem:s20+$0x60]  }
0x299: {  	v24 =	vmul.f32 v24, v23;
	v23 =	vadd.f32 v54, v26;
	v26 =	vld [tilespmem:$0x1FD80];
	v27 =	vadd.f32 v41, v5  }
0x29a: {  	v14 =	vmul.f32 v14, v22;
	v5 =	vadd.f32 v48, v31;
	v9 =	vadd.f32 v9, v20;
	v48 =	vld [tilespmem:s20+$0xFFFFFF60]  }
0x29b: {  	v10 =	vmul.f32 v10, v22;
	v56 =	vadd.f32 v24, v25;
	v25 =	vadd.f32 v35, v60;
	v60 =	vld [tilespmem:s20+$0x70]  }
0x29c: {  	v17 =	vmul.f32 v17, v21;
	v31 =	vld [tilespmem:s20+$0x1F0];
	v9 =	vadd.f32 v14, v9  }
0x29d: {  	v15 =	vmul.f32 v15, v21;
	v35 =	vld [tilespmem:s20+$0x260];
	v10 =	vadd.f32 v10, v56  }
0x29e: {  	v22 =	vadd.f32 v39, v23;
	v39 =	vld [tilespmem:s20+$0x2E0];
	v41 =	vmul.f32 v55, v21;
	v9 =	vadd.f32 v17, v9  }
0x29f: {  	v50 =	vmul.f32 v61, v18;
	v55 =	vld [tilespmem:s20+$0xFFFFFFF0];
	v10 =	vadd.f32 v15, v10  }
0x2a0: {  	v20 =	vmul.f32 v40, v16;
	v40 =	vld [tilespmem:$0x1FD00];
	v49 =	vadd.f32 v41, v25;
	v9 =	vadd.f32 v46, v9  }
0x2a1: {  	v21 =	vadd.f32 v43, v22;
	v43 =	vld [tilespmem:$0x1FD10];
	v14 =	vmul.f32 v38, v18;
	v10 =	vadd.f32 v47, v10  }
0x2a2: {  	v56 =	vmul.f32 v42, v16;
	v25 =	vld [tilespmem:s20+$0x160];
	v54 =	vadd.f32 v50, v49;
	v9 =	vadd.f32 v44, v9  }
0x2a3: {  	v18 =	vmul.f32 v53, v12;
	v41 =	vld [tilespmem:s20+$0x2F0];
	v14 =	vadd.f32 v14, v21;
	v10 =	vadd.f32 v45, v10  }
0x2a4: {  	v53 =	vld [tilespmem:$0x1FCD0];
	v15 =	vmul.f32 v48, v13;
	v20 =	vadd.f32 v20, v54;
	v9 =	vadd.f32 v62, v9  }
0x2a5: {  	v61 =	vmul.f32 v52, v13;
	v14 =	vadd.f32 v56, v14;
	v10 =	vadd.f32 v63, v10;
	v62 =	vld [tilespmem:s20+$0xE0]  }
0x2a6: {  	v17 =	vmul.f32 v59, v11;
	v15 =	vadd.f32 v15, v20;
	v63 =	vld [tilespmem:s20+$0xF0];
	v9 =	vadd.f32 v57, v9  }
0x2a7: {  	v59 =	vld [tilespmem:$0x1FC80];
	v24 =	vmul.f32 v55, v12;
	v13 =	vadd.f32 v61, v14;
	v10 =	vadd.f32 v58, v10  }
0x2a8: {  	v48 =	vld [tilespmem:$0x1FCF0];
	v15 =	vadd.f32 v18, v15;
	v9 =	vadd.f32 v26, v9  }
0x2a9: {  	v29 =	vmul.f32 v60, v11;
	v49 =	vld [tilespmem:s20+$0x3E0];
	v12 =	vadd.f32 v24, v13;
	v10 =	vadd.f32 v51, v10  }
0x2aa: {  	v50 =	vld [tilespmem:$0x1FCC0];
	v15 =	vadd.f32 v17, v15;
	v16 =	vmul.f32 v62, v8;
	v9 =	vadd.f32 v37, v9  }
0x2ab: {  	v45 =	vld [tilespmem:$0x1FCE0];
	v11 =	vadd.f32 v29, v12;
	v32 =	vmul.f32 v63, v8;
	v10 =	vadd.f32 v33, v10  }
0x2ac: {  	v14 =	vmul.f32 v25, v7;
	v37 =	vld [tilespmem:s20+$0x270];
	v15 =	vadd.f32 v16, v15;
	v9 =	vadd.f32 v34, v9  }
0x2ad: {  	v38 =	vmul.f32 v28, v7;
	v46 =	vld [tilespmem:s20+$0x370];
	v8 =	vadd.f32 v32, v11;
	v10 =	vadd.f32 v36, v10  }
0x2ae: {  	v55 =	vld [tilespmem:$0x1FCA0];
	v13 =	vmul.f32 v30, v4;
	v14 =	vadd.f32 v14, v15;
	v9 =	vadd.f32 v40, v9  }
0x2af: {  	v42 =	vmul.f32 v31, v4;
	v44 =	vld [tilespmem:s20+$0x360];
	v7 =	vadd.f32 v38, v8;
	v8 =	vadd.f32 v43, v10  }
0x2b0: {  	v57 =	vld [tilespmem:$0x1FCB0];
	v12 =	vmul.f32 v35, v3;
	v13 =	vadd.f32 v13, v14;
	v9 =	vadd.f32 v45, v9  }
0x2b1: {  	v51 =	vld [tilespmem:s20+$0x3F0];
	v4 =	vadd.f32 v42, v7;
	v47 =	vmul.f32 v37, v3;
	v7 =	vadd.f32 v48, v8  }
0x2b2: {  	v62 =	vld [tilespmem:$0x1FC90];
	v11 =	vmul.f32 v39, v2;
	v12 =	vadd.f32 v12, v13;
	v9 =	vadd.f32 v50, v9  }
0x2b3: {  	s18 =	sand.u32 $0x3FFFFF80, s21;
	v52 =	vmul.f32 v41, v2;
	v3 =	vadd.f32 v47, v4;
	v4 =	vadd.f32 v53, v7  }
0x2b4: {  	[tilespmem:s18+$0x11000] =	vst v19;
	v10 =	vmul.f32 v44, v1;
	v54 =	vadd.f32 v11, v12;
	v9 =	vadd.f32 v55, v9  }
0x2b5: {  	v56 =	vmul.f32 v46, v1;
	[tilespmem:s18+$0x11010] =	vst v6;
	v2 =	vadd.f32 v52, v3;
	v3 =	vadd.f32 v57, v4  }
0x2b6: {  	v60 =	vmul.f32 v49, v0;
	[tilespmem:s18+$0x11020] =	vst v27;
	v58 =	vadd.f32 v10, v54;
	v6 =	vadd.f32 v59, v9  }
.Ltmp4:
0x2b7: {  	[tilespmem:s18+$0x11030] =	vst v5;
	v61 =	vmul.f32 v51, v0;
	v1 =	vadd.f32 v56, v2;
	v2 =	vadd.f32 v62, v3;
	(pc) =	sbr.rel @p0 .LBB2_8-.Ltmp4, $4  }
0x2b8: {  	v63 =	vadd.f32 v60, v58;
	[tilespmem:s18+$0x11040] =	vst v6  }
0x2b9: {  	v0 =	vadd.f32 v61, v1;
	[tilespmem:s18+$0x11050] =	vst v2  }
0x2ba: {  	[tilespmem:s18+$0x11060] =	vst v63  }
0x2bb: {  	[tilespmem:s18+$0x11070] =	vst v0  }
.Ltmp5:
0x2bc: {  	(pc) =	sbr.rel .LBB2_2-.Ltmp5, $4  }
0x2bd: {  	s18 =	sadd.s32 s3, s19  }
0x2be: {  	s18 =	sshll.u32 s18, $0xC  }
0x2bf: {  	s17 =	sadd.s32 $0x1, s17;
	s18 =	sadd.s32 s18, s7  }
0x2c0: {  	[tilespmem:s12], [sflag:$0x2] =	stream.linear.gather [hbm4b:s18+s2], $0x8000, $0x38;
	[tilespmem:$0x11800] =	vst v63  }
.LBB2_9:
0x2c1: {  	_ =	sfence.sel $0x180000  }
0x2c2: {  	[bflag:$0x0] =	sbarrier.arrive $0xFFFF  }
0x2c3: {  	p0 =	sne.s32 s1, $0x0;
	_ =	strace $0x90000047  }
0x2c4: {  	s0 =	sadd.s32 @!p0 $0x100000, s0;
	[bflag:$0x2] =	sbarrier.arrive $0xFFFF  }
0x2c5: {  	[sflag:s0] =	ssyncadd.tile.s32 @!p0 $0x1;
	_ =	shalt  }
.Lfunc_end2:
_tile_overlayer_lowered:
.L_overlay_start_2:
0x2c6: {  	(tag) =	ssettag $0x2  }
0x2c7: {  	s0 =	rddreg [dreg:$0x0];
	s2 =	stileid.u32  }
0x2c8: {  	s1 =	rddreg [dreg:$0x1];
	p0 =	sne.s32 s2, $0x0  }
0x2c9: {  	s3 =	rddreg [dreg:$0x2];
	[bflag:$0x3] =	sbarrier.arrive $0xFFFF;
	s2 =	simm.s32 @!p0 $0x1C03  }
0x2ca: {  	[timem:s3], [sflag:s2] =	dma.local @!p0 [hbm:s0], s1  }
0x2cb: {  	s0 =	simm.s32 @!p0 $0x3  }
0x2cc: {  	_ =	swait.ge @!p0 [sflag:s0], s1  }
0x2cd: {  	s1 =	ssub.s32 @!p0 $0x0, s1;
	[sflag:s0] =	ssyncset.done @!p0 $0x0  }
0x2ce: {  	[sflag:s0] =	ssyncadd.s32 @!p0 s1  }
0x2cf: {  	[bflag:$0x3] =	sbarrier.arrive $0xFFFF  }
0x2d0: {  	_ =	shalt  }

</sc_bundles>
